<compile_context>
chip_gen: v7x
topology: tpu7x:2x2x1
jax: 0.10.2.dev20260603
libtpu: 0.0.44.dev20260713+nightly
codegen_flags: <defaults>
</compile_context>

<pallas_src>
import functools

import jax
import jax.numpy as jnp
from jax import lax
from jax.experimental import pallas as pl
from jax.experimental.pallas import tpu as pltpu
from jax.experimental.pallas import tpu_sc as plsc

RADIUS = 1.3
COARSE = 32
FINE = 4
SH_DIM = 9
NUM_ATOMS = 8
DATA_DIM = SH_DIM * 3 + 1
N_INTERS = COARSE * 3 * 2 * FINE
NSTEP = N_INTERS - 1
COARSE_VOX = RADIUS * 2.0 / COARSE
FINE_VOX = COARSE_VOX / FINE
STEP = FINE_VOX / 2.0
BATCH = 64
NPAD = BATCH * N_INTERS

NW = 32
ROWS_PER_W = NPAD // NW
CHUNK = 128
NCHUNK = ROWS_PER_W // CHUNK
PACK = 16
DPAD = PACK * NUM_ATOMS


def _prep_body(o_ref, d_ref, cflat_ref, fwc_ref):
    o = o_ref[...]
    d = d_ref[...]
    mins = jnp.minimum((RADIUS - o) / d, (-RADIUS - o) / d)
    start = jnp.max(mins, axis=1, keepdims=True)
    s_i = lax.broadcasted_iota(jnp.int32, (BATCH, N_INTERS), 1)
    t = start + s_i.astype(jnp.float32) * STEP

    eps = 1e-6
    inside = s_i < NSTEP
    ccis = []
    chans = []
    for k in range(3):
        pw = o[:, k:k + 1] + t * d[:, k:k + 1]
        inside = inside & (pw > -RADIUS) & (pw < RADIUS)
        p = jnp.clip((pw + RADIUS) / (RADIUS * 2.0), 0.0, 1.0 - eps)
        pc = p * COARSE
        cc = jnp.floor(pc)
        cci = jnp.clip(cc.astype(jnp.int32), 0, COARSE - 1)
        ccis.append(cci)
        local = pc - cc
        f = local * FINE - 0.5
        f0 = jnp.floor(f)
        chans.append((f0, f - f0))
    cflat = (ccis[0] * COARSE + ccis[1]) * COARSE + ccis[2]
    cflat_ref[...] = cflat // PACK
    sel = (cflat % PACK).astype(jnp.float32)
    mf = inside.astype(jnp.float32)
    fwc_ref[...] = jnp.concatenate(
        [chans[0][0][None], chans[1][0][None], chans[2][0][None],
         chans[0][1][None], chans[1][1][None], chans[2][1][None],
         mf[None], sel[None]], axis=0)


def _main_body(coeff_ref, fw_ref, atoms_ref, d_ref, out_ref):
    r = pl.program_id(0)
    f0x = fw_ref[:, 0:1]
    f0y = fw_ref[:, 1:2]
    f0z = fw_ref[:, 2:3]
    wx = fw_ref[:, 3:4]
    wy = fw_ref[:, 4:5]
    wz = fw_ref[:, 5:6]
    mf = fw_ref[:, 6:7]
    sel = fw_ref[:, 7:8].astype(jnp.int32)
    i0x = jnp.clip(f0x.astype(jnp.int32), 0, FINE - 1)
    i1x = jnp.clip(f0x.astype(jnp.int32) + 1, 0, FINE - 1)
    i0y = jnp.clip(f0y.astype(jnp.int32), 0, FINE - 1)
    i1y = jnp.clip(f0y.astype(jnp.int32) + 1, 0, FINE - 1)
    i0z = jnp.clip(f0z.astype(jnp.int32), 0, FINE - 1)
    i1z = jnp.clip(f0z.astype(jnp.int32) + 1, 0, FINE - 1)

    lane = lax.broadcasted_iota(jnp.int32, (N_INTERS, FINE ** 3), 1)
    oh = jnp.zeros((N_INTERS, FINE ** 3), jnp.float32)
    for ix, wwx in ((i0x, 1.0 - wx), (i1x, wx)):
        for iy, wwy in ((i0y, 1.0 - wy), (i1y, wy)):
            for iz, wwz in ((i0z, 1.0 - wz), (i1z, wz)):
                idx = (ix * FINE + iy) * FINE + iz
                oh = oh + jnp.where(lane == idx, wwx * wwy * wwz, 0.0)

    coeff8 = jnp.zeros((N_INTERS, NUM_ATOMS), jnp.float32)
    for v in range(PACK):
        coeff8 = coeff8 + jnp.where(
            sel == v, coeff_ref[:, NUM_ATOMS * v:NUM_ATOMS * (v + 1)], 0.0)

    g = jnp.dot(oh, atoms_ref[...], preferred_element_type=jnp.float32)
    data = jnp.zeros((N_INTERS, 32), jnp.float32)
    for a in range(NUM_ATOMS):
        data = data + coeff8[:, a:a + 1] * g[:, 32 * a:32 * (a + 1)]

    sigma = jnp.maximum(data[:, 27:28], 0.0) * mf

    dx, dy, dz = d_ref[r, 0], d_ref[r, 1], d_ref[r, 2]
    sh = (0.28209479177387814,
          -0.4886025119029199 * dy,
          0.4886025119029199 * dz,
          -0.4886025119029199 * dx,
          1.0925484305920792 * dx * dy,
          -1.0925484305920792 * dy * dz,
          0.31539156525252005 * (2.0 * dz * dz - dx * dx - dy * dy),
          -1.0925484305920792 * dx * dz,
          0.5462742152960396 * (dx * dx - dy * dy))
    rgbs = []
    for k in range(3):
        acc = data[:, 9 * k:9 * k + 1] * sh[0]
        for j in range(1, SH_DIM):
            acc = acc + data[:, 9 * k + j:9 * k + j + 1] * sh[j]
        rgbs.append(acc * mf)
    out_ref[...] = jnp.concatenate([rgbs[0], rgbs[1], rgbs[2], sigma], axis=1)


def _comp_body(o_ref, d_ref, sig_ref, r_ref, g_ref, b_ref,
               rgb_out_ref, alpha_ref, depth_ref):
    o = o_ref[...]
    d = d_ref[...]
    mins = jnp.minimum((RADIUS - o) / d, (-RADIUS - o) / d)
    start = jnp.max(mins, axis=1, keepdims=True)
    normd = jnp.sqrt(jnp.sum(d * d, axis=1, keepdims=True))
    dists = STEP * normd
    s_i = lax.broadcasted_iota(jnp.int32, (BATCH, N_INTERS), 1).astype(jnp.float32)
    t = start + s_i * STEP

    sig = sig_ref[...]
    ea = jnp.exp(-sig * dists)
    alpha = 1.0 - ea
    logt = jnp.log(ea + 1e-10)
    li = lax.broadcasted_iota(jnp.int32, (N_INTERS, N_INTERS), 0)
    lj = lax.broadcasted_iota(jnp.int32, (N_INTERS, N_INTERS), 1)
    lt = (li < lj).astype(jnp.float32)
    cums = jnp.dot(logt, lt, preferred_element_type=jnp.float32)
    trans = jnp.exp(cums)
    w = alpha * trans

    accw = jnp.sum(w, axis=1, keepdims=True)
    bg = 1.0 - accw
    chans = []
    for ch in (r_ref, g_ref, b_ref):
        sr = 1.0 / (1.0 + jnp.exp(-ch[...]))
        chans.append(jnp.sum(w * sr, axis=1, keepdims=True) + bg)
    rgb_out_ref[...] = jnp.concatenate(chans, axis=1)
    alpha_ref[...] = alpha
    depth_ref[...] = jnp.sum(w * t, axis=1, keepdims=True)


def _sc_gather(table, idx3):
    mesh = plsc.VectorSubcoreMesh(core_axis_name="c", subcore_axis_name="s")
    RING = 6
    NROWS = COARSE ** 3 // PACK
    STAGE = NROWS // 16

    @functools.partial(
        pl.kernel, mesh=mesh,
        out_type=jax.ShapeDtypeStruct((NW, NCHUNK, CHUNK, DPAD), jnp.float32),
        scratch_types=[
            pltpu.VMEM_SHARED((NROWS, DPAD), jnp.float32),
            pltpu.VMEM((NCHUNK, CHUNK), jnp.int32),
            pltpu.VMEM((RING, CHUNK, DPAD), jnp.float32),
        ] + [pltpu.SemaphoreType.DMA] * (2 * RING),
    )
    def k(table_hbm, idx_hbm, out_hbm, table_s, idx_v, rows_v, *sems):
        gsems = sems[:RING]
        osems = sems[RING:]
        sid = lax.axis_index("s")
        wid = sid * 2 + lax.axis_index("c")
        pltpu.sync_copy(table_hbm.at[pl.ds(sid * STAGE, STAGE)],
                        table_s.at[pl.ds(sid * STAGE, STAGE)])
        pltpu.sync_copy(idx_hbm.at[wid], idx_v)
        plsc.subcore_barrier()
        gh = [None] * NCHUNK
        oh = [None] * NCHUNK
        for j in range(RING):
            gh[j] = pltpu.async_copy(
                table_s.at[idx_v.at[j]], rows_v.at[j], gsems[j])
        for j in range(NCHUNK):
            b = j % RING
            gh[j].wait()
            oh[j] = pltpu.async_copy(
                rows_v.at[b], out_hbm.at[wid].at[j], osems[b])
            if j + RING < NCHUNK:
                oh[j].wait()
                gh[j + RING] = pltpu.async_copy(
                    table_s.at[idx_v.at[j + RING]], rows_v.at[b], gsems[b])
        for j in range(NCHUNK - RING, NCHUNK):
            oh[j].wait()

    return k(table, idx3)


def kernel(rays_o, rays_d, grids, atoms, grid_id):
    grid = jnp.take(grids, grid_id, axis=0)
    gridp = grid.reshape(COARSE ** 3 // PACK, DPAD)
    atoms_rs = jnp.pad(atoms, ((0, 0), (0, 0), (0, 32 - DATA_DIM)))
    atoms_rs = atoms_rs.reshape(FINE ** 3, NUM_ATOMS * 32)

    cflat, fwc = pl.pallas_call(
        _prep_body,
        out_shape=[jax.ShapeDtypeStruct((BATCH, N_INTERS), jnp.int32),
                   jax.ShapeDtypeStruct((8, BATCH, N_INTERS), jnp.float32)],
    )(rays_o, rays_d)

    coeff = _sc_gather(gridp, cflat.reshape(NW, NCHUNK, CHUNK))
    coeff = coeff.reshape(NPAD, DPAD)
    fw = fwc.reshape(8, NPAD).T

    out4 = pl.pallas_call(
        _main_body,
        grid=(BATCH,),
        in_specs=[pl.BlockSpec((N_INTERS, DPAD), lambda r: (r, 0)),
                  pl.BlockSpec((N_INTERS, 8), lambda r: (r, 0)),
                  pl.BlockSpec((FINE ** 3, NUM_ATOMS * 32), lambda r: (0, 0)),
                  pl.BlockSpec(memory_space=pltpu.SMEM)],
        out_specs=[pl.BlockSpec((N_INTERS, 4), lambda r: (r, 0))],
        out_shape=[jax.ShapeDtypeStruct((NPAD, 4), jnp.float32)],
    )(coeff, fw, atoms_rs, rays_d)[0]

    out4 = out4.reshape(BATCH, N_INTERS, 4)
    rr = out4[:, :, 0]
    gg = out4[:, :, 1]
    bb = out4[:, :, 2]
    sig = out4[:, :, 3]

    rgb_out, alpha, depth = pl.pallas_call(
        _comp_body,
        out_shape=[jax.ShapeDtypeStruct((BATCH, 3), jnp.float32),
                   jax.ShapeDtypeStruct((BATCH, N_INTERS), jnp.float32),
                   jax.ShapeDtypeStruct((BATCH, 1), jnp.float32)],
    )(rays_o, rays_d, sig, rr, gg, bb)

    return rgb_out, alpha[:, :NSTEP], depth.reshape(BATCH)

# --- scband reference (transcript-rebuilt; emitter-appended) ---
"""Pipeline reference for scband-dict-plenoxels-53781580481032 (READ-ONLY COPY).

The authoritative reference and input builder live on the scoring server;
editing this copy changes nothing except your own understanding.
"""

import jax, jax.numpy as jnp
import numpy as np

RADIUS = 1.3
COARSE = 32
FINE = 4
SH_DEG = 2
SH_DIM = (SH_DEG + 1) ** 2
DATA_DIM = SH_DIM * 3 + 1
NUM_ATOMS = 8
NUM_SCENES = 2
N_INTERS = COARSE * 3 * 2 * FINE
COARSE_VOX = RADIUS * 2.0 / COARSE
FINE_VOX = COARSE_VOX / FINE
STEP = FINE_VOX / 2.0
BATCH = 64


def sh_basis(d):
    x, y, z = d[..., 0], d[..., 1], d[..., 2]
    return jnp.stack([
        0.28209479177387814 * jnp.ones_like(x),
        -0.4886025119029199 * y,
        0.4886025119029199 * z,
        -0.4886025119029199 * x,
        1.0925484305920792 * x * y,
        -1.0925484305920792 * y * z,
        0.31539156525252005 * (2.0 * z * z - x * x - y * y),
        -1.0925484305920792 * x * z,
        0.5462742152960396 * (x * x - y * y),
    ], axis=-1)


def setup_inputs(seed: int = 0) -> dict:
    key = jax.random.key(seed)
    k1, k2, k3, k4 = jax.random.split(key, 4)
    rays_o = jax.random.uniform(k1, (BATCH, 3), dtype=jnp.float32)
    rays_d = jax.random.normal(k2, (BATCH, 3), dtype=jnp.float32)
    grids = 0.01 * jax.random.normal(k3, (NUM_SCENES, COARSE ** 3, NUM_ATOMS), dtype=jnp.float32)
    atoms_sh = jax.random.uniform(k4, (FINE ** 3, NUM_ATOMS, DATA_DIM - 1), dtype=jnp.float32)
    atoms = jnp.concatenate([atoms_sh, 0.01 * jnp.ones((FINE ** 3, NUM_ATOMS, 1), dtype=jnp.float32)], axis=-1)
    return {"rays_o": rays_o, "rays_d": rays_d, "grids": grids, "atoms": atoms, "grid_id": 0}


def _interp(grid, atoms, pts):
    # grid: [COARSE^3, A] coefficients, atoms: [FINE^3, A, D] dictionary, pts: [N,3] in [0,1]
    eps = 1e-6
    p = jnp.clip(pts, 0.0, 1.0 - eps)
    cc = jnp.floor(p * COARSE)
    cci = jnp.clip(cc.astype(jnp.int32), 0, COARSE - 1)
    cflat = (cci[:, 0] * COARSE + cci[:, 1]) * COARSE + cci[:, 2]
    coeff = jnp.take(grid, cflat, axis=0)  # [N, A] gather of atom coefficients
    local = p * COARSE - cc
    f = local * FINE - 0.5
    f0 = jnp.floor(f)
    w = f - f0
    i0 = jnp.clip(f0.astype(jnp.int32), 0, FINE - 1)
    i1 = jnp.clip(f0.astype(jnp.int32) + 1, 0, FINE - 1)
    acc = jnp.zeros((p.shape[0], atoms.shape[1], atoms.shape[2]), dtype=p.dtype)
    for dx in (0, 1):
        ix = i0[:, 0] if dx == 0 else i1[:, 0]
        wx = (1.0 - w[:, 0]) if dx == 0 else w[:, 0]
        for dy in (0, 1):
            iy = i0[:, 1] if dy == 0 else i1[:, 1]
            wy = (1.0 - w[:, 1]) if dy == 0 else w[:, 1]
            for dz in (0, 1):
                iz = i0[:, 2] if dz == 0 else i1[:, 2]
                wz = (1.0 - w[:, 2]) if dz == 0 else w[:, 2]
                idx = (ix * FINE + iy) * FINE + iz
                ww = (wx * wy * wz)[:, None, None]
                acc = acc + ww * jnp.take(atoms, idx, axis=0)  # 8-corner trilinear gather
    return jnp.einsum('na,nad->nd', coeff, acc)  # [N, D]


def _forward(rays_o, rays_d, grid, atoms):
    B = rays_o.shape[0]
    offsets_pos = (RADIUS - rays_o) / rays_d
    offsets_neg = (-RADIUS - rays_o) / rays_d
    offsets_in = jnp.minimum(offsets_pos, offsets_neg)
    start = jnp.max(offsets_in, axis=-1, keepdims=True)
    steps = jnp.arange(N_INTERS, dtype=rays_o.dtype)[None, :]
    intersections = start + steps * STEP
    t = intersections[:, :-1]
    nintrs = N_INTERS - 1
    pts_world = rays_o[:, None, :] + t[..., None] * rays_d[:, None, :]
    mask = jnp.all((pts_world > -RADIUS) & (pts_world < RADIUS), axis=-1)
    pts = (pts_world + RADIUS) / (RADIUS * 2.0)
    pts_f = pts.reshape(-1, 3)
    mf = mask.reshape(-1).astype(rays_o.dtype)
    data = _interp(grid, atoms, pts_f)
    sigma = jax.nn.relu(data[:, -1]) * mf  # masked_scatter_ into zeros == mask-multiply
    sigma = sigma.reshape(B, nintrs)
    dists = (intersections[:, 1:] - intersections[:, :-1]) * jnp.linalg.norm(rays_d, axis=-1, keepdims=True)
    alpha = 1.0 - jnp.exp(-sigma * dists)
    trans = jnp.cumprod(1.0 - alpha + 1e-10, axis=-1)
    trans = jnp.concatenate([jnp.ones((B, 1), alpha.dtype), trans[:, :-1]], axis=-1)
    weights = alpha * trans  # abs_light
    sh_mult = sh_basis(rays_d)  # [B, SH_DIM]
    sh_flat = jnp.broadcast_to(sh_mult[:, None, :], (B, nintrs, SH_DIM)).reshape(-1, 1, SH_DIM)
    sh_data = data[:, :-1].reshape(-1, 3, SH_DIM)
    rgb_f = jnp.sum(sh_flat * sh_data, axis=-1) * mf[:, None]
    rgb = rgb_f.reshape(B, nintrs, 3)
    rgb = jax.nn.sigmoid(rgb)
    rgb_out = jnp.sum(weights[..., None] * rgb, axis=1)
    acc_w = jnp.sum(weights, axis=-1)
    rgb_out = rgb_out + (1.0 - acc_w)[:, None]  # white background
    depth = jnp.sum(weights * t, axis=-1)
    return rgb_out, alpha, depth


def reference(rays_o, rays_d, grids, atoms, grid_id):
    return _forward(rays_o, rays_d, grids[grid_id], atoms)

if __name__ == "__main__":
    import jax
    _d = setup_inputs()
    print(jax.jit(kernel)(*tuple(_d.values())))

</pallas_src>

<mosaic_0001>
#map = affine_map<(d0, d1) -> (0, 0)>
#map1 = affine_map<(d0, d1) -> (0, 0, 0)>
#map2 = affine_map<(d0, d1) -> (0, 0, 0, 0)>
module attributes {stable_mosaic.version = 14 : i64} {
  func.func @k(%arg0: i32, %arg1: i32, %arg2: memref<2048x128xf32, #tpu.memory_space<hbm>>, %arg3: memref<32x12x128xi32, #tpu.memory_space<hbm>>, %arg4: memref<32x12x128x128xf32, #tpu.memory_space<hbm>>, %arg5: memref<2048x128xf32, #tpu.memory_space<vmem_shared>>, %arg6: memref<12x128xi32, #tpu.memory_space<vmem>>, %arg7: memref<6x128x128xf32, #tpu.memory_space<vmem>>, %arg8: memref<!tpu.dma_semaphore, #tpu.memory_space<semaphore_mem>>, %arg9: memref<!tpu.dma_semaphore, #tpu.memory_space<semaphore_mem>>, %arg10: memref<!tpu.dma_semaphore, #tpu.memory_space<semaphore_mem>>, %arg11: memref<!tpu.dma_semaphore, #tpu.memory_space<semaphore_mem>>, %arg12: memref<!tpu.dma_semaphore, #tpu.memory_space<semaphore_mem>>, %arg13: memref<!tpu.dma_semaphore, #tpu.memory_space<semaphore_mem>>, %arg14: memref<!tpu.dma_semaphore, #tpu.memory_space<semaphore_mem>>, %arg15: memref<!tpu.dma_semaphore, #tpu.memory_space<semaphore_mem>>, %arg16: memref<!tpu.dma_semaphore, #tpu.memory_space<semaphore_mem>>, %arg17: memref<!tpu.dma_semaphore, #tpu.memory_space<semaphore_mem>>, %arg18: memref<!tpu.dma_semaphore, #tpu.memory_space<semaphore_mem>>, %arg19: memref<!tpu.dma_semaphore, #tpu.memory_space<semaphore_mem>>) attributes {dimension_semantics = [#tpu.dimension_semantics<core_parallel>, #tpu.dimension_semantics<subcore_parallel>], iteration_bounds = array<i64: 2, 16>, scalar_prefetch = 0 : i64, scratch_operands = 15 : i64, tpu.core_type = #tpu.core_type<sc_vector_subcore>, window_params = [{transform_indices = #map}, {transform_indices = #map1}, {transform_indices = #map2}]} {
    %mul3A = arith.constant 2 : i32
    %mul3A_0 = arith.muli %arg1, %mul3A : i32
    %add3A = arith.addi %mul3A_0, %arg0 : i32
    %mul3A_1 = arith.constant 128 : i32
    %mul3A_2 = arith.muli %arg1, %mul3A_1 : i32
    %mul3A_3 = arith.constant 128 : i32
    %mul3A_4 = arith.muli %arg1, %mul3A_3 : i32
    "tpu.region"() ({
      %run_scoped3A = tpu.sem_alloc : memref<!tpu.dma_semaphore, #tpu.memory_space<semaphore_mem>>
      %dma_start3A_963 = arith.constant 0 : i32
      %dma_start3A_964 = tpu.memref_slice %arg5[%mul3A_4, %dma_start3A_963] : memref<2048x128xf32, #tpu.memory_space<vmem_shared>> -> memref<128x128xf32, #tpu.memory_space<vmem_shared>>
      %dma_start3A_965 = arith.constant 0 : i32
      %dma_start3A_966 = tpu.memref_slice %arg2[%mul3A_2, %dma_start3A_965] : memref<2048x128xf32, #tpu.memory_space<hbm>> -> memref<128x128xf32, #tpu.memory_space<hbm>>
      tpu.enqueue_dma source(%dma_start3A_966 : memref<128x128xf32, #tpu.memory_space<hbm>>) target(%dma_start3A_964 : memref<128x128xf32, #tpu.memory_space<vmem_shared>>) target_semaphore(%run_scoped3A : memref<!tpu.dma_semaphore, #tpu.memory_space<semaphore_mem>>)
      %dma_wait3A_967 = arith.constant 0 : i32
      %dma_wait3A_968 = tpu.memref_slice %arg5[%mul3A_4, %dma_wait3A_967] : memref<2048x128xf32, #tpu.memory_space<vmem_shared>> -> memref<128x128xf32, #tpu.memory_space<vmem_shared>>
      %dma_wait3A_969 = arith.constant 0 : i32
      %dma_wait3A_970 = tpu.memref_slice %arg2[%mul3A_2, %dma_wait3A_969] : memref<2048x128xf32, #tpu.memory_space<hbm>> -> memref<128x128xf32, #tpu.memory_space<hbm>>
      tpu.wait_dma2 semaphore(%run_scoped3A : memref<!tpu.dma_semaphore, #tpu.memory_space<semaphore_mem>>) src(%dma_wait3A_970 : memref<128x128xf32, #tpu.memory_space<hbm>>) dst(%dma_wait3A_968 : memref<128x128xf32, #tpu.memory_space<vmem_shared>>)
      tpu.yield
    }) : () -> ()
    "tpu.region"() ({
      %run_scoped3A = tpu.sem_alloc : memref<!tpu.dma_semaphore, #tpu.memory_space<semaphore_mem>>
      %dma_start3A_963 = arith.constant 0 : i32
      %dma_start3A_964 = arith.constant 0 : i32
      %dma_start3A_965 = tpu.memref_slice %arg3[%add3A, %dma_start3A_963, %dma_start3A_964] : memref<32x12x128xi32, #tpu.memory_space<hbm>> -> memref<1x12x128xi32, #tpu.memory_space<hbm>>
      %dma_start3A_966 = tpu.memref_squeeze %dma_start3A_965 : memref<1x12x128xi32, #tpu.memory_space<hbm>> -> memref<12x128xi32, #tpu.memory_space<hbm>>
      %dma_start3A_967 = arith.constant 0 : i32
      %dma_start3A_968 = arith.constant 0 : i32
      %dma_start3A_969 = tpu.memref_slice %arg3[%add3A, %dma_start3A_967, %dma_start3A_968] : memref<32x12x128xi32, #tpu.memory_space<hbm>> -> memref<1x12x128xi32, #tpu.memory_space<hbm>>
      %dma_start3A_970 = tpu.memref_squeeze %dma_start3A_969 : memref<1x12x128xi32, #tpu.memory_space<hbm>> -> memref<12x128xi32, #tpu.memory_space<hbm>>
      tpu.enqueue_dma source(%dma_start3A_970 : memref<12x128xi32, #tpu.memory_space<hbm>>) target(%arg6 : memref<12x128xi32, #tpu.memory_space<vmem>>) target_semaphore(%run_scoped3A : memref<!tpu.dma_semaphore, #tpu.memory_space<semaphore_mem>>)
      %dma_wait3A_971 = arith.constant 0 : i32
      %dma_wait3A_972 = arith.constant 0 : i32
      %dma_wait3A_973 = tpu.memref_slice %arg3[%add3A, %dma_wait3A_971, %dma_wait3A_972] : memref<32x12x128xi32, #tpu.memory_space<hbm>> -> memref<1x12x128xi32, #tpu.memory_space<hbm>>
      %dma_wait3A_974 = tpu.memref_squeeze %dma_wait3A_973 : memref<1x12x128xi32, #tpu.memory_space<hbm>> -> memref<12x128xi32, #tpu.memory_space<hbm>>
      %dma_wait3A_975 = arith.constant 0 : i32
      %dma_wait3A_976 = arith.constant 0 : i32
      %dma_wait3A_977 = tpu.memref_slice %arg3[%add3A, %dma_wait3A_975, %dma_wait3A_976] : memref<32x12x128xi32, #tpu.memory_space<hbm>> -> memref<1x12x128xi32, #tpu.memory_space<hbm>>
      %dma_wait3A_978 = tpu.memref_squeeze %dma_wait3A_977 : memref<1x12x128xi32, #tpu.memory_space<hbm>> -> memref<12x128xi32, #tpu.memory_space<hbm>>
      tpu.wait_dma2 semaphore(%run_scoped3A : memref<!tpu.dma_semaphore, #tpu.memory_space<semaphore_mem>>) src(%dma_wait3A_978 : memref<12x128xi32, #tpu.memory_space<hbm>>) dst(%arg6 : memref<12x128xi32, #tpu.memory_space<vmem>>)
      tpu.yield
    }) : () -> ()
    %barrier3A = arith.constant 0 : index
    tpu.barrier barrier_id(%barrier3A)
    %dma_start3A = arith.constant 0 : i32
    %dma_start3A_5 = arith.constant 0 : i32
    %dma_start3A_6 = arith.constant 0 : i32
    %dma_start3A_7 = arith.constant 0 : i32
    %dma_start3A_8 = tpu.memref_slice %arg7[%dma_start3A_5, %dma_start3A_6, %dma_start3A_7] : memref<6x128x128xf32, #tpu.memory_space<vmem>> -> memref<1x128x128xf32, #tpu.memory_space<vmem>>
    %dma_start3A_9 = tpu.memref_squeeze %dma_start3A_8 : memref<1x128x128xf32, #tpu.memory_space<vmem>> -> memref<128x128xf32, #tpu.memory_space<vmem>>
    %dma_start3A_10 = arith.constant 0 : i32
    %dma_start3A_11 = tpu.memref_slice %arg6[%dma_start3A, %dma_start3A_10] : memref<12x128xi32, #tpu.memory_space<vmem>> -> memref<1x128xi32, #tpu.memory_space<vmem>>
    %dma_start3A_12 = tpu.memref_squeeze %dma_start3A_11 : memref<1x128xi32, #tpu.memory_space<vmem>> -> memref<128xi32, #tpu.memory_space<vmem>>
    %dma_start3A_13 = arith.constant 0 : i32
    %dma_start3A_14 = arith.constant 0 : i32
    %dma_start3A_15 = tpu.memref_slice %arg5[%dma_start3A_13, %dma_start3A_14] : memref<2048x128xf32, #tpu.memory_space<vmem_shared>> -> memref<2048x128xf32, #tpu.memory_space<vmem_shared>>
    tpu.enqueue_indirect_dma source(%dma_start3A_15 : memref<2048x128xf32, #tpu.memory_space<vmem_shared>>) target(%dma_start3A_9 : memref<128x128xf32, #tpu.memory_space<vmem>>) offsets(%dma_start3A_12 : memref<128xi32, #tpu.memory_space<vmem>>) semaphore(%arg8 : memref<!tpu.dma_semaphore, #tpu.memory_space<semaphore_mem>>)
    %dma_start3A_16 = arith.constant 1 : i32
    %dma_start3A_17 = arith.constant 1 : i32
    %dma_start3A_18 = arith.constant 0 : i32
    %dma_start3A_19 = arith.constant 0 : i32
    %dma_start3A_20 = tpu.memref_slice %arg7[%dma_start3A_17, %dma_start3A_18, %dma_start3A_19] : memref<6x128x128xf32, #tpu.memory_space<vmem>> -> memref<1x128x128xf32, #tpu.memory_space<vmem>>
    %dma_start3A_21 = tpu.memref_squeeze %dma_start3A_20 : memref<1x128x128xf32, #tpu.memory_space<vmem>> -> memref<128x128xf32, #tpu.memory_space<vmem>>
    %dma_start3A_22 = arith.constant 0 : i32
    %dma_start3A_23 = tpu.memref_slice %arg6[%dma_start3A_16, %dma_start3A_22] : memref<12x128xi32, #tpu.memory_space<vmem>> -> memref<1x128xi32, #tpu.memory_space<vmem>>
    %dma_start3A_24 = tpu.memref_squeeze %dma_start3A_23 : memref<1x128xi32, #tpu.memory_space<vmem>> -> memref<128xi32, #tpu.memory_space<vmem>>
    %dma_start3A_25 = arith.constant 0 : i32
    %dma_start3A_26 = arith.constant 0 : i32
    %dma_start3A_27 = tpu.memref_slice %arg5[%dma_start3A_25, %dma_start3A_26] : memref<2048x128xf32, #tpu.memory_space<vmem_shared>> -> memref<2048x128xf32, #tpu.memory_space<vmem_shared>>
    tpu.enqueue_indirect_dma source(%dma_start3A_27 : memref<2048x128xf32, #tpu.memory_space<vmem_shared>>) target(%dma_start3A_21 : memref<128x128xf32, #tpu.memory_space<vmem>>) offsets(%dma_start3A_24 : memref<128xi32, #tpu.memory_space<vmem>>) semaphore(%arg9 : memref<!tpu.dma_semaphore, #tpu.memory_space<semaphore_mem>>)
    %dma_start3A_28 = arith.constant 2 : i32
    %dma_start3A_29 = arith.constant 2 : i32
    %dma_start3A_30 = arith.constant 0 : i32
    %dma_start3A_31 = arith.constant 0 : i32
    %dma_start3A_32 = tpu.memref_slice %arg7[%dma_start3A_29, %dma_start3A_30, %dma_start3A_31] : memref<6x128x128xf32, #tpu.memory_space<vmem>> -> memref<1x128x128xf32, #tpu.memory_space<vmem>>
    %dma_start3A_33 = tpu.memref_squeeze %dma_start3A_32 : memref<1x128x128xf32, #tpu.memory_space<vmem>> -> memref<128x128xf32, #tpu.memory_space<vmem>>
    %dma_start3A_34 = arith.constant 0 : i32
    %dma_start3A_35 = tpu.memref_slice %arg6[%dma_start3A_28, %dma_start3A_34] : memref<12x128xi32, #tpu.memory_space<vmem>> -> memref<1x128xi32, #tpu.memory_space<vmem>>
    %dma_start3A_36 = tpu.memref_squeeze %dma_start3A_35 : memref<1x128xi32, #tpu.memory_space<vmem>> -> memref<128xi32, #tpu.memory_space<vmem>>
    %dma_start3A_37 = arith.constant 0 : i32
    %dma_start3A_38 = arith.constant 0 : i32
    %dma_start3A_39 = tpu.memref_slice %arg5[%dma_start3A_37, %dma_start3A_38] : memref<2048x128xf32, #tpu.memory_space<vmem_shared>> -> memref<2048x128xf32, #tpu.memory_space<vmem_shared>>
    tpu.enqueue_indirect_dma source(%dma_start3A_39 : memref<2048x128xf32, #tpu.memory_space<vmem_shared>>) target(%dma_start3A_33 : memref<128x128xf32, #tpu.memory_space<vmem>>) offsets(%dma_start3A_36 : memref<128xi32, #tpu.memory_space<vmem>>) semaphore(%arg10 : memref<!tpu.dma_semaphore, #tpu.memory_space<semaphore_mem>>)
    %dma_start3A_40 = arith.constant 3 : i32
    %dma_start3A_41 = arith.constant 3 : i32
    %dma_start3A_42 = arith.constant 0 : i32
    %dma_start3A_43 = arith.constant 0 : i32
    %dma_start3A_44 = tpu.memref_slice %arg7[%dma_start3A_41, %dma_start3A_42, %dma_start3A_43] : memref<6x128x128xf32, #tpu.memory_space<vmem>> -> memref<1x128x128xf32, #tpu.memory_space<vmem>>
    %dma_start3A_45 = tpu.memref_squeeze %dma_start3A_44 : memref<1x128x128xf32, #tpu.memory_space<vmem>> -> memref<128x128xf32, #tpu.memory_space<vmem>>
    %dma_start3A_46 = arith.constant 0 : i32
    %dma_start3A_47 = tpu.memref_slice %arg6[%dma_start3A_40, %dma_start3A_46] : memref<12x128xi32, #tpu.memory_space<vmem>> -> memref<1x128xi32, #tpu.memory_space<vmem>>
    %dma_start3A_48 = tpu.memref_squeeze %dma_start3A_47 : memref<1x128xi32, #tpu.memory_space<vmem>> -> memref<128xi32, #tpu.memory_space<vmem>>
    %dma_start3A_49 = arith.constant 0 : i32
    %dma_start3A_50 = arith.constant 0 : i32
    %dma_start3A_51 = tpu.memref_slice %arg5[%dma_start3A_49, %dma_start3A_50] : memref<2048x128xf32, #tpu.memory_space<vmem_shared>> -> memref<2048x128xf32, #tpu.memory_space<vmem_shared>>
    tpu.enqueue_indirect_dma source(%dma_start3A_51 : memref<2048x128xf32, #tpu.memory_space<vmem_shared>>) target(%dma_start3A_45 : memref<128x128xf32, #tpu.memory_space<vmem>>) offsets(%dma_start3A_48 : memref<128xi32, #tpu.memory_space<vmem>>) semaphore(%arg11 : memref<!tpu.dma_semaphore, #tpu.memory_space<semaphore_mem>>)
    %dma_start3A_52 = arith.constant 4 : i32
    %dma_start3A_53 = arith.constant 4 : i32
    %dma_start3A_54 = arith.constant 0 : i32
    %dma_start3A_55 = arith.constant 0 : i32
    %dma_start3A_56 = tpu.memref_slice %arg7[%dma_start3A_53, %dma_start3A_54, %dma_start3A_55] : memref<6x128x128xf32, #tpu.memory_space<vmem>> -> memref<1x128x128xf32, #tpu.memory_space<vmem>>
    %dma_start3A_57 = tpu.memref_squeeze %dma_start3A_56 : memref<1x128x128xf32, #tpu.memory_space<vmem>> -> memref<128x128xf32, #tpu.memory_space<vmem>>
    %dma_start3A_58 = arith.constant 0 : i32
    %dma_start3A_59 = tpu.memref_slice %arg6[%dma_start3A_52, %dma_start3A_58] : memref<12x128xi32, #tpu.memory_space<vmem>> -> memref<1x128xi32, #tpu.memory_space<vmem>>
    %dma_start3A_60 = tpu.memref_squeeze %dma_start3A_59 : memref<1x128xi32, #tpu.memory_space<vmem>> -> memref<128xi32, #tpu.memory_space<vmem>>
    %dma_start3A_61 = arith.constant 0 : i32
    %dma_start3A_62 = arith.constant 0 : i32
    %dma_start3A_63 = tpu.memref_slice %arg5[%dma_start3A_61, %dma_start3A_62] : memref<2048x128xf32, #tpu.memory_space<vmem_shared>> -> memref<2048x128xf32, #tpu.memory_space<vmem_shared>>
    tpu.enqueue_indirect_dma source(%dma_start3A_63 : memref<2048x128xf32, #tpu.memory_space<vmem_shared>>) target(%dma_start3A_57 : memref<128x128xf32, #tpu.memory_space<vmem>>) offsets(%dma_start3A_60 : memref<128xi32, #tpu.memory_space<vmem>>) semaphore(%arg12 : memref<!tpu.dma_semaphore, #tpu.memory_space<semaphore_mem>>)
    %dma_start3A_64 = arith.constant 5 : i32
    %dma_start3A_65 = arith.constant 5 : i32
    %dma_start3A_66 = arith.constant 0 : i32
    %dma_start3A_67 = arith.constant 0 : i32
    %dma_start3A_68 = tpu.memref_slice %arg7[%dma_start3A_65, %dma_start3A_66, %dma_start3A_67] : memref<6x128x128xf32, #tpu.memory_space<vmem>> -> memref<1x128x128xf32, #tpu.memory_space<vmem>>
    %dma_start3A_69 = tpu.memref_squeeze %dma_start3A_68 : memref<1x128x128xf32, #tpu.memory_space<vmem>> -> memref<128x128xf32, #tpu.memory_space<vmem>>
    %dma_start3A_70 = arith.constant 0 : i32
    %dma_start3A_71 = tpu.memref_slice %arg6[%dma_start3A_64, %dma_start3A_70] : memref<12x128xi32, #tpu.memory_space<vmem>> -> memref<1x128xi32, #tpu.memory_space<vmem>>
    %dma_start3A_72 = tpu.memref_squeeze %dma_start3A_71 : memref<1x128xi32, #tpu.memory_space<vmem>> -> memref<128xi32, #tpu.memory_space<vmem>>
    %dma_start3A_73 = arith.constant 0 : i32
    %dma_start3A_74 = arith.constant 0 : i32
    %dma_start3A_75 = tpu.memref_slice %arg5[%dma_start3A_73, %dma_start3A_74] : memref<2048x128xf32, #tpu.memory_space<vmem_shared>> -> memref<2048x128xf32, #tpu.memory_space<vmem_shared>>
    tpu.enqueue_indirect_dma source(%dma_start3A_75 : memref<2048x128xf32, #tpu.memory_space<vmem_shared>>) target(%dma_start3A_69 : memref<128x128xf32, #tpu.memory_space<vmem>>) offsets(%dma_start3A_72 : memref<128xi32, #tpu.memory_space<vmem>>) semaphore(%arg13 : memref<!tpu.dma_semaphore, #tpu.memory_space<semaphore_mem>>)
    %dma_wait3A = arith.constant 0 : i32
    %dma_wait3A_76 = arith.constant 0 : i32
    %dma_wait3A_77 = arith.constant 0 : i32
    %dma_wait3A_78 = arith.constant 0 : i32
    %dma_wait3A_79 = tpu.memref_slice %arg7[%dma_wait3A_76, %dma_wait3A_77, %dma_wait3A_78] : memref<6x128x128xf32, #tpu.memory_space<vmem>> -> memref<1x128x128xf32, #tpu.memory_space<vmem>>
    %dma_wait3A_80 = tpu.memref_squeeze %dma_wait3A_79 : memref<1x128x128xf32, #tpu.memory_space<vmem>> -> memref<128x128xf32, #tpu.memory_space<vmem>>
    %dma_wait3A_81 = arith.constant 0 : i32
    %dma_wait3A_82 = tpu.memref_slice %arg6[%dma_wait3A, %dma_wait3A_81] : memref<12x128xi32, #tpu.memory_space<vmem>> -> memref<1x128xi32, #tpu.memory_space<vmem>>
    %dma_wait3A_83 = tpu.memref_squeeze %dma_wait3A_82 : memref<1x128xi32, #tpu.memory_space<vmem>> -> memref<128xi32, #tpu.memory_space<vmem>>
    %dma_wait3A_84 = arith.constant 0 : i32
    %dma_wait3A_85 = arith.constant 0 : i32
    %dma_wait3A_86 = tpu.memref_slice %arg5[%dma_wait3A_84, %dma_wait3A_85] : memref<2048x128xf32, #tpu.memory_space<vmem_shared>> -> memref<2048x128xf32, #tpu.memory_space<vmem_shared>>
    tpu.wait_indirect_dma semaphore(%arg8 : memref<!tpu.dma_semaphore, #tpu.memory_space<semaphore_mem>>) src(%dma_wait3A_86 : memref<2048x128xf32, #tpu.memory_space<vmem_shared>>) dst(%dma_wait3A_80 : memref<128x128xf32, #tpu.memory_space<vmem>>)
    %dma_start3A_87 = arith.constant 0 : i32
    %dma_start3A_88 = arith.constant 0 : i32
    %dma_start3A_89 = arith.constant 0 : i32
    %dma_start3A_90 = arith.constant 0 : i32
    %dma_start3A_91 = tpu.memref_slice %arg7[%dma_start3A_87, %dma_start3A_89, %dma_start3A_90] : memref<6x128x128xf32, #tpu.memory_space<vmem>> -> memref<1x128x128xf32, #tpu.memory_space<vmem>>
    %dma_start3A_92 = tpu.memref_squeeze %dma_start3A_91 : memref<1x128x128xf32, #tpu.memory_space<vmem>> -> memref<128x128xf32, #tpu.memory_space<vmem>>
    %dma_start3A_93 = arith.constant 0 : i32
    %dma_start3A_94 = arith.constant 0 : i32
    %dma_start3A_95 = arith.constant 0 : i32
    %dma_start3A_96 = tpu.memref_slice %arg4[%add3A, %dma_start3A_93, %dma_start3A_94, %dma_start3A_95] : memref<32x12x128x128xf32, #tpu.memory_space<hbm>> -> memref<1x12x128x128xf32, #tpu.memory_space<hbm>>
    %dma_start3A_97 = tpu.memref_squeeze %dma_start3A_96 : memref<1x12x128x128xf32, #tpu.memory_space<hbm>> -> memref<12x128x128xf32, #tpu.memory_space<hbm>>
    %dma_start3A_98 = arith.constant 0 : i32
    %dma_start3A_99 = arith.constant 0 : i32
    %dma_start3A_100 = tpu.memref_slice %dma_start3A_97[%dma_start3A_88, %dma_start3A_98, %dma_start3A_99] : memref<12x128x128xf32, #tpu.memory_space<hbm>> -> memref<1x128x128xf32, #tpu.memory_space<hbm>>
    %dma_start3A_101 = tpu.memref_squeeze %dma_start3A_100 : memref<1x128x128xf32, #tpu.memory_space<hbm>> -> memref<128x128xf32, #tpu.memory_space<hbm>>
    %dma_start3A_102 = arith.constant 0 : i32
    %dma_start3A_103 = arith.constant 0 : i32
    %dma_start3A_104 = arith.constant 0 : i32
    %dma_start3A_105 = tpu.memref_slice %arg4[%add3A, %dma_start3A_102, %dma_start3A_103, %dma_start3A_104] : memref<32x12x128x128xf32, #tpu.memory_space<hbm>> -> memref<1x12x128x128xf32, #tpu.memory_space<hbm>>
    %dma_start3A_106 = tpu.memref_squeeze %dma_start3A_105 : memref<1x12x128x128xf32, #tpu.memory_space<hbm>> -> memref<12x128x128xf32, #tpu.memory_space<hbm>>
    %dma_start3A_107 = arith.constant 0 : i32
    %dma_start3A_108 = arith.constant 0 : i32
    %dma_start3A_109 = tpu.memref_slice %dma_start3A_106[%dma_start3A_88, %dma_start3A_107, %dma_start3A_108] : memref<12x128x128xf32, #tpu.memory_space<hbm>> -> memref<1x128x128xf32, #tpu.memory_space<hbm>>
    %dma_start3A_110 = tpu.memref_squeeze %dma_start3A_109 : memref<1x128x128xf32, #tpu.memory_space<hbm>> -> memref<128x128xf32, #tpu.memory_space<hbm>>
    %dma_start3A_111 = arith.constant 0 : i32
    %dma_start3A_112 = arith.constant 0 : i32
    %dma_start3A_113 = tpu.memref_slice %arg7[%dma_start3A_87, %dma_start3A_111, %dma_start3A_112] : memref<6x128x128xf32, #tpu.memory_space<vmem>> -> memref<1x128x128xf32, #tpu.memory_space<vmem>>
    %dma_start3A_114 = tpu.memref_squeeze %dma_start3A_113 : memref<1x128x128xf32, #tpu.memory_space<vmem>> -> memref<128x128xf32, #tpu.memory_space<vmem>>
    tpu.enqueue_dma source(%dma_start3A_114 : memref<128x128xf32, #tpu.memory_space<vmem>>) target(%dma_start3A_110 : memref<128x128xf32, #tpu.memory_space<hbm>>) target_semaphore(%arg14 : memref<!tpu.dma_semaphore, #tpu.memory_space<semaphore_mem>>)
    %dma_wait3A_115 = arith.constant 0 : i32
    %dma_wait3A_116 = arith.constant 0 : i32
    %dma_wait3A_117 = arith.constant 0 : i32
    %dma_wait3A_118 = arith.constant 0 : i32
    %dma_wait3A_119 = tpu.memref_slice %arg7[%dma_wait3A_115, %dma_wait3A_117, %dma_wait3A_118] : memref<6x128x128xf32, #tpu.memory_space<vmem>> -> memref<1x128x128xf32, #tpu.memory_space<vmem>>
    %dma_wait3A_120 = tpu.memref_squeeze %dma_wait3A_119 : memref<1x128x128xf32, #tpu.memory_space<vmem>> -> memref<128x128xf32, #tpu.memory_space<vmem>>
    %dma_wait3A_121 = arith.constant 0 : i32
    %dma_wait3A_122 = arith.constant 0 : i32
    %dma_wait3A_123 = arith.constant 0 : i32
    %dma_wait3A_124 = tpu.memref_slice %arg4[%add3A, %dma_wait3A_121, %dma_wait3A_122, %dma_wait3A_123] : memref<32x12x128x128xf32, #tpu.memory_space<hbm>> -> memref<1x12x128x128xf32, #tpu.memory_space<hbm>>
    %dma_wait3A_125 = tpu.memref_squeeze %dma_wait3A_124 : memref<1x12x128x128xf32, #tpu.memory_space<hbm>> -> memref<12x128x128xf32, #tpu.memory_space<hbm>>
    %dma_wait3A_126 = arith.constant 0 : i32
    %dma_wait3A_127 = arith.constant 0 : i32
    %dma_wait3A_128 = tpu.memref_slice %dma_wait3A_125[%dma_wait3A_116, %dma_wait3A_126, %dma_wait3A_127] : memref<12x128x128xf32, #tpu.memory_space<hbm>> -> memref<1x128x128xf32, #tpu.memory_space<hbm>>
    %dma_wait3A_129 = tpu.memref_squeeze %dma_wait3A_128 : memref<1x128x128xf32, #tpu.memory_space<hbm>> -> memref<128x128xf32, #tpu.memory_space<hbm>>
    %dma_wait3A_130 = arith.constant 0 : i32
    %dma_wait3A_131 = arith.constant 0 : i32
    %dma_wait3A_132 = arith.constant 0 : i32
    %dma_wait3A_133 = tpu.memref_slice %arg4[%add3A, %dma_wait3A_130, %dma_wait3A_131, %dma_wait3A_132] : memref<32x12x128x128xf32, #tpu.memory_space<hbm>> -> memref<1x12x128x128xf32, #tpu.memory_space<hbm>>
    %dma_wait3A_134 = tpu.memref_squeeze %dma_wait3A_133 : memref<1x12x128x128xf32, #tpu.memory_space<hbm>> -> memref<12x128x128xf32, #tpu.memory_space<hbm>>
    %dma_wait3A_135 = arith.constant 0 : i32
    %dma_wait3A_136 = arith.constant 0 : i32
    %dma_wait3A_137 = tpu.memref_slice %dma_wait3A_134[%dma_wait3A_116, %dma_wait3A_135, %dma_wait3A_136] : memref<12x128x128xf32, #tpu.memory_space<hbm>> -> memref<1x128x128xf32, #tpu.memory_space<hbm>>
    %dma_wait3A_138 = tpu.memref_squeeze %dma_wait3A_137 : memref<1x128x128xf32, #tpu.memory_space<hbm>> -> memref<128x128xf32, #tpu.memory_space<hbm>>
    %dma_wait3A_139 = arith.constant 0 : i32
    %dma_wait3A_140 = arith.constant 0 : i32
    %dma_wait3A_141 = tpu.memref_slice %arg7[%dma_wait3A_115, %dma_wait3A_139, %dma_wait3A_140] : memref<6x128x128xf32, #tpu.memory_space<vmem>> -> memref<1x128x128xf32, #tpu.memory_space<vmem>>
    %dma_wait3A_142 = tpu.memref_squeeze %dma_wait3A_141 : memref<1x128x128xf32, #tpu.memory_space<vmem>> -> memref<128x128xf32, #tpu.memory_space<vmem>>
    tpu.wait_dma2 semaphore(%arg14 : memref<!tpu.dma_semaphore, #tpu.memory_space<semaphore_mem>>) src(%dma_wait3A_142 : memref<128x128xf32, #tpu.memory_space<vmem>>) dst(%dma_wait3A_138 : memref<128x128xf32, #tpu.memory_space<hbm>>)
    %dma_start3A_143 = arith.constant 6 : i32
    %dma_start3A_144 = arith.constant 0 : i32
    %dma_start3A_145 = arith.constant 0 : i32
    %dma_start3A_146 = arith.constant 0 : i32
    %dma_start3A_147 = tpu.memref_slice %arg7[%dma_start3A_144, %dma_start3A_145, %dma_start3A_146] : memref<6x128x128xf32, #tpu.memory_space<vmem>> -> memref<1x128x128xf32, #tpu.memory_space<vmem>>
    %dma_start3A_148 = tpu.memref_squeeze %dma_start3A_147 : memref<1x128x128xf32, #tpu.memory_space<vmem>> -> memref<128x128xf32, #tpu.memory_space<vmem>>
    %dma_start3A_149 = arith.constant 0 : i32
    %dma_start3A_150 = tpu.memref_slice %arg6[%dma_start3A_143, %dma_start3A_149] : memref<12x128xi32, #tpu.memory_space<vmem>> -> memref<1x128xi32, #tpu.memory_space<vmem>>
    %dma_start3A_151 = tpu.memref_squeeze %dma_start3A_150 : memref<1x128xi32, #tpu.memory_space<vmem>> -> memref<128xi32, #tpu.memory_space<vmem>>
    %dma_start3A_152 = arith.constant 0 : i32
    %dma_start3A_153 = arith.constant 0 : i32
    %dma_start3A_154 = tpu.memref_slice %arg5[%dma_start3A_152, %dma_start3A_153] : memref<2048x128xf32, #tpu.memory_space<vmem_shared>> -> memref<2048x128xf32, #tpu.memory_space<vmem_shared>>
    tpu.enqueue_indirect_dma source(%dma_start3A_154 : memref<2048x128xf32, #tpu.memory_space<vmem_shared>>) target(%dma_start3A_148 : memref<128x128xf32, #tpu.memory_space<vmem>>) offsets(%dma_start3A_151 : memref<128xi32, #tpu.memory_space<vmem>>) semaphore(%arg8 : memref<!tpu.dma_semaphore, #tpu.memory_space<semaphore_mem>>)
    %dma_wait3A_155 = arith.constant 1 : i32
    %dma_wait3A_156 = arith.constant 1 : i32
    %dma_wait3A_157 = arith.constant 0 : i32
    %dma_wait3A_158 = arith.constant 0 : i32
    %dma_wait3A_159 = tpu.memref_slice %arg7[%dma_wait3A_156, %dma_wait3A_157, %dma_wait3A_158] : memref<6x128x128xf32, #tpu.memory_space<vmem>> -> memref<1x128x128xf32, #tpu.memory_space<vmem>>
    %dma_wait3A_160 = tpu.memref_squeeze %dma_wait3A_159 : memref<1x128x128xf32, #tpu.memory_space<vmem>> -> memref<128x128xf32, #tpu.memory_space<vmem>>
    %dma_wait3A_161 = arith.constant 0 : i32
    %dma_wait3A_162 = tpu.memref_slice %arg6[%dma_wait3A_155, %dma_wait3A_161] : memref<12x128xi32, #tpu.memory_space<vmem>> -> memref<1x128xi32, #tpu.memory_space<vmem>>
    %dma_wait3A_163 = tpu.memref_squeeze %dma_wait3A_162 : memref<1x128xi32, #tpu.memory_space<vmem>> -> memref<128xi32, #tpu.memory_space<vmem>>
    %dma_wait3A_164 = arith.constant 0 : i32
    %dma_wait3A_165 = arith.constant 0 : i32
    %dma_wait3A_166 = tpu.memref_slice %arg5[%dma_wait3A_164, %dma_wait3A_165] : memref<2048x128xf32, #tpu.memory_space<vmem_shared>> -> memref<2048x128xf32, #tpu.memory_space<vmem_shared>>
    tpu.wait_indirect_dma semaphore(%arg9 : memref<!tpu.dma_semaphore, #tpu.memory_space<semaphore_mem>>) src(%dma_wait3A_166 : memref<2048x128xf32, #tpu.memory_space<vmem_shared>>) dst(%dma_wait3A_160 : memref<128x128xf32, #tpu.memory_space<vmem>>)
    %dma_start3A_167 = arith.constant 1 : i32
    %dma_start3A_168 = arith.constant 1 : i32
    %dma_start3A_169 = arith.constant 0 : i32
    %dma_start3A_170 = arith.constant 0 : i32
    %dma_start3A_171 = tpu.memref_slice %arg7[%dma_start3A_167, %dma_start3A_169, %dma_start3A_170] : memref<6x128x128xf32, #tpu.memory_space<vmem>> -> memref<1x128x128xf32, #tpu.memory_space<vmem>>
    %dma_start3A_172 = tpu.memref_squeeze %dma_start3A_171 : memref<1x128x128xf32, #tpu.memory_space<vmem>> -> memref<128x128xf32, #tpu.memory_space<vmem>>
    %dma_start3A_173 = arith.constant 0 : i32
    %dma_start3A_174 = arith.constant 0 : i32
    %dma_start3A_175 = arith.constant 0 : i32
    %dma_start3A_176 = tpu.memref_slice %arg4[%add3A, %dma_start3A_173, %dma_start3A_174, %dma_start3A_175] : memref<32x12x128x128xf32, #tpu.memory_space<hbm>> -> memref<1x12x128x128xf32, #tpu.memory_space<hbm>>
    %dma_start3A_177 = tpu.memref_squeeze %dma_start3A_176 : memref<1x12x128x128xf32, #tpu.memory_space<hbm>> -> memref<12x128x128xf32, #tpu.memory_space<hbm>>
    %dma_start3A_178 = arith.constant 0 : i32
    %dma_start3A_179 = arith.constant 0 : i32
    %dma_start3A_180 = tpu.memref_slice %dma_start3A_177[%dma_start3A_168, %dma_start3A_178, %dma_start3A_179] : memref<12x128x128xf32, #tpu.memory_space<hbm>> -> memref<1x128x128xf32, #tpu.memory_space<hbm>>
    %dma_start3A_181 = tpu.memref_squeeze %dma_start3A_180 : memref<1x128x128xf32, #tpu.memory_space<hbm>> -> memref<128x128xf32, #tpu.memory_space<hbm>>
    %dma_start3A_182 = arith.constant 0 : i32
    %dma_start3A_183 = arith.constant 0 : i32
    %dma_start3A_184 = arith.constant 0 : i32
    %dma_start3A_185 = tpu.memref_slice %arg4[%add3A, %dma_start3A_182, %dma_start3A_183, %dma_start3A_184] : memref<32x12x128x128xf32, #tpu.memory_space<hbm>> -> memref<1x12x128x128xf32, #tpu.memory_space<hbm>>
    %dma_start3A_186 = tpu.memref_squeeze %dma_start3A_185 : memref<1x12x128x128xf32, #tpu.memory_space<hbm>> -> memref<12x128x128xf32, #tpu.memory_space<hbm>>
    %dma_start3A_187 = arith.constant 0 : i32
    %dma_start3A_188 = arith.constant 0 : i32
    %dma_start3A_189 = tpu.memref_slice %dma_start3A_186[%dma_start3A_168, %dma_start3A_187, %dma_start3A_188] : memref<12x128x128xf32, #tpu.memory_space<hbm>> -> memref<1x128x128xf32, #tpu.memory_space<hbm>>
    %dma_start3A_190 = tpu.memref_squeeze %dma_start3A_189 : memref<1x128x128xf32, #tpu.memory_space<hbm>> -> memref<128x128xf32, #tpu.memory_space<hbm>>
    %dma_start3A_191 = arith.constant 0 : i32
    %dma_start3A_192 = arith.constant 0 : i32
    %dma_start3A_193 = tpu.memref_slice %arg7[%dma_start3A_167, %dma_start3A_191, %dma_start3A_192] : memref<6x128x128xf32, #tpu.memory_space<vmem>> -> memref<1x128x128xf32, #tpu.memory_space<vmem>>
    %dma_start3A_194 = tpu.memref_squeeze %dma_start3A_193 : memref<1x128x128xf32, #tpu.memory_space<vmem>> -> memref<128x128xf32, #tpu.memory_space<vmem>>
    tpu.enqueue_dma source(%dma_start3A_194 : memref<128x128xf32, #tpu.memory_space<vmem>>) target(%dma_start3A_190 : memref<128x128xf32, #tpu.memory_space<hbm>>) target_semaphore(%arg15 : memref<!tpu.dma_semaphore, #tpu.memory_space<semaphore_mem>>)
    %dma_wait3A_195 = arith.constant 1 : i32
    %dma_wait3A_196 = arith.constant 1 : i32
    %dma_wait3A_197 = arith.constant 0 : i32
    %dma_wait3A_198 = arith.constant 0 : i32
    %dma_wait3A_199 = tpu.memref_slice %arg7[%dma_wait3A_195, %dma_wait3A_197, %dma_wait3A_198] : memref<6x128x128xf32, #tpu.memory_space<vmem>> -> memref<1x128x128xf32, #tpu.memory_space<vmem>>
    %dma_wait3A_200 = tpu.memref_squeeze %dma_wait3A_199 : memref<1x128x128xf32, #tpu.memory_space<vmem>> -> memref<128x128xf32, #tpu.memory_space<vmem>>
    %dma_wait3A_201 = arith.constant 0 : i32
    %dma_wait3A_202 = arith.constant 0 : i32
    %dma_wait3A_203 = arith.constant 0 : i32
    %dma_wait3A_204 = tpu.memref_slice %arg4[%add3A, %dma_wait3A_201, %dma_wait3A_202, %dma_wait3A_203] : memref<32x12x128x128xf32, #tpu.memory_space<hbm>> -> memref<1x12x128x128xf32, #tpu.memory_space<hbm>>
    %dma_wait3A_205 = tpu.memref_squeeze %dma_wait3A_204 : memref<1x12x128x128xf32, #tpu.memory_space<hbm>> -> memref<12x128x128xf32, #tpu.memory_space<hbm>>
    %dma_wait3A_206 = arith.constant 0 : i32
    %dma_wait3A_207 = arith.constant 0 : i32
    %dma_wait3A_208 = tpu.memref_slice %dma_wait3A_205[%dma_wait3A_196, %dma_wait3A_206, %dma_wait3A_207] : memref<12x128x128xf32, #tpu.memory_space<hbm>> -> memref<1x128x128xf32, #tpu.memory_space<hbm>>
    %dma_wait3A_209 = tpu.memref_squeeze %dma_wait3A_208 : memref<1x128x128xf32, #tpu.memory_space<hbm>> -> memref<128x128xf32, #tpu.memory_space<hbm>>
    %dma_wait3A_210 = arith.constant 0 : i32
    %dma_wait3A_211 = arith.constant 0 : i32
    %dma_wait3A_212 = arith.constant 0 : i32
    %dma_wait3A_213 = tpu.memref_slice %arg4[%add3A, %dma_wait3A_210, %dma_wait3A_211, %dma_wait3A_212] : memref<32x12x128x128xf32, #tpu.memory_space<hbm>> -> memref<1x12x128x128xf32, #tpu.memory_space<hbm>>
    %dma_wait3A_214 = tpu.memref_squeeze %dma_wait3A_213 : memref<1x12x128x128xf32, #tpu.memory_space<hbm>> -> memref<12x128x128xf32, #tpu.memory_space<hbm>>
    %dma_wait3A_215 = arith.constant 0 : i32
    %dma_wait3A_216 = arith.constant 0 : i32
    %dma_wait3A_217 = tpu.memref_slice %dma_wait3A_214[%dma_wait3A_196, %dma_wait3A_215, %dma_wait3A_216] : memref<12x128x128xf32, #tpu.memory_space<hbm>> -> memref<1x128x128xf32, #tpu.memory_space<hbm>>
    %dma_wait3A_218 = tpu.memref_squeeze %dma_wait3A_217 : memref<1x128x128xf32, #tpu.memory_space<hbm>> -> memref<128x128xf32, #tpu.memory_space<hbm>>
    %dma_wait3A_219 = arith.constant 0 : i32
    %dma_wait3A_220 = arith.constant 0 : i32
    %dma_wait3A_221 = tpu.memref_slice %arg7[%dma_wait3A_195, %dma_wait3A_219, %dma_wait3A_220] : memref<6x128x128xf32, #tpu.memory_space<vmem>> -> memref<1x128x128xf32, #tpu.memory_space<vmem>>
    %dma_wait3A_222 = tpu.memref_squeeze %dma_wait3A_221 : memref<1x128x128xf32, #tpu.memory_space<vmem>> -> memref<128x128xf32, #tpu.memory_space<vmem>>
    tpu.wait_dma2 semaphore(%arg15 : memref<!tpu.dma_semaphore, #tpu.memory_space<semaphore_mem>>) src(%dma_wait3A_222 : memref<128x128xf32, #tpu.memory_space<vmem>>) dst(%dma_wait3A_218 : memref<128x128xf32, #tpu.memory_space<hbm>>)
    %dma_start3A_223 = arith.constant 7 : i32
    %dma_start3A_224 = arith.constant 1 : i32
    %dma_start3A_225 = arith.constant 0 : i32
    %dma_start3A_226 = arith.constant 0 : i32
    %dma_start3A_227 = tpu.memref_slice %arg7[%dma_start3A_224, %dma_start3A_225, %dma_start3A_226] : memref<6x128x128xf32, #tpu.memory_space<vmem>> -> memref<1x128x128xf32, #tpu.memory_space<vmem>>
    %dma_start3A_228 = tpu.memref_squeeze %dma_start3A_227 : memref<1x128x128xf32, #tpu.memory_space<vmem>> -> memref<128x128xf32, #tpu.memory_space<vmem>>
    %dma_start3A_229 = arith.constant 0 : i32
    %dma_start3A_230 = tpu.memref_slice %arg6[%dma_start3A_223, %dma_start3A_229] : memref<12x128xi32, #tpu.memory_space<vmem>> -> memref<1x128xi32, #tpu.memory_space<vmem>>
    %dma_start3A_231 = tpu.memref_squeeze %dma_start3A_230 : memref<1x128xi32, #tpu.memory_space<vmem>> -> memref<128xi32, #tpu.memory_space<vmem>>
    %dma_start3A_232 = arith.constant 0 : i32
    %dma_start3A_233 = arith.constant 0 : i32
    %dma_start3A_234 = tpu.memref_slice %arg5[%dma_start3A_232, %dma_start3A_233] : memref<2048x128xf32, #tpu.memory_space<vmem_shared>> -> memref<2048x128xf32, #tpu.memory_space<vmem_shared>>
    tpu.enqueue_indirect_dma source(%dma_start3A_234 : memref<2048x128xf32, #tpu.memory_space<vmem_shared>>) target(%dma_start3A_228 : memref<128x128xf32, #tpu.memory_space<vmem>>) offsets(%dma_start3A_231 : memref<128xi32, #tpu.memory_space<vmem>>) semaphore(%arg9 : memref<!tpu.dma_semaphore, #tpu.memory_space<semaphore_mem>>)
    %dma_wait3A_235 = arith.constant 2 : i32
    %dma_wait3A_236 = arith.constant 2 : i32
    %dma_wait3A_237 = arith.constant 0 : i32
    %dma_wait3A_238 = arith.constant 0 : i32
    %dma_wait3A_239 = tpu.memref_slice %arg7[%dma_wait3A_236, %dma_wait3A_237, %dma_wait3A_238] : memref<6x128x128xf32, #tpu.memory_space<vmem>> -> memref<1x128x128xf32, #tpu.memory_space<vmem>>
    %dma_wait3A_240 = tpu.memref_squeeze %dma_wait3A_239 : memref<1x128x128xf32, #tpu.memory_space<vmem>> -> memref<128x128xf32, #tpu.memory_space<vmem>>
    %dma_wait3A_241 = arith.constant 0 : i32
    %dma_wait3A_242 = tpu.memref_slice %arg6[%dma_wait3A_235, %dma_wait3A_241] : memref<12x128xi32, #tpu.memory_space<vmem>> -> memref<1x128xi32, #tpu.memory_space<vmem>>
    %dma_wait3A_243 = tpu.memref_squeeze %dma_wait3A_242 : memref<1x128xi32, #tpu.memory_space<vmem>> -> memref<128xi32, #tpu.memory_space<vmem>>
    %dma_wait3A_244 = arith.constant 0 : i32
    %dma_wait3A_245 = arith.constant 0 : i32
    %dma_wait3A_246 = tpu.memref_slice %arg5[%dma_wait3A_244, %dma_wait3A_245] : memref<2048x128xf32, #tpu.memory_space<vmem_shared>> -> memref<2048x128xf32, #tpu.memory_space<vmem_shared>>
    tpu.wait_indirect_dma semaphore(%arg10 : memref<!tpu.dma_semaphore, #tpu.memory_space<semaphore_mem>>) src(%dma_wait3A_246 : memref<2048x128xf32, #tpu.memory_space<vmem_shared>>) dst(%dma_wait3A_240 : memref<128x128xf32, #tpu.memory_space<vmem>>)
    %dma_start3A_247 = arith.constant 2 : i32
    %dma_start3A_248 = arith.constant 2 : i32
    %dma_start3A_249 = arith.constant 0 : i32
    %dma_start3A_250 = arith.constant 0 : i32
    %dma_start3A_251 = tpu.memref_slice %arg7[%dma_start3A_247, %dma_start3A_249, %dma_start3A_250] : memref<6x128x128xf32, #tpu.memory_space<vmem>> -> memref<1x128x128xf32, #tpu.memory_space<vmem>>
    %dma_start3A_252 = tpu.memref_squeeze %dma_start3A_251 : memref<1x128x128xf32, #tpu.memory_space<vmem>> -> memref<128x128xf32, #tpu.memory_space<vmem>>
    %dma_start3A_253 = arith.constant 0 : i32
    %dma_start3A_254 = arith.constant 0 : i32
    %dma_start3A_255 = arith.constant 0 : i32
    %dma_start3A_256 = tpu.memref_slice %arg4[%add3A, %dma_start3A_253, %dma_start3A_254, %dma_start3A_255] : memref<32x12x128x128xf32, #tpu.memory_space<hbm>> -> memref<1x12x128x128xf32, #tpu.memory_space<hbm>>
    %dma_start3A_257 = tpu.memref_squeeze %dma_start3A_256 : memref<1x12x128x128xf32, #tpu.memory_space<hbm>> -> memref<12x128x128xf32, #tpu.memory_space<hbm>>
    %dma_start3A_258 = arith.constant 0 : i32
    %dma_start3A_259 = arith.constant 0 : i32
    %dma_start3A_260 = tpu.memref_slice %dma_start3A_257[%dma_start3A_248, %dma_start3A_258, %dma_start3A_259] : memref<12x128x128xf32, #tpu.memory_space<hbm>> -> memref<1x128x128xf32, #tpu.memory_space<hbm>>
    %dma_start3A_261 = tpu.memref_squeeze %dma_start3A_260 : memref<1x128x128xf32, #tpu.memory_space<hbm>> -> memref<128x128xf32, #tpu.memory_space<hbm>>
    %dma_start3A_262 = arith.constant 0 : i32
    %dma_start3A_263 = arith.constant 0 : i32
    %dma_start3A_264 = arith.constant 0 : i32
    %dma_start3A_265 = tpu.memref_slice %arg4[%add3A, %dma_start3A_262, %dma_start3A_263, %dma_start3A_264] : memref<32x12x128x128xf32, #tpu.memory_space<hbm>> -> memref<1x12x128x128xf32, #tpu.memory_space<hbm>>
    %dma_start3A_266 = tpu.memref_squeeze %dma_start3A_265 : memref<1x12x128x128xf32, #tpu.memory_space<hbm>> -> memref<12x128x128xf32, #tpu.memory_space<hbm>>
    %dma_start3A_267 = arith.constant 0 : i32
    %dma_start3A_268 = arith.constant 0 : i32
    %dma_start3A_269 = tpu.memref_slice %dma_start3A_266[%dma_start3A_248, %dma_start3A_267, %dma_start3A_268] : memref<12x128x128xf32, #tpu.memory_space<hbm>> -> memref<1x128x128xf32, #tpu.memory_space<hbm>>
    %dma_start3A_270 = tpu.memref_squeeze %dma_start3A_269 : memref<1x128x128xf32, #tpu.memory_space<hbm>> -> memref<128x128xf32, #tpu.memory_space<hbm>>
    %dma_start3A_271 = arith.constant 0 : i32
    %dma_start3A_272 = arith.constant 0 : i32
    %dma_start3A_273 = tpu.memref_slice %arg7[%dma_start3A_247, %dma_start3A_271, %dma_start3A_272] : memref<6x128x128xf32, #tpu.memory_space<vmem>> -> memref<1x128x128xf32, #tpu.memory_space<vmem>>
    %dma_start3A_274 = tpu.memref_squeeze %dma_start3A_273 : memref<1x128x128xf32, #tpu.memory_space<vmem>> -> memref<128x128xf32, #tpu.memory_space<vmem>>
    tpu.enqueue_dma source(%dma_start3A_274 : memref<128x128xf32, #tpu.memory_space<vmem>>) target(%dma_start3A_270 : memref<128x128xf32, #tpu.memory_space<hbm>>) target_semaphore(%arg16 : memref<!tpu.dma_semaphore, #tpu.memory_space<semaphore_mem>>)
    %dma_wait3A_275 = arith.constant 2 : i32
    %dma_wait3A_276 = arith.constant 2 : i32
    %dma_wait3A_277 = arith.constant 0 : i32
    %dma_wait3A_278 = arith.constant 0 : i32
    %dma_wait3A_279 = tpu.memref_slice %arg7[%dma_wait3A_275, %dma_wait3A_277, %dma_wait3A_278] : memref<6x128x128xf32, #tpu.memory_space<vmem>> -> memref<1x128x128xf32, #tpu.memory_space<vmem>>
    %dma_wait3A_280 = tpu.memref_squeeze %dma_wait3A_279 : memref<1x128x128xf32, #tpu.memory_space<vmem>> -> memref<128x128xf32, #tpu.memory_space<vmem>>
    %dma_wait3A_281 = arith.constant 0 : i32
    %dma_wait3A_282 = arith.constant 0 : i32
    %dma_wait3A_283 = arith.constant 0 : i32
    %dma_wait3A_284 = tpu.memref_slice %arg4[%add3A, %dma_wait3A_281, %dma_wait3A_282, %dma_wait3A_283] : memref<32x12x128x128xf32, #tpu.memory_space<hbm>> -> memref<1x12x128x128xf32, #tpu.memory_space<hbm>>
    %dma_wait3A_285 = tpu.memref_squeeze %dma_wait3A_284 : memref<1x12x128x128xf32, #tpu.memory_space<hbm>> -> memref<12x128x128xf32, #tpu.memory_space<hbm>>
    %dma_wait3A_286 = arith.constant 0 : i32
    %dma_wait3A_287 = arith.constant 0 : i32
    %dma_wait3A_288 = tpu.memref_slice %dma_wait3A_285[%dma_wait3A_276, %dma_wait3A_286, %dma_wait3A_287] : memref<12x128x128xf32, #tpu.memory_space<hbm>> -> memref<1x128x128xf32, #tpu.memory_space<hbm>>
    %dma_wait3A_289 = tpu.memref_squeeze %dma_wait3A_288 : memref<1x128x128xf32, #tpu.memory_space<hbm>> -> memref<128x128xf32, #tpu.memory_space<hbm>>
    %dma_wait3A_290 = arith.constant 0 : i32
    %dma_wait3A_291 = arith.constant 0 : i32
    %dma_wait3A_292 = arith.constant 0 : i32
    %dma_wait3A_293 = tpu.memref_slice %arg4[%add3A, %dma_wait3A_290, %dma_wait3A_291, %dma_wait3A_292] : memref<32x12x128x128xf32, #tpu.memory_space<hbm>> -> memref<1x12x128x128xf32, #tpu.memory_space<hbm>>
    %dma_wait3A_294 = tpu.memref_squeeze %dma_wait3A_293 : memref<1x12x128x128xf32, #tpu.memory_space<hbm>> -> memref<12x128x128xf32, #tpu.memory_space<hbm>>
    %dma_wait3A_295 = arith.constant 0 : i32
    %dma_wait3A_296 = arith.constant 0 : i32
    %dma_wait3A_297 = tpu.memref_slice %dma_wait3A_294[%dma_wait3A_276, %dma_wait3A_295, %dma_wait3A_296] : memref<12x128x128xf32, #tpu.memory_space<hbm>> -> memref<1x128x128xf32, #tpu.memory_space<hbm>>
    %dma_wait3A_298 = tpu.memref_squeeze %dma_wait3A_297 : memref<1x128x128xf32, #tpu.memory_space<hbm>> -> memref<128x128xf32, #tpu.memory_space<hbm>>
    %dma_wait3A_299 = arith.constant 0 : i32
    %dma_wait3A_300 = arith.constant 0 : i32
    %dma_wait3A_301 = tpu.memref_slice %arg7[%dma_wait3A_275, %dma_wait3A_299, %dma_wait3A_300] : memref<6x128x128xf32, #tpu.memory_space<vmem>> -> memref<1x128x128xf32, #tpu.memory_space<vmem>>
    %dma_wait3A_302 = tpu.memref_squeeze %dma_wait3A_301 : memref<1x128x128xf32, #tpu.memory_space<vmem>> -> memref<128x128xf32, #tpu.memory_space<vmem>>
    tpu.wait_dma2 semaphore(%arg16 : memref<!tpu.dma_semaphore, #tpu.memory_space<semaphore_mem>>) src(%dma_wait3A_302 : memref<128x128xf32, #tpu.memory_space<vmem>>) dst(%dma_wait3A_298 : memref<128x128xf32, #tpu.memory_space<hbm>>)
    %dma_start3A_303 = arith.constant 8 : i32
    %dma_start3A_304 = arith.constant 2 : i32
    %dma_start3A_305 = arith.constant 0 : i32
    %dma_start3A_306 = arith.constant 0 : i32
    %dma_start3A_307 = tpu.memref_slice %arg7[%dma_start3A_304, %dma_start3A_305, %dma_start3A_306] : memref<6x128x128xf32, #tpu.memory_space<vmem>> -> memref<1x128x128xf32, #tpu.memory_space<vmem>>
    %dma_start3A_308 = tpu.memref_squeeze %dma_start3A_307 : memref<1x128x128xf32, #tpu.memory_space<vmem>> -> memref<128x128xf32, #tpu.memory_space<vmem>>
    %dma_start3A_309 = arith.constant 0 : i32
    %dma_start3A_310 = tpu.memref_slice %arg6[%dma_start3A_303, %dma_start3A_309] : memref<12x128xi32, #tpu.memory_space<vmem>> -> memref<1x128xi32, #tpu.memory_space<vmem>>
    %dma_start3A_311 = tpu.memref_squeeze %dma_start3A_310 : memref<1x128xi32, #tpu.memory_space<vmem>> -> memref<128xi32, #tpu.memory_space<vmem>>
    %dma_start3A_312 = arith.constant 0 : i32
    %dma_start3A_313 = arith.constant 0 : i32
    %dma_start3A_314 = tpu.memref_slice %arg5[%dma_start3A_312, %dma_start3A_313] : memref<2048x128xf32, #tpu.memory_space<vmem_shared>> -> memref<2048x128xf32, #tpu.memory_space<vmem_shared>>
    tpu.enqueue_indirect_dma source(%dma_start3A_314 : memref<2048x128xf32, #tpu.memory_space<vmem_shared>>) target(%dma_start3A_308 : memref<128x128xf32, #tpu.memory_space<vmem>>) offsets(%dma_start3A_311 : memref<128xi32, #tpu.memory_space<vmem>>) semaphore(%arg10 : memref<!tpu.dma_semaphore, #tpu.memory_space<semaphore_mem>>)
    %dma_wait3A_315 = arith.constant 3 : i32
    %dma_wait3A_316 = arith.constant 3 : i32
    %dma_wait3A_317 = arith.constant 0 : i32
    %dma_wait3A_318 = arith.constant 0 : i32
    %dma_wait3A_319 = tpu.memref_slice %arg7[%dma_wait3A_316, %dma_wait3A_317, %dma_wait3A_318] : memref<6x128x128xf32, #tpu.memory_space<vmem>> -> memref<1x128x128xf32, #tpu.memory_space<vmem>>
    %dma_wait3A_320 = tpu.memref_squeeze %dma_wait3A_319 : memref<1x128x128xf32, #tpu.memory_space<vmem>> -> memref<128x128xf32, #tpu.memory_space<vmem>>
    %dma_wait3A_321 = arith.constant 0 : i32
    %dma_wait3A_322 = tpu.memref_slice %arg6[%dma_wait3A_315, %dma_wait3A_321] : memref<12x128xi32, #tpu.memory_space<vmem>> -> memref<1x128xi32, #tpu.memory_space<vmem>>
    %dma_wait3A_323 = tpu.memref_squeeze %dma_wait3A_322 : memref<1x128xi32, #tpu.memory_space<vmem>> -> memref<128xi32, #tpu.memory_space<vmem>>
    %dma_wait3A_324 = arith.constant 0 : i32
    %dma_wait3A_325 = arith.constant 0 : i32
    %dma_wait3A_326 = tpu.memref_slice %arg5[%dma_wait3A_324, %dma_wait3A_325] : memref<2048x128xf32, #tpu.memory_space<vmem_shared>> -> memref<2048x128xf32, #tpu.memory_space<vmem_shared>>
    tpu.wait_indirect_dma semaphore(%arg11 : memref<!tpu.dma_semaphore, #tpu.memory_space<semaphore_mem>>) src(%dma_wait3A_326 : memref<2048x128xf32, #tpu.memory_space<vmem_shared>>) dst(%dma_wait3A_320 : memref<128x128xf32, #tpu.memory_space<vmem>>)
    %dma_start3A_327 = arith.constant 3 : i32
    %dma_start3A_328 = arith.constant 3 : i32
    %dma_start3A_329 = arith.constant 0 : i32
    %dma_start3A_330 = arith.constant 0 : i32
    %dma_start3A_331 = tpu.memref_slice %arg7[%dma_start3A_327, %dma_start3A_329, %dma_start3A_330] : memref<6x128x128xf32, #tpu.memory_space<vmem>> -> memref<1x128x128xf32, #tpu.memory_space<vmem>>
    %dma_start3A_332 = tpu.memref_squeeze %dma_start3A_331 : memref<1x128x128xf32, #tpu.memory_space<vmem>> -> memref<128x128xf32, #tpu.memory_space<vmem>>
    %dma_start3A_333 = arith.constant 0 : i32
    %dma_start3A_334 = arith.constant 0 : i32
    %dma_start3A_335 = arith.constant 0 : i32
    %dma_start3A_336 = tpu.memref_slice %arg4[%add3A, %dma_start3A_333, %dma_start3A_334, %dma_start3A_335] : memref<32x12x128x128xf32, #tpu.memory_space<hbm>> -> memref<1x12x128x128xf32, #tpu.memory_space<hbm>>
    %dma_start3A_337 = tpu.memref_squeeze %dma_start3A_336 : memref<1x12x128x128xf32, #tpu.memory_space<hbm>> -> memref<12x128x128xf32, #tpu.memory_space<hbm>>
    %dma_start3A_338 = arith.constant 0 : i32
    %dma_start3A_339 = arith.constant 0 : i32
    %dma_start3A_340 = tpu.memref_slice %dma_start3A_337[%dma_start3A_328, %dma_start3A_338, %dma_start3A_339] : memref<12x128x128xf32, #tpu.memory_space<hbm>> -> memref<1x128x128xf32, #tpu.memory_space<hbm>>
    %dma_start3A_341 = tpu.memref_squeeze %dma_start3A_340 : memref<1x128x128xf32, #tpu.memory_space<hbm>> -> memref<128x128xf32, #tpu.memory_space<hbm>>
    %dma_start3A_342 = arith.constant 0 : i32
    %dma_start3A_343 = arith.constant 0 : i32
    %dma_start3A_344 = arith.constant 0 : i32
    %dma_start3A_345 = tpu.memref_slice %arg4[%add3A, %dma_start3A_342, %dma_start3A_343, %dma_start3A_344] : memref<32x12x128x128xf32, #tpu.memory_space<hbm>> -> memref<1x12x128x128xf32, #tpu.memory_space<hbm>>
    %dma_start3A_346 = tpu.memref_squeeze %dma_start3A_345 : memref<1x12x128x128xf32, #tpu.memory_space<hbm>> -> memref<12x128x128xf32, #tpu.memory_space<hbm>>
    %dma_start3A_347 = arith.constant 0 : i32
    %dma_start3A_348 = arith.constant 0 : i32
    %dma_start3A_349 = tpu.memref_slice %dma_start3A_346[%dma_start3A_328, %dma_start3A_347, %dma_start3A_348] : memref<12x128x128xf32, #tpu.memory_space<hbm>> -> memref<1x128x128xf32, #tpu.memory_space<hbm>>
    %dma_start3A_350 = tpu.memref_squeeze %dma_start3A_349 : memref<1x128x128xf32, #tpu.memory_space<hbm>> -> memref<128x128xf32, #tpu.memory_space<hbm>>
    %dma_start3A_351 = arith.constant 0 : i32
    %dma_start3A_352 = arith.constant 0 : i32
    %dma_start3A_353 = tpu.memref_slice %arg7[%dma_start3A_327, %dma_start3A_351, %dma_start3A_352] : memref<6x128x128xf32, #tpu.memory_space<vmem>> -> memref<1x128x128xf32, #tpu.memory_space<vmem>>
    %dma_start3A_354 = tpu.memref_squeeze %dma_start3A_353 : memref<1x128x128xf32, #tpu.memory_space<vmem>> -> memref<128x128xf32, #tpu.memory_space<vmem>>
    tpu.enqueue_dma source(%dma_start3A_354 : memref<128x128xf32, #tpu.memory_space<vmem>>) target(%dma_start3A_350 : memref<128x128xf32, #tpu.memory_space<hbm>>) target_semaphore(%arg17 : memref<!tpu.dma_semaphore, #tpu.memory_space<semaphore_mem>>)
    %dma_wait3A_355 = arith.constant 3 : i32
    %dma_wait3A_356 = arith.constant 3 : i32
    %dma_wait3A_357 = arith.constant 0 : i32
    %dma_wait3A_358 = arith.constant 0 : i32
    %dma_wait3A_359 = tpu.memref_slice %arg7[%dma_wait3A_355, %dma_wait3A_357, %dma_wait3A_358] : memref<6x128x128xf32, #tpu.memory_space<vmem>> -> memref<1x128x128xf32, #tpu.memory_space<vmem>>
    %dma_wait3A_360 = tpu.memref_squeeze %dma_wait3A_359 : memref<1x128x128xf32, #tpu.memory_space<vmem>> -> memref<128x128xf32, #tpu.memory_space<vmem>>
    %dma_wait3A_361 = arith.constant 0 : i32
    %dma_wait3A_362 = arith.constant 0 : i32
    %dma_wait3A_363 = arith.constant 0 : i32
    %dma_wait3A_364 = tpu.memref_slice %arg4[%add3A, %dma_wait3A_361, %dma_wait3A_362, %dma_wait3A_363] : memref<32x12x128x128xf32, #tpu.memory_space<hbm>> -> memref<1x12x128x128xf32, #tpu.memory_space<hbm>>
    %dma_wait3A_365 = tpu.memref_squeeze %dma_wait3A_364 : memref<1x12x128x128xf32, #tpu.memory_space<hbm>> -> memref<12x128x128xf32, #tpu.memory_space<hbm>>
    %dma_wait3A_366 = arith.constant 0 : i32
    %dma_wait3A_367 = arith.constant 0 : i32
    %dma_wait3A_368 = tpu.memref_slice %dma_wait3A_365[%dma_wait3A_356, %dma_wait3A_366, %dma_wait3A_367] : memref<12x128x128xf32, #tpu.memory_space<hbm>> -> memref<1x128x128xf32, #tpu.memory_space<hbm>>
    %dma_wait3A_369 = tpu.memref_squeeze %dma_wait3A_368 : memref<1x128x128xf32, #tpu.memory_space<hbm>> -> memref<128x128xf32, #tpu.memory_space<hbm>>
    %dma_wait3A_370 = arith.constant 0 : i32
    %dma_wait3A_371 = arith.constant 0 : i32
    %dma_wait3A_372 = arith.constant 0 : i32
    %dma_wait3A_373 = tpu.memref_slice %arg4[%add3A, %dma_wait3A_370, %dma_wait3A_371, %dma_wait3A_372] : memref<32x12x128x128xf32, #tpu.memory_space<hbm>> -> memref<1x12x128x128xf32, #tpu.memory_space<hbm>>
    %dma_wait3A_374 = tpu.memref_squeeze %dma_wait3A_373 : memref<1x12x128x128xf32, #tpu.memory_space<hbm>> -> memref<12x128x128xf32, #tpu.memory_space<hbm>>
    %dma_wait3A_375 = arith.constant 0 : i32
    %dma_wait3A_376 = arith.constant 0 : i32
    %dma_wait3A_377 = tpu.memref_slice %dma_wait3A_374[%dma_wait3A_356, %dma_wait3A_375, %dma_wait3A_376] : memref<12x128x128xf32, #tpu.memory_space<hbm>> -> memref<1x128x128xf32, #tpu.memory_space<hbm>>
    %dma_wait3A_378 = tpu.memref_squeeze %dma_wait3A_377 : memref<1x128x128xf32, #tpu.memory_space<hbm>> -> memref<128x128xf32, #tpu.memory_space<hbm>>
    %dma_wait3A_379 = arith.constant 0 : i32
    %dma_wait3A_380 = arith.constant 0 : i32
    %dma_wait3A_381 = tpu.memref_slice %arg7[%dma_wait3A_355, %dma_wait3A_379, %dma_wait3A_380] : memref<6x128x128xf32, #tpu.memory_space<vmem>> -> memref<1x128x128xf32, #tpu.memory_space<vmem>>
    %dma_wait3A_382 = tpu.memref_squeeze %dma_wait3A_381 : memref<1x128x128xf32, #tpu.memory_space<vmem>> -> memref<128x128xf32, #tpu.memory_space<vmem>>
    tpu.wait_dma2 semaphore(%arg17 : memref<!tpu.dma_semaphore, #tpu.memory_space<semaphore_mem>>) src(%dma_wait3A_382 : memref<128x128xf32, #tpu.memory_space<vmem>>) dst(%dma_wait3A_378 : memref<128x128xf32, #tpu.memory_space<hbm>>)
    %dma_start3A_383 = arith.constant 9 : i32
    %dma_start3A_384 = arith.constant 3 : i32
    %dma_start3A_385 = arith.constant 0 : i32
    %dma_start3A_386 = arith.constant 0 : i32
    %dma_start3A_387 = tpu.memref_slice %arg7[%dma_start3A_384, %dma_start3A_385, %dma_start3A_386] : memref<6x128x128xf32, #tpu.memory_space<vmem>> -> memref<1x128x128xf32, #tpu.memory_space<vmem>>
    %dma_start3A_388 = tpu.memref_squeeze %dma_start3A_387 : memref<1x128x128xf32, #tpu.memory_space<vmem>> -> memref<128x128xf32, #tpu.memory_space<vmem>>
    %dma_start3A_389 = arith.constant 0 : i32
    %dma_start3A_390 = tpu.memref_slice %arg6[%dma_start3A_383, %dma_start3A_389] : memref<12x128xi32, #tpu.memory_space<vmem>> -> memref<1x128xi32, #tpu.memory_space<vmem>>
    %dma_start3A_391 = tpu.memref_squeeze %dma_start3A_390 : memref<1x128xi32, #tpu.memory_space<vmem>> -> memref<128xi32, #tpu.memory_space<vmem>>
    %dma_start3A_392 = arith.constant 0 : i32
    %dma_start3A_393 = arith.constant 0 : i32
    %dma_start3A_394 = tpu.memref_slice %arg5[%dma_start3A_392, %dma_start3A_393] : memref<2048x128xf32, #tpu.memory_space<vmem_shared>> -> memref<2048x128xf32, #tpu.memory_space<vmem_shared>>
    tpu.enqueue_indirect_dma source(%dma_start3A_394 : memref<2048x128xf32, #tpu.memory_space<vmem_shared>>) target(%dma_start3A_388 : memref<128x128xf32, #tpu.memory_space<vmem>>) offsets(%dma_start3A_391 : memref<128xi32, #tpu.memory_space<vmem>>) semaphore(%arg11 : memref<!tpu.dma_semaphore, #tpu.memory_space<semaphore_mem>>)
    %dma_wait3A_395 = arith.constant 4 : i32
    %dma_wait3A_396 = arith.constant 4 : i32
    %dma_wait3A_397 = arith.constant 0 : i32
    %dma_wait3A_398 = arith.constant 0 : i32
    %dma_wait3A_399 = tpu.memref_slice %arg7[%dma_wait3A_396, %dma_wait3A_397, %dma_wait3A_398] : memref<6x128x128xf32, #tpu.memory_space<vmem>> -> memref<1x128x128xf32, #tpu.memory_space<vmem>>
    %dma_wait3A_400 = tpu.memref_squeeze %dma_wait3A_399 : memref<1x128x128xf32, #tpu.memory_space<vmem>> -> memref<128x128xf32, #tpu.memory_space<vmem>>
    %dma_wait3A_401 = arith.constant 0 : i32
    %dma_wait3A_402 = tpu.memref_slice %arg6[%dma_wait3A_395, %dma_wait3A_401] : memref<12x128xi32, #tpu.memory_space<vmem>> -> memref<1x128xi32, #tpu.memory_space<vmem>>
    %dma_wait3A_403 = tpu.memref_squeeze %dma_wait3A_402 : memref<1x128xi32, #tpu.memory_space<vmem>> -> memref<128xi32, #tpu.memory_space<vmem>>
    %dma_wait3A_404 = arith.constant 0 : i32
    %dma_wait3A_405 = arith.constant 0 : i32
    %dma_wait3A_406 = tpu.memref_slice %arg5[%dma_wait3A_404, %dma_wait3A_405] : memref<2048x128xf32, #tpu.memory_space<vmem_shared>> -> memref<2048x128xf32, #tpu.memory_space<vmem_shared>>
    tpu.wait_indirect_dma semaphore(%arg12 : memref<!tpu.dma_semaphore, #tpu.memory_space<semaphore_mem>>) src(%dma_wait3A_406 : memref<2048x128xf32, #tpu.memory_space<vmem_shared>>) dst(%dma_wait3A_400 : memref<128x128xf32, #tpu.memory_space<vmem>>)
    %dma_start3A_407 = arith.constant 4 : i32
    %dma_start3A_408 = arith.constant 4 : i32
    %dma_start3A_409 = arith.constant 0 : i32
    %dma_start3A_410 = arith.constant 0 : i32
    %dma_start3A_411 = tpu.memref_slice %arg7[%dma_start3A_407, %dma_start3A_409, %dma_start3A_410] : memref<6x128x128xf32, #tpu.memory_space<vmem>> -> memref<1x128x128xf32, #tpu.memory_space<vmem>>
    %dma_start3A_412 = tpu.memref_squeeze %dma_start3A_411 : memref<1x128x128xf32, #tpu.memory_space<vmem>> -> memref<128x128xf32, #tpu.memory_space<vmem>>
    %dma_start3A_413 = arith.constant 0 : i32
    %dma_start3A_414 = arith.constant 0 : i32
    %dma_start3A_415 = arith.constant 0 : i32
    %dma_start3A_416 = tpu.memref_slice %arg4[%add3A, %dma_start3A_413, %dma_start3A_414, %dma_start3A_415] : memref<32x12x128x128xf32, #tpu.memory_space<hbm>> -> memref<1x12x128x128xf32, #tpu.memory_space<hbm>>
    %dma_start3A_417 = tpu.memref_squeeze %dma_start3A_416 : memref<1x12x128x128xf32, #tpu.memory_space<hbm>> -> memref<12x128x128xf32, #tpu.memory_space<hbm>>
    %dma_start3A_418 = arith.constant 0 : i32
    %dma_start3A_419 = arith.constant 0 : i32
    %dma_start3A_420 = tpu.memref_slice %dma_start3A_417[%dma_start3A_408, %dma_start3A_418, %dma_start3A_419] : memref<12x128x128xf32, #tpu.memory_space<hbm>> -> memref<1x128x128xf32, #tpu.memory_space<hbm>>
    %dma_start3A_421 = tpu.memref_squeeze %dma_start3A_420 : memref<1x128x128xf32, #tpu.memory_space<hbm>> -> memref<128x128xf32, #tpu.memory_space<hbm>>
    %dma_start3A_422 = arith.constant 0 : i32
    %dma_start3A_423 = arith.constant 0 : i32
    %dma_start3A_424 = arith.constant 0 : i32
    %dma_start3A_425 = tpu.memref_slice %arg4[%add3A, %dma_start3A_422, %dma_start3A_423, %dma_start3A_424] : memref<32x12x128x128xf32, #tpu.memory_space<hbm>> -> memref<1x12x128x128xf32, #tpu.memory_space<hbm>>
    %dma_start3A_426 = tpu.memref_squeeze %dma_start3A_425 : memref<1x12x128x128xf32, #tpu.memory_space<hbm>> -> memref<12x128x128xf32, #tpu.memory_space<hbm>>
    %dma_start3A_427 = arith.constant 0 : i32
    %dma_start3A_428 = arith.constant 0 : i32
    %dma_start3A_429 = tpu.memref_slice %dma_start3A_426[%dma_start3A_408, %dma_start3A_427, %dma_start3A_428] : memref<12x128x128xf32, #tpu.memory_space<hbm>> -> memref<1x128x128xf32, #tpu.memory_space<hbm>>
    %dma_start3A_430 = tpu.memref_squeeze %dma_start3A_429 : memref<1x128x128xf32, #tpu.memory_space<hbm>> -> memref<128x128xf32, #tpu.memory_space<hbm>>
    %dma_start3A_431 = arith.constant 0 : i32
    %dma_start3A_432 = arith.constant 0 : i32
    %dma_start3A_433 = tpu.memref_slice %arg7[%dma_start3A_407, %dma_start3A_431, %dma_start3A_432] : memref<6x128x128xf32, #tpu.memory_space<vmem>> -> memref<1x128x128xf32, #tpu.memory_space<vmem>>
    %dma_start3A_434 = tpu.memref_squeeze %dma_start3A_433 : memref<1x128x128xf32, #tpu.memory_space<vmem>> -> memref<128x128xf32, #tpu.memory_space<vmem>>
    tpu.enqueue_dma source(%dma_start3A_434 : memref<128x128xf32, #tpu.memory_space<vmem>>) target(%dma_start3A_430 : memref<128x128xf32, #tpu.memory_space<hbm>>) target_semaphore(%arg18 : memref<!tpu.dma_semaphore, #tpu.memory_space<semaphore_mem>>)
    %dma_wait3A_435 = arith.constant 4 : i32
    %dma_wait3A_436 = arith.constant 4 : i32
    %dma_wait3A_437 = arith.constant 0 : i32
    %dma_wait3A_438 = arith.constant 0 : i32
    %dma_wait3A_439 = tpu.memref_slice %arg7[%dma_wait3A_435, %dma_wait3A_437, %dma_wait3A_438] : memref<6x128x128xf32, #tpu.memory_space<vmem>> -> memref<1x128x128xf32, #tpu.memory_space<vmem>>
    %dma_wait3A_440 = tpu.memref_squeeze %dma_wait3A_439 : memref<1x128x128xf32, #tpu.memory_space<vmem>> -> memref<128x128xf32, #tpu.memory_space<vmem>>
    %dma_wait3A_441 = arith.constant 0 : i32
    %dma_wait3A_442 = arith.constant 0 : i32
    %dma_wait3A_443 = arith.constant 0 : i32
    %dma_wait3A_444 = tpu.memref_slice %arg4[%add3A, %dma_wait3A_441, %dma_wait3A_442, %dma_wait3A_443] : memref<32x12x128x128xf32, #tpu.memory_space<hbm>> -> memref<1x12x128x128xf32, #tpu.memory_space<hbm>>
    %dma_wait3A_445 = tpu.memref_squeeze %dma_wait3A_444 : memref<1x12x128x128xf32, #tpu.memory_space<hbm>> -> memref<12x128x128xf32, #tpu.memory_space<hbm>>
    %dma_wait3A_446 = arith.constant 0 : i32
    %dma_wait3A_447 = arith.constant 0 : i32
    %dma_wait3A_448 = tpu.memref_slice %dma_wait3A_445[%dma_wait3A_436, %dma_wait3A_446, %dma_wait3A_447] : memref<12x128x128xf32, #tpu.memory_space<hbm>> -> memref<1x128x128xf32, #tpu.memory_space<hbm>>
    %dma_wait3A_449 = tpu.memref_squeeze %dma_wait3A_448 : memref<1x128x128xf32, #tpu.memory_space<hbm>> -> memref<128x128xf32, #tpu.memory_space<hbm>>
    %dma_wait3A_450 = arith.constant 0 : i32
    %dma_wait3A_451 = arith.constant 0 : i32
    %dma_wait3A_452 = arith.constant 0 : i32
    %dma_wait3A_453 = tpu.memref_slice %arg4[%add3A, %dma_wait3A_450, %dma_wait3A_451, %dma_wait3A_452] : memref<32x12x128x128xf32, #tpu.memory_space<hbm>> -> memref<1x12x128x128xf32, #tpu.memory_space<hbm>>
    %dma_wait3A_454 = tpu.memref_squeeze %dma_wait3A_453 : memref<1x12x128x128xf32, #tpu.memory_space<hbm>> -> memref<12x128x128xf32, #tpu.memory_space<hbm>>
    %dma_wait3A_455 = arith.constant 0 : i32
    %dma_wait3A_456 = arith.constant 0 : i32
    %dma_wait3A_457 = tpu.memref_slice %dma_wait3A_454[%dma_wait3A_436, %dma_wait3A_455, %dma_wait3A_456] : memref<12x128x128xf32, #tpu.memory_space<hbm>> -> memref<1x128x128xf32, #tpu.memory_space<hbm>>
    %dma_wait3A_458 = tpu.memref_squeeze %dma_wait3A_457 : memref<1x128x128xf32, #tpu.memory_space<hbm>> -> memref<128x128xf32, #tpu.memory_space<hbm>>
    %dma_wait3A_459 = arith.constant 0 : i32
    %dma_wait3A_460 = arith.constant 0 : i32
    %dma_wait3A_461 = tpu.memref_slice %arg7[%dma_wait3A_435, %dma_wait3A_459, %dma_wait3A_460] : memref<6x128x128xf32, #tpu.memory_space<vmem>> -> memref<1x128x128xf32, #tpu.memory_space<vmem>>
    %dma_wait3A_462 = tpu.memref_squeeze %dma_wait3A_461 : memref<1x128x128xf32, #tpu.memory_space<vmem>> -> memref<128x128xf32, #tpu.memory_space<vmem>>
    tpu.wait_dma2 semaphore(%arg18 : memref<!tpu.dma_semaphore, #tpu.memory_space<semaphore_mem>>) src(%dma_wait3A_462 : memref<128x128xf32, #tpu.memory_space<vmem>>) dst(%dma_wait3A_458 : memref<128x128xf32, #tpu.memory_space<hbm>>)
    %dma_start3A_463 = arith.constant 10 : i32
    %dma_start3A_464 = arith.constant 4 : i32
    %dma_start3A_465 = arith.constant 0 : i32
    %dma_start3A_466 = arith.constant 0 : i32
    %dma_start3A_467 = tpu.memref_slice %arg7[%dma_start3A_464, %dma_start3A_465, %dma_start3A_466] : memref<6x128x128xf32, #tpu.memory_space<vmem>> -> memref<1x128x128xf32, #tpu.memory_space<vmem>>
    %dma_start3A_468 = tpu.memref_squeeze %dma_start3A_467 : memref<1x128x128xf32, #tpu.memory_space<vmem>> -> memref<128x128xf32, #tpu.memory_space<vmem>>
    %dma_start3A_469 = arith.constant 0 : i32
    %dma_start3A_470 = tpu.memref_slice %arg6[%dma_start3A_463, %dma_start3A_469] : memref<12x128xi32, #tpu.memory_space<vmem>> -> memref<1x128xi32, #tpu.memory_space<vmem>>
    %dma_start3A_471 = tpu.memref_squeeze %dma_start3A_470 : memref<1x128xi32, #tpu.memory_space<vmem>> -> memref<128xi32, #tpu.memory_space<vmem>>
    %dma_start3A_472 = arith.constant 0 : i32
    %dma_start3A_473 = arith.constant 0 : i32
    %dma_start3A_474 = tpu.memref_slice %arg5[%dma_start3A_472, %dma_start3A_473] : memref<2048x128xf32, #tpu.memory_space<vmem_shared>> -> memref<2048x128xf32, #tpu.memory_space<vmem_shared>>
    tpu.enqueue_indirect_dma source(%dma_start3A_474 : memref<2048x128xf32, #tpu.memory_space<vmem_shared>>) target(%dma_start3A_468 : memref<128x128xf32, #tpu.memory_space<vmem>>) offsets(%dma_start3A_471 : memref<128xi32, #tpu.memory_space<vmem>>) semaphore(%arg12 : memref<!tpu.dma_semaphore, #tpu.memory_space<semaphore_mem>>)
    %dma_wait3A_475 = arith.constant 5 : i32
    %dma_wait3A_476 = arith.constant 5 : i32
    %dma_wait3A_477 = arith.constant 0 : i32
    %dma_wait3A_478 = arith.constant 0 : i32
    %dma_wait3A_479 = tpu.memref_slice %arg7[%dma_wait3A_476, %dma_wait3A_477, %dma_wait3A_478] : memref<6x128x128xf32, #tpu.memory_space<vmem>> -> memref<1x128x128xf32, #tpu.memory_space<vmem>>
    %dma_wait3A_480 = tpu.memref_squeeze %dma_wait3A_479 : memref<1x128x128xf32, #tpu.memory_space<vmem>> -> memref<128x128xf32, #tpu.memory_space<vmem>>
    %dma_wait3A_481 = arith.constant 0 : i32
    %dma_wait3A_482 = tpu.memref_slice %arg6[%dma_wait3A_475, %dma_wait3A_481] : memref<12x128xi32, #tpu.memory_space<vmem>> -> memref<1x128xi32, #tpu.memory_space<vmem>>
    %dma_wait3A_483 = tpu.memref_squeeze %dma_wait3A_482 : memref<1x128xi32, #tpu.memory_space<vmem>> -> memref<128xi32, #tpu.memory_space<vmem>>
    %dma_wait3A_484 = arith.constant 0 : i32
    %dma_wait3A_485 = arith.constant 0 : i32
    %dma_wait3A_486 = tpu.memref_slice %arg5[%dma_wait3A_484, %dma_wait3A_485] : memref<2048x128xf32, #tpu.memory_space<vmem_shared>> -> memref<2048x128xf32, #tpu.memory_space<vmem_shared>>
    tpu.wait_indirect_dma semaphore(%arg13 : memref<!tpu.dma_semaphore, #tpu.memory_space<semaphore_mem>>) src(%dma_wait3A_486 : memref<2048x128xf32, #tpu.memory_space<vmem_shared>>) dst(%dma_wait3A_480 : memref<128x128xf32, #tpu.memory_space<vmem>>)
    %dma_start3A_487 = arith.constant 5 : i32
    %dma_start3A_488 = arith.constant 5 : i32
    %dma_start3A_489 = arith.constant 0 : i32
    %dma_start3A_490 = arith.constant 0 : i32
    %dma_start3A_491 = tpu.memref_slice %arg7[%dma_start3A_487, %dma_start3A_489, %dma_start3A_490] : memref<6x128x128xf32, #tpu.memory_space<vmem>> -> memref<1x128x128xf32, #tpu.memory_space<vmem>>
    %dma_start3A_492 = tpu.memref_squeeze %dma_start3A_491 : memref<1x128x128xf32, #tpu.memory_space<vmem>> -> memref<128x128xf32, #tpu.memory_space<vmem>>
    %dma_start3A_493 = arith.constant 0 : i32
    %dma_start3A_494 = arith.constant 0 : i32
    %dma_start3A_495 = arith.constant 0 : i32
    %dma_start3A_496 = tpu.memref_slice %arg4[%add3A, %dma_start3A_493, %dma_start3A_494, %dma_start3A_495] : memref<32x12x128x128xf32, #tpu.memory_space<hbm>> -> memref<1x12x128x128xf32, #tpu.memory_space<hbm>>
    %dma_start3A_497 = tpu.memref_squeeze %dma_start3A_496 : memref<1x12x128x128xf32, #tpu.memory_space<hbm>> -> memref<12x128x128xf32, #tpu.memory_space<hbm>>
    %dma_start3A_498 = arith.constant 0 : i32
    %dma_start3A_499 = arith.constant 0 : i32
    %dma_start3A_500 = tpu.memref_slice %dma_start3A_497[%dma_start3A_488, %dma_start3A_498, %dma_start3A_499] : memref<12x128x128xf32, #tpu.memory_space<hbm>> -> memref<1x128x128xf32, #tpu.memory_space<hbm>>
    %dma_start3A_501 = tpu.memref_squeeze %dma_start3A_500 : memref<1x128x128xf32, #tpu.memory_space<hbm>> -> memref<128x128xf32, #tpu.memory_space<hbm>>
    %dma_start3A_502 = arith.constant 0 : i32
    %dma_start3A_503 = arith.constant 0 : i32
    %dma_start3A_504 = arith.constant 0 : i32
    %dma_start3A_505 = tpu.memref_slice %arg4[%add3A, %dma_start3A_502, %dma_start3A_503, %dma_start3A_504] : memref<32x12x128x128xf32, #tpu.memory_space<hbm>> -> memref<1x12x128x128xf32, #tpu.memory_space<hbm>>
    %dma_start3A_506 = tpu.memref_squeeze %dma_start3A_505 : memref<1x12x128x128xf32, #tpu.memory_space<hbm>> -> memref<12x128x128xf32, #tpu.memory_space<hbm>>
    %dma_start3A_507 = arith.constant 0 : i32
    %dma_start3A_508 = arith.constant 0 : i32
    %dma_start3A_509 = tpu.memref_slice %dma_start3A_506[%dma_start3A_488, %dma_start3A_507, %dma_start3A_508] : memref<12x128x128xf32, #tpu.memory_space<hbm>> -> memref<1x128x128xf32, #tpu.memory_space<hbm>>
    %dma_start3A_510 = tpu.memref_squeeze %dma_start3A_509 : memref<1x128x128xf32, #tpu.memory_space<hbm>> -> memref<128x128xf32, #tpu.memory_space<hbm>>
    %dma_start3A_511 = arith.constant 0 : i32
    %dma_start3A_512 = arith.constant 0 : i32
    %dma_start3A_513 = tpu.memref_slice %arg7[%dma_start3A_487, %dma_start3A_511, %dma_start3A_512] : memref<6x128x128xf32, #tpu.memory_space<vmem>> -> memref<1x128x128xf32, #tpu.memory_space<vmem>>
    %dma_start3A_514 = tpu.memref_squeeze %dma_start3A_513 : memref<1x128x128xf32, #tpu.memory_space<vmem>> -> memref<128x128xf32, #tpu.memory_space<vmem>>
    tpu.enqueue_dma source(%dma_start3A_514 : memref<128x128xf32, #tpu.memory_space<vmem>>) target(%dma_start3A_510 : memref<128x128xf32, #tpu.memory_space<hbm>>) target_semaphore(%arg19 : memref<!tpu.dma_semaphore, #tpu.memory_space<semaphore_mem>>)
    %dma_wait3A_515 = arith.constant 5 : i32
    %dma_wait3A_516 = arith.constant 5 : i32
    %dma_wait3A_517 = arith.constant 0 : i32
    %dma_wait3A_518 = arith.constant 0 : i32
    %dma_wait3A_519 = tpu.memref_slice %arg7[%dma_wait3A_515, %dma_wait3A_517, %dma_wait3A_518] : memref<6x128x128xf32, #tpu.memory_space<vmem>> -> memref<1x128x128xf32, #tpu.memory_space<vmem>>
    %dma_wait3A_520 = tpu.memref_squeeze %dma_wait3A_519 : memref<1x128x128xf32, #tpu.memory_space<vmem>> -> memref<128x128xf32, #tpu.memory_space<vmem>>
    %dma_wait3A_521 = arith.constant 0 : i32
    %dma_wait3A_522 = arith.constant 0 : i32
    %dma_wait3A_523 = arith.constant 0 : i32
    %dma_wait3A_524 = tpu.memref_slice %arg4[%add3A, %dma_wait3A_521, %dma_wait3A_522, %dma_wait3A_523] : memref<32x12x128x128xf32, #tpu.memory_space<hbm>> -> memref<1x12x128x128xf32, #tpu.memory_space<hbm>>
    %dma_wait3A_525 = tpu.memref_squeeze %dma_wait3A_524 : memref<1x12x128x128xf32, #tpu.memory_space<hbm>> -> memref<12x128x128xf32, #tpu.memory_space<hbm>>
    %dma_wait3A_526 = arith.constant 0 : i32
    %dma_wait3A_527 = arith.constant 0 : i32
    %dma_wait3A_528 = tpu.memref_slice %dma_wait3A_525[%dma_wait3A_516, %dma_wait3A_526, %dma_wait3A_527] : memref<12x128x128xf32, #tpu.memory_space<hbm>> -> memref<1x128x128xf32, #tpu.memory_space<hbm>>
    %dma_wait3A_529 = tpu.memref_squeeze %dma_wait3A_528 : memref<1x128x128xf32, #tpu.memory_space<hbm>> -> memref<128x128xf32, #tpu.memory_space<hbm>>
    %dma_wait3A_530 = arith.constant 0 : i32
    %dma_wait3A_531 = arith.constant 0 : i32
    %dma_wait3A_532 = arith.constant 0 : i32
    %dma_wait3A_533 = tpu.memref_slice %arg4[%add3A, %dma_wait3A_530, %dma_wait3A_531, %dma_wait3A_532] : memref<32x12x128x128xf32, #tpu.memory_space<hbm>> -> memref<1x12x128x128xf32, #tpu.memory_space<hbm>>
    %dma_wait3A_534 = tpu.memref_squeeze %dma_wait3A_533 : memref<1x12x128x128xf32, #tpu.memory_space<hbm>> -> memref<12x128x128xf32, #tpu.memory_space<hbm>>
    %dma_wait3A_535 = arith.constant 0 : i32
    %dma_wait3A_536 = arith.constant 0 : i32
    %dma_wait3A_537 = tpu.memref_slice %dma_wait3A_534[%dma_wait3A_516, %dma_wait3A_535, %dma_wait3A_536] : memref<12x128x128xf32, #tpu.memory_space<hbm>> -> memref<1x128x128xf32, #tpu.memory_space<hbm>>
    %dma_wait3A_538 = tpu.memref_squeeze %dma_wait3A_537 : memref<1x128x128xf32, #tpu.memory_space<hbm>> -> memref<128x128xf32, #tpu.memory_space<hbm>>
    %dma_wait3A_539 = arith.constant 0 : i32
    %dma_wait3A_540 = arith.constant 0 : i32
    %dma_wait3A_541 = tpu.memref_slice %arg7[%dma_wait3A_515, %dma_wait3A_539, %dma_wait3A_540] : memref<6x128x128xf32, #tpu.memory_space<vmem>> -> memref<1x128x128xf32, #tpu.memory_space<vmem>>
    %dma_wait3A_542 = tpu.memref_squeeze %dma_wait3A_541 : memref<1x128x128xf32, #tpu.memory_space<vmem>> -> memref<128x128xf32, #tpu.memory_space<vmem>>
    tpu.wait_dma2 semaphore(%arg19 : memref<!tpu.dma_semaphore, #tpu.memory_space<semaphore_mem>>) src(%dma_wait3A_542 : memref<128x128xf32, #tpu.memory_space<vmem>>) dst(%dma_wait3A_538 : memref<128x128xf32, #tpu.memory_space<hbm>>)
    %dma_start3A_543 = arith.constant 11 : i32
    %dma_start3A_544 = arith.constant 5 : i32
    %dma_start3A_545 = arith.constant 0 : i32
    %dma_start3A_546 = arith.constant 0 : i32
    %dma_start3A_547 = tpu.memref_slice %arg7[%dma_start3A_544, %dma_start3A_545, %dma_start3A_546] : memref<6x128x128xf32, #tpu.memory_space<vmem>> -> memref<1x128x128xf32, #tpu.memory_space<vmem>>
    %dma_start3A_548 = tpu.memref_squeeze %dma_start3A_547 : memref<1x128x128xf32, #tpu.memory_space<vmem>> -> memref<128x128xf32, #tpu.memory_space<vmem>>
    %dma_start3A_549 = arith.constant 0 : i32
    %dma_start3A_550 = tpu.memref_slice %arg6[%dma_start3A_543, %dma_start3A_549] : memref<12x128xi32, #tpu.memory_space<vmem>> -> memref<1x128xi32, #tpu.memory_space<vmem>>
    %dma_start3A_551 = tpu.memref_squeeze %dma_start3A_550 : memref<1x128xi32, #tpu.memory_space<vmem>> -> memref<128xi32, #tpu.memory_space<vmem>>
    %dma_start3A_552 = arith.constant 0 : i32
    %dma_start3A_553 = arith.constant 0 : i32
    %dma_start3A_554 = tpu.memref_slice %arg5[%dma_start3A_552, %dma_start3A_553] : memref<2048x128xf32, #tpu.memory_space<vmem_shared>> -> memref<2048x128xf32, #tpu.memory_space<vmem_shared>>
    tpu.enqueue_indirect_dma source(%dma_start3A_554 : memref<2048x128xf32, #tpu.memory_space<vmem_shared>>) target(%dma_start3A_548 : memref<128x128xf32, #tpu.memory_space<vmem>>) offsets(%dma_start3A_551 : memref<128xi32, #tpu.memory_space<vmem>>) semaphore(%arg13 : memref<!tpu.dma_semaphore, #tpu.memory_space<semaphore_mem>>)
    %dma_wait3A_555 = arith.constant 6 : i32
    %dma_wait3A_556 = arith.constant 0 : i32
    %dma_wait3A_557 = arith.constant 0 : i32
    %dma_wait3A_558 = arith.constant 0 : i32
    %dma_wait3A_559 = tpu.memref_slice %arg7[%dma_wait3A_556, %dma_wait3A_557, %dma_wait3A_558] : memref<6x128x128xf32, #tpu.memory_space<vmem>> -> memref<1x128x128xf32, #tpu.memory_space<vmem>>
    %dma_wait3A_560 = tpu.memref_squeeze %dma_wait3A_559 : memref<1x128x128xf32, #tpu.memory_space<vmem>> -> memref<128x128xf32, #tpu.memory_space<vmem>>
    %dma_wait3A_561 = arith.constant 0 : i32
    %dma_wait3A_562 = tpu.memref_slice %arg6[%dma_wait3A_555, %dma_wait3A_561] : memref<12x128xi32, #tpu.memory_space<vmem>> -> memref<1x128xi32, #tpu.memory_space<vmem>>
    %dma_wait3A_563 = tpu.memref_squeeze %dma_wait3A_562 : memref<1x128xi32, #tpu.memory_space<vmem>> -> memref<128xi32, #tpu.memory_space<vmem>>
    %dma_wait3A_564 = arith.constant 0 : i32
    %dma_wait3A_565 = arith.constant 0 : i32
    %dma_wait3A_566 = tpu.memref_slice %arg5[%dma_wait3A_564, %dma_wait3A_565] : memref<2048x128xf32, #tpu.memory_space<vmem_shared>> -> memref<2048x128xf32, #tpu.memory_space<vmem_shared>>
    tpu.wait_indirect_dma semaphore(%arg8 : memref<!tpu.dma_semaphore, #tpu.memory_space<semaphore_mem>>) src(%dma_wait3A_566 : memref<2048x128xf32, #tpu.memory_space<vmem_shared>>) dst(%dma_wait3A_560 : memref<128x128xf32, #tpu.memory_space<vmem>>)
    %dma_start3A_567 = arith.constant 0 : i32
    %dma_start3A_568 = arith.constant 6 : i32
    %dma_start3A_569 = arith.constant 0 : i32
    %dma_start3A_570 = arith.constant 0 : i32
    %dma_start3A_571 = tpu.memref_slice %arg7[%dma_start3A_567, %dma_start3A_569, %dma_start3A_570] : memref<6x128x128xf32, #tpu.memory_space<vmem>> -> memref<1x128x128xf32, #tpu.memory_space<vmem>>
    %dma_start3A_572 = tpu.memref_squeeze %dma_start3A_571 : memref<1x128x128xf32, #tpu.memory_space<vmem>> -> memref<128x128xf32, #tpu.memory_space<vmem>>
    %dma_start3A_573 = arith.constant 0 : i32
    %dma_start3A_574 = arith.constant 0 : i32
    %dma_start3A_575 = arith.constant 0 : i32
    %dma_start3A_576 = tpu.memref_slice %arg4[%add3A, %dma_start3A_573, %dma_start3A_574, %dma_start3A_575] : memref<32x12x128x128xf32, #tpu.memory_space<hbm>> -> memref<1x12x128x128xf32, #tpu.memory_space<hbm>>
    %dma_start3A_577 = tpu.memref_squeeze %dma_start3A_576 : memref<1x12x128x128xf32, #tpu.memory_space<hbm>> -> memref<12x128x128xf32, #tpu.memory_space<hbm>>
    %dma_start3A_578 = arith.constant 0 : i32
    %dma_start3A_579 = arith.constant 0 : i32
    %dma_start3A_580 = tpu.memref_slice %dma_start3A_577[%dma_start3A_568, %dma_start3A_578, %dma_start3A_579] : memref<12x128x128xf32, #tpu.memory_space<hbm>> -> memref<1x128x128xf32, #tpu.memory_space<hbm>>
    %dma_start3A_581 = tpu.memref_squeeze %dma_start3A_580 : memref<1x128x128xf32, #tpu.memory_space<hbm>> -> memref<128x128xf32, #tpu.memory_space<hbm>>
    %dma_start3A_582 = arith.constant 0 : i32
    %dma_start3A_583 = arith.constant 0 : i32
    %dma_start3A_584 = arith.constant 0 : i32
    %dma_start3A_585 = tpu.memref_slice %arg4[%add3A, %dma_start3A_582, %dma_start3A_583, %dma_start3A_584] : memref<32x12x128x128xf32, #tpu.memory_space<hbm>> -> memref<1x12x128x128xf32, #tpu.memory_space<hbm>>
    %dma_start3A_586 = tpu.memref_squeeze %dma_start3A_585 : memref<1x12x128x128xf32, #tpu.memory_space<hbm>> -> memref<12x128x128xf32, #tpu.memory_space<hbm>>
    %dma_start3A_587 = arith.constant 0 : i32
    %dma_start3A_588 = arith.constant 0 : i32
    %dma_start3A_589 = tpu.memref_slice %dma_start3A_586[%dma_start3A_568, %dma_start3A_587, %dma_start3A_588] : memref<12x128x128xf32, #tpu.memory_space<hbm>> -> memref<1x128x128xf32, #tpu.memory_space<hbm>>
    %dma_start3A_590 = tpu.memref_squeeze %dma_start3A_589 : memref<1x128x128xf32, #tpu.memory_space<hbm>> -> memref<128x128xf32, #tpu.memory_space<hbm>>
    %dma_start3A_591 = arith.constant 0 : i32
    %dma_start3A_592 = arith.constant 0 : i32
    %dma_start3A_593 = tpu.memref_slice %arg7[%dma_start3A_567, %dma_start3A_591, %dma_start3A_592] : memref<6x128x128xf32, #tpu.memory_space<vmem>> -> memref<1x128x128xf32, #tpu.memory_space<vmem>>
    %dma_start3A_594 = tpu.memref_squeeze %dma_start3A_593 : memref<1x128x128xf32, #tpu.memory_space<vmem>> -> memref<128x128xf32, #tpu.memory_space<vmem>>
    tpu.enqueue_dma source(%dma_start3A_594 : memref<128x128xf32, #tpu.memory_space<vmem>>) target(%dma_start3A_590 : memref<128x128xf32, #tpu.memory_space<hbm>>) target_semaphore(%arg14 : memref<!tpu.dma_semaphore, #tpu.memory_space<semaphore_mem>>)
    %dma_wait3A_595 = arith.constant 7 : i32
    %dma_wait3A_596 = arith.constant 1 : i32
    %dma_wait3A_597 = arith.constant 0 : i32
    %dma_wait3A_598 = arith.constant 0 : i32
    %dma_wait3A_599 = tpu.memref_slice %arg7[%dma_wait3A_596, %dma_wait3A_597, %dma_wait3A_598] : memref<6x128x128xf32, #tpu.memory_space<vmem>> -> memref<1x128x128xf32, #tpu.memory_space<vmem>>
    %dma_wait3A_600 = tpu.memref_squeeze %dma_wait3A_599 : memref<1x128x128xf32, #tpu.memory_space<vmem>> -> memref<128x128xf32, #tpu.memory_space<vmem>>
    %dma_wait3A_601 = arith.constant 0 : i32
    %dma_wait3A_602 = tpu.memref_slice %arg6[%dma_wait3A_595, %dma_wait3A_601] : memref<12x128xi32, #tpu.memory_space<vmem>> -> memref<1x128xi32, #tpu.memory_space<vmem>>
    %dma_wait3A_603 = tpu.memref_squeeze %dma_wait3A_602 : memref<1x128xi32, #tpu.memory_space<vmem>> -> memref<128xi32, #tpu.memory_space<vmem>>
    %dma_wait3A_604 = arith.constant 0 : i32
    %dma_wait3A_605 = arith.constant 0 : i32
    %dma_wait3A_606 = tpu.memref_slice %arg5[%dma_wait3A_604, %dma_wait3A_605] : memref<2048x128xf32, #tpu.memory_space<vmem_shared>> -> memref<2048x128xf32, #tpu.memory_space<vmem_shared>>
    tpu.wait_indirect_dma semaphore(%arg9 : memref<!tpu.dma_semaphore, #tpu.memory_space<semaphore_mem>>) src(%dma_wait3A_606 : memref<2048x128xf32, #tpu.memory_space<vmem_shared>>) dst(%dma_wait3A_600 : memref<128x128xf32, #tpu.memory_space<vmem>>)
    %dma_start3A_607 = arith.constant 1 : i32
    %dma_start3A_608 = arith.constant 7 : i32
    %dma_start3A_609 = arith.constant 0 : i32
    %dma_start3A_610 = arith.constant 0 : i32
    %dma_start3A_611 = tpu.memref_slice %arg7[%dma_start3A_607, %dma_start3A_609, %dma_start3A_610] : memref<6x128x128xf32, #tpu.memory_space<vmem>> -> memref<1x128x128xf32, #tpu.memory_space<vmem>>
    %dma_start3A_612 = tpu.memref_squeeze %dma_start3A_611 : memref<1x128x128xf32, #tpu.memory_space<vmem>> -> memref<128x128xf32, #tpu.memory_space<vmem>>
    %dma_start3A_613 = arith.constant 0 : i32
    %dma_start3A_614 = arith.constant 0 : i32
    %dma_start3A_615 = arith.constant 0 : i32
    %dma_start3A_616 = tpu.memref_slice %arg4[%add3A, %dma_start3A_613, %dma_start3A_614, %dma_start3A_615] : memref<32x12x128x128xf32, #tpu.memory_space<hbm>> -> memref<1x12x128x128xf32, #tpu.memory_space<hbm>>
    %dma_start3A_617 = tpu.memref_squeeze %dma_start3A_616 : memref<1x12x128x128xf32, #tpu.memory_space<hbm>> -> memref<12x128x128xf32, #tpu.memory_space<hbm>>
    %dma_start3A_618 = arith.constant 0 : i32
    %dma_start3A_619 = arith.constant 0 : i32
    %dma_start3A_620 = tpu.memref_slice %dma_start3A_617[%dma_start3A_608, %dma_start3A_618, %dma_start3A_619] : memref<12x128x128xf32, #tpu.memory_space<hbm>> -> memref<1x128x128xf32, #tpu.memory_space<hbm>>
    %dma_start3A_621 = tpu.memref_squeeze %dma_start3A_620 : memref<1x128x128xf32, #tpu.memory_space<hbm>> -> memref<128x128xf32, #tpu.memory_space<hbm>>
    %dma_start3A_622 = arith.constant 0 : i32
    %dma_start3A_623 = arith.constant 0 : i32
    %dma_start3A_624 = arith.constant 0 : i32
    %dma_start3A_625 = tpu.memref_slice %arg4[%add3A, %dma_start3A_622, %dma_start3A_623, %dma_start3A_624] : memref<32x12x128x128xf32, #tpu.memory_space<hbm>> -> memref<1x12x128x128xf32, #tpu.memory_space<hbm>>
    %dma_start3A_626 = tpu.memref_squeeze %dma_start3A_625 : memref<1x12x128x128xf32, #tpu.memory_space<hbm>> -> memref<12x128x128xf32, #tpu.memory_space<hbm>>
    %dma_start3A_627 = arith.constant 0 : i32
    %dma_start3A_628 = arith.constant 0 : i32
    %dma_start3A_629 = tpu.memref_slice %dma_start3A_626[%dma_start3A_608, %dma_start3A_627, %dma_start3A_628] : memref<12x128x128xf32, #tpu.memory_space<hbm>> -> memref<1x128x128xf32, #tpu.memory_space<hbm>>
    %dma_start3A_630 = tpu.memref_squeeze %dma_start3A_629 : memref<1x128x128xf32, #tpu.memory_space<hbm>> -> memref<128x128xf32, #tpu.memory_space<hbm>>
    %dma_start3A_631 = arith.constant 0 : i32
    %dma_start3A_632 = arith.constant 0 : i32
    %dma_start3A_633 = tpu.memref_slice %arg7[%dma_start3A_607, %dma_start3A_631, %dma_start3A_632] : memref<6x128x128xf32, #tpu.memory_space<vmem>> -> memref<1x128x128xf32, #tpu.memory_space<vmem>>
    %dma_start3A_634 = tpu.memref_squeeze %dma_start3A_633 : memref<1x128x128xf32, #tpu.memory_space<vmem>> -> memref<128x128xf32, #tpu.memory_space<vmem>>
    tpu.enqueue_dma source(%dma_start3A_634 : memref<128x128xf32, #tpu.memory_space<vmem>>) target(%dma_start3A_630 : memref<128x128xf32, #tpu.memory_space<hbm>>) target_semaphore(%arg15 : memref<!tpu.dma_semaphore, #tpu.memory_space<semaphore_mem>>)
    %dma_wait3A_635 = arith.constant 8 : i32
    %dma_wait3A_636 = arith.constant 2 : i32
    %dma_wait3A_637 = arith.constant 0 : i32
    %dma_wait3A_638 = arith.constant 0 : i32
    %dma_wait3A_639 = tpu.memref_slice %arg7[%dma_wait3A_636, %dma_wait3A_637, %dma_wait3A_638] : memref<6x128x128xf32, #tpu.memory_space<vmem>> -> memref<1x128x128xf32, #tpu.memory_space<vmem>>
    %dma_wait3A_640 = tpu.memref_squeeze %dma_wait3A_639 : memref<1x128x128xf32, #tpu.memory_space<vmem>> -> memref<128x128xf32, #tpu.memory_space<vmem>>
    %dma_wait3A_641 = arith.constant 0 : i32
    %dma_wait3A_642 = tpu.memref_slice %arg6[%dma_wait3A_635, %dma_wait3A_641] : memref<12x128xi32, #tpu.memory_space<vmem>> -> memref<1x128xi32, #tpu.memory_space<vmem>>
    %dma_wait3A_643 = tpu.memref_squeeze %dma_wait3A_642 : memref<1x128xi32, #tpu.memory_space<vmem>> -> memref<128xi32, #tpu.memory_space<vmem>>
    %dma_wait3A_644 = arith.constant 0 : i32
    %dma_wait3A_645 = arith.constant 0 : i32
    %dma_wait3A_646 = tpu.memref_slice %arg5[%dma_wait3A_644, %dma_wait3A_645] : memref<2048x128xf32, #tpu.memory_space<vmem_shared>> -> memref<2048x128xf32, #tpu.memory_space<vmem_shared>>
    tpu.wait_indirect_dma semaphore(%arg10 : memref<!tpu.dma_semaphore, #tpu.memory_space<semaphore_mem>>) src(%dma_wait3A_646 : memref<2048x128xf32, #tpu.memory_space<vmem_shared>>) dst(%dma_wait3A_640 : memref<128x128xf32, #tpu.memory_space<vmem>>)
    %dma_start3A_647 = arith.constant 2 : i32
    %dma_start3A_648 = arith.constant 8 : i32
    %dma_start3A_649 = arith.constant 0 : i32
    %dma_start3A_650 = arith.constant 0 : i32
    %dma_start3A_651 = tpu.memref_slice %arg7[%dma_start3A_647, %dma_start3A_649, %dma_start3A_650] : memref<6x128x128xf32, #tpu.memory_space<vmem>> -> memref<1x128x128xf32, #tpu.memory_space<vmem>>
    %dma_start3A_652 = tpu.memref_squeeze %dma_start3A_651 : memref<1x128x128xf32, #tpu.memory_space<vmem>> -> memref<128x128xf32, #tpu.memory_space<vmem>>
    %dma_start3A_653 = arith.constant 0 : i32
    %dma_start3A_654 = arith.constant 0 : i32
    %dma_start3A_655 = arith.constant 0 : i32
    %dma_start3A_656 = tpu.memref_slice %arg4[%add3A, %dma_start3A_653, %dma_start3A_654, %dma_start3A_655] : memref<32x12x128x128xf32, #tpu.memory_space<hbm>> -> memref<1x12x128x128xf32, #tpu.memory_space<hbm>>
    %dma_start3A_657 = tpu.memref_squeeze %dma_start3A_656 : memref<1x12x128x128xf32, #tpu.memory_space<hbm>> -> memref<12x128x128xf32, #tpu.memory_space<hbm>>
    %dma_start3A_658 = arith.constant 0 : i32
    %dma_start3A_659 = arith.constant 0 : i32
    %dma_start3A_660 = tpu.memref_slice %dma_start3A_657[%dma_start3A_648, %dma_start3A_658, %dma_start3A_659] : memref<12x128x128xf32, #tpu.memory_space<hbm>> -> memref<1x128x128xf32, #tpu.memory_space<hbm>>
    %dma_start3A_661 = tpu.memref_squeeze %dma_start3A_660 : memref<1x128x128xf32, #tpu.memory_space<hbm>> -> memref<128x128xf32, #tpu.memory_space<hbm>>
    %dma_start3A_662 = arith.constant 0 : i32
    %dma_start3A_663 = arith.constant 0 : i32
    %dma_start3A_664 = arith.constant 0 : i32
    %dma_start3A_665 = tpu.memref_slice %arg4[%add3A, %dma_start3A_662, %dma_start3A_663, %dma_start3A_664] : memref<32x12x128x128xf32, #tpu.memory_space<hbm>> -> memref<1x12x128x128xf32, #tpu.memory_space<hbm>>
    %dma_start3A_666 = tpu.memref_squeeze %dma_start3A_665 : memref<1x12x128x128xf32, #tpu.memory_space<hbm>> -> memref<12x128x128xf32, #tpu.memory_space<hbm>>
    %dma_start3A_667 = arith.constant 0 : i32
    %dma_start3A_668 = arith.constant 0 : i32
    %dma_start3A_669 = tpu.memref_slice %dma_start3A_666[%dma_start3A_648, %dma_start3A_667, %dma_start3A_668] : memref<12x128x128xf32, #tpu.memory_space<hbm>> -> memref<1x128x128xf32, #tpu.memory_space<hbm>>
    %dma_start3A_670 = tpu.memref_squeeze %dma_start3A_669 : memref<1x128x128xf32, #tpu.memory_space<hbm>> -> memref<128x128xf32, #tpu.memory_space<hbm>>
    %dma_start3A_671 = arith.constant 0 : i32
    %dma_start3A_672 = arith.constant 0 : i32
    %dma_start3A_673 = tpu.memref_slice %arg7[%dma_start3A_647, %dma_start3A_671, %dma_start3A_672] : memref<6x128x128xf32, #tpu.memory_space<vmem>> -> memref<1x128x128xf32, #tpu.memory_space<vmem>>
    %dma_start3A_674 = tpu.memref_squeeze %dma_start3A_673 : memref<1x128x128xf32, #tpu.memory_space<vmem>> -> memref<128x128xf32, #tpu.memory_space<vmem>>
    tpu.enqueue_dma source(%dma_start3A_674 : memref<128x128xf32, #tpu.memory_space<vmem>>) target(%dma_start3A_670 : memref<128x128xf32, #tpu.memory_space<hbm>>) target_semaphore(%arg16 : memref<!tpu.dma_semaphore, #tpu.memory_space<semaphore_mem>>)
    %dma_wait3A_675 = arith.constant 9 : i32
    %dma_wait3A_676 = arith.constant 3 : i32
    %dma_wait3A_677 = arith.constant 0 : i32
    %dma_wait3A_678 = arith.constant 0 : i32
    %dma_wait3A_679 = tpu.memref_slice %arg7[%dma_wait3A_676, %dma_wait3A_677, %dma_wait3A_678] : memref<6x128x128xf32, #tpu.memory_space<vmem>> -> memref<1x128x128xf32, #tpu.memory_space<vmem>>
    %dma_wait3A_680 = tpu.memref_squeeze %dma_wait3A_679 : memref<1x128x128xf32, #tpu.memory_space<vmem>> -> memref<128x128xf32, #tpu.memory_space<vmem>>
    %dma_wait3A_681 = arith.constant 0 : i32
    %dma_wait3A_682 = tpu.memref_slice %arg6[%dma_wait3A_675, %dma_wait3A_681] : memref<12x128xi32, #tpu.memory_space<vmem>> -> memref<1x128xi32, #tpu.memory_space<vmem>>
    %dma_wait3A_683 = tpu.memref_squeeze %dma_wait3A_682 : memref<1x128xi32, #tpu.memory_space<vmem>> -> memref<128xi32, #tpu.memory_space<vmem>>
    %dma_wait3A_684 = arith.constant 0 : i32
    %dma_wait3A_685 = arith.constant 0 : i32
    %dma_wait3A_686 = tpu.memref_slice %arg5[%dma_wait3A_684, %dma_wait3A_685] : memref<2048x128xf32, #tpu.memory_space<vmem_shared>> -> memref<2048x128xf32, #tpu.memory_space<vmem_shared>>
    tpu.wait_indirect_dma semaphore(%arg11 : memref<!tpu.dma_semaphore, #tpu.memory_space<semaphore_mem>>) src(%dma_wait3A_686 : memref<2048x128xf32, #tpu.memory_space<vmem_shared>>) dst(%dma_wait3A_680 : memref<128x128xf32, #tpu.memory_space<vmem>>)
    %dma_start3A_687 = arith.constant 3 : i32
    %dma_start3A_688 = arith.constant 9 : i32
    %dma_start3A_689 = arith.constant 0 : i32
    %dma_start3A_690 = arith.constant 0 : i32
    %dma_start3A_691 = tpu.memref_slice %arg7[%dma_start3A_687, %dma_start3A_689, %dma_start3A_690] : memref<6x128x128xf32, #tpu.memory_space<vmem>> -> memref<1x128x128xf32, #tpu.memory_space<vmem>>
    %dma_start3A_692 = tpu.memref_squeeze %dma_start3A_691 : memref<1x128x128xf32, #tpu.memory_space<vmem>> -> memref<128x128xf32, #tpu.memory_space<vmem>>
    %dma_start3A_693 = arith.constant 0 : i32
    %dma_start3A_694 = arith.constant 0 : i32
    %dma_start3A_695 = arith.constant 0 : i32
    %dma_start3A_696 = tpu.memref_slice %arg4[%add3A, %dma_start3A_693, %dma_start3A_694, %dma_start3A_695] : memref<32x12x128x128xf32, #tpu.memory_space<hbm>> -> memref<1x12x128x128xf32, #tpu.memory_space<hbm>>
    %dma_start3A_697 = tpu.memref_squeeze %dma_start3A_696 : memref<1x12x128x128xf32, #tpu.memory_space<hbm>> -> memref<12x128x128xf32, #tpu.memory_space<hbm>>
    %dma_start3A_698 = arith.constant 0 : i32
    %dma_start3A_699 = arith.constant 0 : i32
    %dma_start3A_700 = tpu.memref_slice %dma_start3A_697[%dma_start3A_688, %dma_start3A_698, %dma_start3A_699] : memref<12x128x128xf32, #tpu.memory_space<hbm>> -> memref<1x128x128xf32, #tpu.memory_space<hbm>>
    %dma_start3A_701 = tpu.memref_squeeze %dma_start3A_700 : memref<1x128x128xf32, #tpu.memory_space<hbm>> -> memref<128x128xf32, #tpu.memory_space<hbm>>
    %dma_start3A_702 = arith.constant 0 : i32
    %dma_start3A_703 = arith.constant 0 : i32
    %dma_start3A_704 = arith.constant 0 : i32
    %dma_start3A_705 = tpu.memref_slice %arg4[%add3A, %dma_start3A_702, %dma_start3A_703, %dma_start3A_704] : memref<32x12x128x128xf32, #tpu.memory_space<hbm>> -> memref<1x12x128x128xf32, #tpu.memory_space<hbm>>
    %dma_start3A_706 = tpu.memref_squeeze %dma_start3A_705 : memref<1x12x128x128xf32, #tpu.memory_space<hbm>> -> memref<12x128x128xf32, #tpu.memory_space<hbm>>
    %dma_start3A_707 = arith.constant 0 : i32
    %dma_start3A_708 = arith.constant 0 : i32
    %dma_start3A_709 = tpu.memref_slice %dma_start3A_706[%dma_start3A_688, %dma_start3A_707, %dma_start3A_708] : memref<12x128x128xf32, #tpu.memory_space<hbm>> -> memref<1x128x128xf32, #tpu.memory_space<hbm>>
    %dma_start3A_710 = tpu.memref_squeeze %dma_start3A_709 : memref<1x128x128xf32, #tpu.memory_space<hbm>> -> memref<128x128xf32, #tpu.memory_space<hbm>>
    %dma_start3A_711 = arith.constant 0 : i32
    %dma_start3A_712 = arith.constant 0 : i32
    %dma_start3A_713 = tpu.memref_slice %arg7[%dma_start3A_687, %dma_start3A_711, %dma_start3A_712] : memref<6x128x128xf32, #tpu.memory_space<vmem>> -> memref<1x128x128xf32, #tpu.memory_space<vmem>>
    %dma_start3A_714 = tpu.memref_squeeze %dma_start3A_713 : memref<1x128x128xf32, #tpu.memory_space<vmem>> -> memref<128x128xf32, #tpu.memory_space<vmem>>
    tpu.enqueue_dma source(%dma_start3A_714 : memref<128x128xf32, #tpu.memory_space<vmem>>) target(%dma_start3A_710 : memref<128x128xf32, #tpu.memory_space<hbm>>) target_semaphore(%arg17 : memref<!tpu.dma_semaphore, #tpu.memory_space<semaphore_mem>>)
    %dma_wait3A_715 = arith.constant 10 : i32
    %dma_wait3A_716 = arith.constant 4 : i32
    %dma_wait3A_717 = arith.constant 0 : i32
    %dma_wait3A_718 = arith.constant 0 : i32
    %dma_wait3A_719 = tpu.memref_slice %arg7[%dma_wait3A_716, %dma_wait3A_717, %dma_wait3A_718] : memref<6x128x128xf32, #tpu.memory_space<vmem>> -> memref<1x128x128xf32, #tpu.memory_space<vmem>>
    %dma_wait3A_720 = tpu.memref_squeeze %dma_wait3A_719 : memref<1x128x128xf32, #tpu.memory_space<vmem>> -> memref<128x128xf32, #tpu.memory_space<vmem>>
    %dma_wait3A_721 = arith.constant 0 : i32
    %dma_wait3A_722 = tpu.memref_slice %arg6[%dma_wait3A_715, %dma_wait3A_721] : memref<12x128xi32, #tpu.memory_space<vmem>> -> memref<1x128xi32, #tpu.memory_space<vmem>>
    %dma_wait3A_723 = tpu.memref_squeeze %dma_wait3A_722 : memref<1x128xi32, #tpu.memory_space<vmem>> -> memref<128xi32, #tpu.memory_space<vmem>>
    %dma_wait3A_724 = arith.constant 0 : i32
    %dma_wait3A_725 = arith.constant 0 : i32
    %dma_wait3A_726 = tpu.memref_slice %arg5[%dma_wait3A_724, %dma_wait3A_725] : memref<2048x128xf32, #tpu.memory_space<vmem_shared>> -> memref<2048x128xf32, #tpu.memory_space<vmem_shared>>
    tpu.wait_indirect_dma semaphore(%arg12 : memref<!tpu.dma_semaphore, #tpu.memory_space<semaphore_mem>>) src(%dma_wait3A_726 : memref<2048x128xf32, #tpu.memory_space<vmem_shared>>) dst(%dma_wait3A_720 : memref<128x128xf32, #tpu.memory_space<vmem>>)
    %dma_start3A_727 = arith.constant 4 : i32
    %dma_start3A_728 = arith.constant 10 : i32
    %dma_start3A_729 = arith.constant 0 : i32
    %dma_start3A_730 = arith.constant 0 : i32
    %dma_start3A_731 = tpu.memref_slice %arg7[%dma_start3A_727, %dma_start3A_729, %dma_start3A_730] : memref<6x128x128xf32, #tpu.memory_space<vmem>> -> memref<1x128x128xf32, #tpu.memory_space<vmem>>
    %dma_start3A_732 = tpu.memref_squeeze %dma_start3A_731 : memref<1x128x128xf32, #tpu.memory_space<vmem>> -> memref<128x128xf32, #tpu.memory_space<vmem>>
    %dma_start3A_733 = arith.constant 0 : i32
    %dma_start3A_734 = arith.constant 0 : i32
    %dma_start3A_735 = arith.constant 0 : i32
    %dma_start3A_736 = tpu.memref_slice %arg4[%add3A, %dma_start3A_733, %dma_start3A_734, %dma_start3A_735] : memref<32x12x128x128xf32, #tpu.memory_space<hbm>> -> memref<1x12x128x128xf32, #tpu.memory_space<hbm>>
    %dma_start3A_737 = tpu.memref_squeeze %dma_start3A_736 : memref<1x12x128x128xf32, #tpu.memory_space<hbm>> -> memref<12x128x128xf32, #tpu.memory_space<hbm>>
    %dma_start3A_738 = arith.constant 0 : i32
    %dma_start3A_739 = arith.constant 0 : i32
    %dma_start3A_740 = tpu.memref_slice %dma_start3A_737[%dma_start3A_728, %dma_start3A_738, %dma_start3A_739] : memref<12x128x128xf32, #tpu.memory_space<hbm>> -> memref<1x128x128xf32, #tpu.memory_space<hbm>>
    %dma_start3A_741 = tpu.memref_squeeze %dma_start3A_740 : memref<1x128x128xf32, #tpu.memory_space<hbm>> -> memref<128x128xf32, #tpu.memory_space<hbm>>
    %dma_start3A_742 = arith.constant 0 : i32
    %dma_start3A_743 = arith.constant 0 : i32
    %dma_start3A_744 = arith.constant 0 : i32
    %dma_start3A_745 = tpu.memref_slice %arg4[%add3A, %dma_start3A_742, %dma_start3A_743, %dma_start3A_744] : memref<32x12x128x128xf32, #tpu.memory_space<hbm>> -> memref<1x12x128x128xf32, #tpu.memory_space<hbm>>
    %dma_start3A_746 = tpu.memref_squeeze %dma_start3A_745 : memref<1x12x128x128xf32, #tpu.memory_space<hbm>> -> memref<12x128x128xf32, #tpu.memory_space<hbm>>
    %dma_start3A_747 = arith.constant 0 : i32
    %dma_start3A_748 = arith.constant 0 : i32
    %dma_start3A_749 = tpu.memref_slice %dma_start3A_746[%dma_start3A_728, %dma_start3A_747, %dma_start3A_748] : memref<12x128x128xf32, #tpu.memory_space<hbm>> -> memref<1x128x128xf32, #tpu.memory_space<hbm>>
    %dma_start3A_750 = tpu.memref_squeeze %dma_start3A_749 : memref<1x128x128xf32, #tpu.memory_space<hbm>> -> memref<128x128xf32, #tpu.memory_space<hbm>>
    %dma_start3A_751 = arith.constant 0 : i32
    %dma_start3A_752 = arith.constant 0 : i32
    %dma_start3A_753 = tpu.memref_slice %arg7[%dma_start3A_727, %dma_start3A_751, %dma_start3A_752] : memref<6x128x128xf32, #tpu.memory_space<vmem>> -> memref<1x128x128xf32, #tpu.memory_space<vmem>>
    %dma_start3A_754 = tpu.memref_squeeze %dma_start3A_753 : memref<1x128x128xf32, #tpu.memory_space<vmem>> -> memref<128x128xf32, #tpu.memory_space<vmem>>
    tpu.enqueue_dma source(%dma_start3A_754 : memref<128x128xf32, #tpu.memory_space<vmem>>) target(%dma_start3A_750 : memref<128x128xf32, #tpu.memory_space<hbm>>) target_semaphore(%arg18 : memref<!tpu.dma_semaphore, #tpu.memory_space<semaphore_mem>>)
    %dma_wait3A_755 = arith.constant 11 : i32
    %dma_wait3A_756 = arith.constant 5 : i32
    %dma_wait3A_757 = arith.constant 0 : i32
    %dma_wait3A_758 = arith.constant 0 : i32
    %dma_wait3A_759 = tpu.memref_slice %arg7[%dma_wait3A_756, %dma_wait3A_757, %dma_wait3A_758] : memref<6x128x128xf32, #tpu.memory_space<vmem>> -> memref<1x128x128xf32, #tpu.memory_space<vmem>>
    %dma_wait3A_760 = tpu.memref_squeeze %dma_wait3A_759 : memref<1x128x128xf32, #tpu.memory_space<vmem>> -> memref<128x128xf32, #tpu.memory_space<vmem>>
    %dma_wait3A_761 = arith.constant 0 : i32
    %dma_wait3A_762 = tpu.memref_slice %arg6[%dma_wait3A_755, %dma_wait3A_761] : memref<12x128xi32, #tpu.memory_space<vmem>> -> memref<1x128xi32, #tpu.memory_space<vmem>>
    %dma_wait3A_763 = tpu.memref_squeeze %dma_wait3A_762 : memref<1x128xi32, #tpu.memory_space<vmem>> -> memref<128xi32, #tpu.memory_space<vmem>>
    %dma_wait3A_764 = arith.constant 0 : i32
    %dma_wait3A_765 = arith.constant 0 : i32
    %dma_wait3A_766 = tpu.memref_slice %arg5[%dma_wait3A_764, %dma_wait3A_765] : memref<2048x128xf32, #tpu.memory_space<vmem_shared>> -> memref<2048x128xf32, #tpu.memory_space<vmem_shared>>
    tpu.wait_indirect_dma semaphore(%arg13 : memref<!tpu.dma_semaphore, #tpu.memory_space<semaphore_mem>>) src(%dma_wait3A_766 : memref<2048x128xf32, #tpu.memory_space<vmem_shared>>) dst(%dma_wait3A_760 : memref<128x128xf32, #tpu.memory_space<vmem>>)
    %dma_start3A_767 = arith.constant 5 : i32
    %dma_start3A_768 = arith.constant 11 : i32
    %dma_start3A_769 = arith.constant 0 : i32
    %dma_start3A_770 = arith.constant 0 : i32
    %dma_start3A_771 = tpu.memref_slice %arg7[%dma_start3A_767, %dma_start3A_769, %dma_start3A_770] : memref<6x128x128xf32, #tpu.memory_space<vmem>> -> memref<1x128x128xf32, #tpu.memory_space<vmem>>
    %dma_start3A_772 = tpu.memref_squeeze %dma_start3A_771 : memref<1x128x128xf32, #tpu.memory_space<vmem>> -> memref<128x128xf32, #tpu.memory_space<vmem>>
    %dma_start3A_773 = arith.constant 0 : i32
    %dma_start3A_774 = arith.constant 0 : i32
    %dma_start3A_775 = arith.constant 0 : i32
    %dma_start3A_776 = tpu.memref_slice %arg4[%add3A, %dma_start3A_773, %dma_start3A_774, %dma_start3A_775] : memref<32x12x128x128xf32, #tpu.memory_space<hbm>> -> memref<1x12x128x128xf32, #tpu.memory_space<hbm>>
    %dma_start3A_777 = tpu.memref_squeeze %dma_start3A_776 : memref<1x12x128x128xf32, #tpu.memory_space<hbm>> -> memref<12x128x128xf32, #tpu.memory_space<hbm>>
    %dma_start3A_778 = arith.constant 0 : i32
    %dma_start3A_779 = arith.constant 0 : i32
    %dma_start3A_780 = tpu.memref_slice %dma_start3A_777[%dma_start3A_768, %dma_start3A_778, %dma_start3A_779] : memref<12x128x128xf32, #tpu.memory_space<hbm>> -> memref<1x128x128xf32, #tpu.memory_space<hbm>>
    %dma_start3A_781 = tpu.memref_squeeze %dma_start3A_780 : memref<1x128x128xf32, #tpu.memory_space<hbm>> -> memref<128x128xf32, #tpu.memory_space<hbm>>
    %dma_start3A_782 = arith.constant 0 : i32
    %dma_start3A_783 = arith.constant 0 : i32
    %dma_start3A_784 = arith.constant 0 : i32
    %dma_start3A_785 = tpu.memref_slice %arg4[%add3A, %dma_start3A_782, %dma_start3A_783, %dma_start3A_784] : memref<32x12x128x128xf32, #tpu.memory_space<hbm>> -> memref<1x12x128x128xf32, #tpu.memory_space<hbm>>
    %dma_start3A_786 = tpu.memref_squeeze %dma_start3A_785 : memref<1x12x128x128xf32, #tpu.memory_space<hbm>> -> memref<12x128x128xf32, #tpu.memory_space<hbm>>
    %dma_start3A_787 = arith.constant 0 : i32
    %dma_start3A_788 = arith.constant 0 : i32
    %dma_start3A_789 = tpu.memref_slice %dma_start3A_786[%dma_start3A_768, %dma_start3A_787, %dma_start3A_788] : memref<12x128x128xf32, #tpu.memory_space<hbm>> -> memref<1x128x128xf32, #tpu.memory_space<hbm>>
    %dma_start3A_790 = tpu.memref_squeeze %dma_start3A_789 : memref<1x128x128xf32, #tpu.memory_space<hbm>> -> memref<128x128xf32, #tpu.memory_space<hbm>>
    %dma_start3A_791 = arith.constant 0 : i32
    %dma_start3A_792 = arith.constant 0 : i32
    %dma_start3A_793 = tpu.memref_slice %arg7[%dma_start3A_767, %dma_start3A_791, %dma_start3A_792] : memref<6x128x128xf32, #tpu.memory_space<vmem>> -> memref<1x128x128xf32, #tpu.memory_space<vmem>>
    %dma_start3A_794 = tpu.memref_squeeze %dma_start3A_793 : memref<1x128x128xf32, #tpu.memory_space<vmem>> -> memref<128x128xf32, #tpu.memory_space<vmem>>
    tpu.enqueue_dma source(%dma_start3A_794 : memref<128x128xf32, #tpu.memory_space<vmem>>) target(%dma_start3A_790 : memref<128x128xf32, #tpu.memory_space<hbm>>) target_semaphore(%arg19 : memref<!tpu.dma_semaphore, #tpu.memory_space<semaphore_mem>>)
    %dma_wait3A_795 = arith.constant 0 : i32
    %dma_wait3A_796 = arith.constant 6 : i32
    %dma_wait3A_797 = arith.constant 0 : i32
    %dma_wait3A_798 = arith.constant 0 : i32
    %dma_wait3A_799 = tpu.memref_slice %arg7[%dma_wait3A_795, %dma_wait3A_797, %dma_wait3A_798] : memref<6x128x128xf32, #tpu.memory_space<vmem>> -> memref<1x128x128xf32, #tpu.memory_space<vmem>>
    %dma_wait3A_800 = tpu.memref_squeeze %dma_wait3A_799 : memref<1x128x128xf32, #tpu.memory_space<vmem>> -> memref<128x128xf32, #tpu.memory_space<vmem>>
    %dma_wait3A_801 = arith.constant 0 : i32
    %dma_wait3A_802 = arith.constant 0 : i32
    %dma_wait3A_803 = arith.constant 0 : i32
    %dma_wait3A_804 = tpu.memref_slice %arg4[%add3A, %dma_wait3A_801, %dma_wait3A_802, %dma_wait3A_803] : memref<32x12x128x128xf32, #tpu.memory_space<hbm>> -> memref<1x12x128x128xf32, #tpu.memory_space<hbm>>
    %dma_wait3A_805 = tpu.memref_squeeze %dma_wait3A_804 : memref<1x12x128x128xf32, #tpu.memory_space<hbm>> -> memref<12x128x128xf32, #tpu.memory_space<hbm>>
    %dma_wait3A_806 = arith.constant 0 : i32
    %dma_wait3A_807 = arith.constant 0 : i32
    %dma_wait3A_808 = tpu.memref_slice %dma_wait3A_805[%dma_wait3A_796, %dma_wait3A_806, %dma_wait3A_807] : memref<12x128x128xf32, #tpu.memory_space<hbm>> -> memref<1x128x128xf32, #tpu.memory_space<hbm>>
    %dma_wait3A_809 = tpu.memref_squeeze %dma_wait3A_808 : memref<1x128x128xf32, #tpu.memory_space<hbm>> -> memref<128x128xf32, #tpu.memory_space<hbm>>
    %dma_wait3A_810 = arith.constant 0 : i32
    %dma_wait3A_811 = arith.constant 0 : i32
    %dma_wait3A_812 = arith.constant 0 : i32
    %dma_wait3A_813 = tpu.memref_slice %arg4[%add3A, %dma_wait3A_810, %dma_wait3A_811, %dma_wait3A_812] : memref<32x12x128x128xf32, #tpu.memory_space<hbm>> -> memref<1x12x128x128xf32, #tpu.memory_space<hbm>>
    %dma_wait3A_814 = tpu.memref_squeeze %dma_wait3A_813 : memref<1x12x128x128xf32, #tpu.memory_space<hbm>> -> memref<12x128x128xf32, #tpu.memory_space<hbm>>
    %dma_wait3A_815 = arith.constant 0 : i32
    %dma_wait3A_816 = arith.constant 0 : i32
    %dma_wait3A_817 = tpu.memref_slice %dma_wait3A_814[%dma_wait3A_796, %dma_wait3A_815, %dma_wait3A_816] : memref<12x128x128xf32, #tpu.memory_space<hbm>> -> memref<1x128x128xf32, #tpu.memory_space<hbm>>
    %dma_wait3A_818 = tpu.memref_squeeze %dma_wait3A_817 : memref<1x128x128xf32, #tpu.memory_space<hbm>> -> memref<128x128xf32, #tpu.memory_space<hbm>>
    %dma_wait3A_819 = arith.constant 0 : i32
    %dma_wait3A_820 = arith.constant 0 : i32
    %dma_wait3A_821 = tpu.memref_slice %arg7[%dma_wait3A_795, %dma_wait3A_819, %dma_wait3A_820] : memref<6x128x128xf32, #tpu.memory_space<vmem>> -> memref<1x128x128xf32, #tpu.memory_space<vmem>>
    %dma_wait3A_822 = tpu.memref_squeeze %dma_wait3A_821 : memref<1x128x128xf32, #tpu.memory_space<vmem>> -> memref<128x128xf32, #tpu.memory_space<vmem>>
    tpu.wait_dma2 semaphore(%arg14 : memref<!tpu.dma_semaphore, #tpu.memory_space<semaphore_mem>>) src(%dma_wait3A_822 : memref<128x128xf32, #tpu.memory_space<vmem>>) dst(%dma_wait3A_818 : memref<128x128xf32, #tpu.memory_space<hbm>>)
    %dma_wait3A_823 = arith.constant 1 : i32
    %dma_wait3A_824 = arith.constant 7 : i32
    %dma_wait3A_825 = arith.constant 0 : i32
    %dma_wait3A_826 = arith.constant 0 : i32
    %dma_wait3A_827 = tpu.memref_slice %arg7[%dma_wait3A_823, %dma_wait3A_825, %dma_wait3A_826] : memref<6x128x128xf32, #tpu.memory_space<vmem>> -> memref<1x128x128xf32, #tpu.memory_space<vmem>>
    %dma_wait3A_828 = tpu.memref_squeeze %dma_wait3A_827 : memref<1x128x128xf32, #tpu.memory_space<vmem>> -> memref<128x128xf32, #tpu.memory_space<vmem>>
    %dma_wait3A_829 = arith.constant 0 : i32
    %dma_wait3A_830 = arith.constant 0 : i32
    %dma_wait3A_831 = arith.constant 0 : i32
    %dma_wait3A_832 = tpu.memref_slice %arg4[%add3A, %dma_wait3A_829, %dma_wait3A_830, %dma_wait3A_831] : memref<32x12x128x128xf32, #tpu.memory_space<hbm>> -> memref<1x12x128x128xf32, #tpu.memory_space<hbm>>
    %dma_wait3A_833 = tpu.memref_squeeze %dma_wait3A_832 : memref<1x12x128x128xf32, #tpu.memory_space<hbm>> -> memref<12x128x128xf32, #tpu.memory_space<hbm>>
    %dma_wait3A_834 = arith.constant 0 : i32
    %dma_wait3A_835 = arith.constant 0 : i32
    %dma_wait3A_836 = tpu.memref_slice %dma_wait3A_833[%dma_wait3A_824, %dma_wait3A_834, %dma_wait3A_835] : memref<12x128x128xf32, #tpu.memory_space<hbm>> -> memref<1x128x128xf32, #tpu.memory_space<hbm>>
    %dma_wait3A_837 = tpu.memref_squeeze %dma_wait3A_836 : memref<1x128x128xf32, #tpu.memory_space<hbm>> -> memref<128x128xf32, #tpu.memory_space<hbm>>
    %dma_wait3A_838 = arith.constant 0 : i32
    %dma_wait3A_839 = arith.constant 0 : i32
    %dma_wait3A_840 = arith.constant 0 : i32
    %dma_wait3A_841 = tpu.memref_slice %arg4[%add3A, %dma_wait3A_838, %dma_wait3A_839, %dma_wait3A_840] : memref<32x12x128x128xf32, #tpu.memory_space<hbm>> -> memref<1x12x128x128xf32, #tpu.memory_space<hbm>>
    %dma_wait3A_842 = tpu.memref_squeeze %dma_wait3A_841 : memref<1x12x128x128xf32, #tpu.memory_space<hbm>> -> memref<12x128x128xf32, #tpu.memory_space<hbm>>
    %dma_wait3A_843 = arith.constant 0 : i32
    %dma_wait3A_844 = arith.constant 0 : i32
    %dma_wait3A_845 = tpu.memref_slice %dma_wait3A_842[%dma_wait3A_824, %dma_wait3A_843, %dma_wait3A_844] : memref<12x128x128xf32, #tpu.memory_space<hbm>> -> memref<1x128x128xf32, #tpu.memory_space<hbm>>
    %dma_wait3A_846 = tpu.memref_squeeze %dma_wait3A_845 : memref<1x128x128xf32, #tpu.memory_space<hbm>> -> memref<128x128xf32, #tpu.memory_space<hbm>>
    %dma_wait3A_847 = arith.constant 0 : i32
    %dma_wait3A_848 = arith.constant 0 : i32
    %dma_wait3A_849 = tpu.memref_slice %arg7[%dma_wait3A_823, %dma_wait3A_847, %dma_wait3A_848] : memref<6x128x128xf32, #tpu.memory_space<vmem>> -> memref<1x128x128xf32, #tpu.memory_space<vmem>>
    %dma_wait3A_850 = tpu.memref_squeeze %dma_wait3A_849 : memref<1x128x128xf32, #tpu.memory_space<vmem>> -> memref<128x128xf32, #tpu.memory_space<vmem>>
    tpu.wait_dma2 semaphore(%arg15 : memref<!tpu.dma_semaphore, #tpu.memory_space<semaphore_mem>>) src(%dma_wait3A_850 : memref<128x128xf32, #tpu.memory_space<vmem>>) dst(%dma_wait3A_846 : memref<128x128xf32, #tpu.memory_space<hbm>>)
    %dma_wait3A_851 = arith.constant 2 : i32
    %dma_wait3A_852 = arith.constant 8 : i32
    %dma_wait3A_853 = arith.constant 0 : i32
    %dma_wait3A_854 = arith.constant 0 : i32
    %dma_wait3A_855 = tpu.memref_slice %arg7[%dma_wait3A_851, %dma_wait3A_853, %dma_wait3A_854] : memref<6x128x128xf32, #tpu.memory_space<vmem>> -> memref<1x128x128xf32, #tpu.memory_space<vmem>>
    %dma_wait3A_856 = tpu.memref_squeeze %dma_wait3A_855 : memref<1x128x128xf32, #tpu.memory_space<vmem>> -> memref<128x128xf32, #tpu.memory_space<vmem>>
    %dma_wait3A_857 = arith.constant 0 : i32
    %dma_wait3A_858 = arith.constant 0 : i32
    %dma_wait3A_859 = arith.constant 0 : i32
    %dma_wait3A_860 = tpu.memref_slice %arg4[%add3A, %dma_wait3A_857, %dma_wait3A_858, %dma_wait3A_859] : memref<32x12x128x128xf32, #tpu.memory_space<hbm>> -> memref<1x12x128x128xf32, #tpu.memory_space<hbm>>
    %dma_wait3A_861 = tpu.memref_squeeze %dma_wait3A_860 : memref<1x12x128x128xf32, #tpu.memory_space<hbm>> -> memref<12x128x128xf32, #tpu.memory_space<hbm>>
    %dma_wait3A_862 = arith.constant 0 : i32
    %dma_wait3A_863 = arith.constant 0 : i32
    %dma_wait3A_864 = tpu.memref_slice %dma_wait3A_861[%dma_wait3A_852, %dma_wait3A_862, %dma_wait3A_863] : memref<12x128x128xf32, #tpu.memory_space<hbm>> -> memref<1x128x128xf32, #tpu.memory_space<hbm>>
    %dma_wait3A_865 = tpu.memref_squeeze %dma_wait3A_864 : memref<1x128x128xf32, #tpu.memory_space<hbm>> -> memref<128x128xf32, #tpu.memory_space<hbm>>
    %dma_wait3A_866 = arith.constant 0 : i32
    %dma_wait3A_867 = arith.constant 0 : i32
    %dma_wait3A_868 = arith.constant 0 : i32
    %dma_wait3A_869 = tpu.memref_slice %arg4[%add3A, %dma_wait3A_866, %dma_wait3A_867, %dma_wait3A_868] : memref<32x12x128x128xf32, #tpu.memory_space<hbm>> -> memref<1x12x128x128xf32, #tpu.memory_space<hbm>>
    %dma_wait3A_870 = tpu.memref_squeeze %dma_wait3A_869 : memref<1x12x128x128xf32, #tpu.memory_space<hbm>> -> memref<12x128x128xf32, #tpu.memory_space<hbm>>
    %dma_wait3A_871 = arith.constant 0 : i32
    %dma_wait3A_872 = arith.constant 0 : i32
    %dma_wait3A_873 = tpu.memref_slice %dma_wait3A_870[%dma_wait3A_852, %dma_wait3A_871, %dma_wait3A_872] : memref<12x128x128xf32, #tpu.memory_space<hbm>> -> memref<1x128x128xf32, #tpu.memory_space<hbm>>
    %dma_wait3A_874 = tpu.memref_squeeze %dma_wait3A_873 : memref<1x128x128xf32, #tpu.memory_space<hbm>> -> memref<128x128xf32, #tpu.memory_space<hbm>>
    %dma_wait3A_875 = arith.constant 0 : i32
    %dma_wait3A_876 = arith.constant 0 : i32
    %dma_wait3A_877 = tpu.memref_slice %arg7[%dma_wait3A_851, %dma_wait3A_875, %dma_wait3A_876] : memref<6x128x128xf32, #tpu.memory_space<vmem>> -> memref<1x128x128xf32, #tpu.memory_space<vmem>>
    %dma_wait3A_878 = tpu.memref_squeeze %dma_wait3A_877 : memref<1x128x128xf32, #tpu.memory_space<vmem>> -> memref<128x128xf32, #tpu.memory_space<vmem>>
    tpu.wait_dma2 semaphore(%arg16 : memref<!tpu.dma_semaphore, #tpu.memory_space<semaphore_mem>>) src(%dma_wait3A_878 : memref<128x128xf32, #tpu.memory_space<vmem>>) dst(%dma_wait3A_874 : memref<128x128xf32, #tpu.memory_space<hbm>>)
    %dma_wait3A_879 = arith.constant 3 : i32
    %dma_wait3A_880 = arith.constant 9 : i32
    %dma_wait3A_881 = arith.constant 0 : i32
    %dma_wait3A_882 = arith.constant 0 : i32
    %dma_wait3A_883 = tpu.memref_slice %arg7[%dma_wait3A_879, %dma_wait3A_881, %dma_wait3A_882] : memref<6x128x128xf32, #tpu.memory_space<vmem>> -> memref<1x128x128xf32, #tpu.memory_space<vmem>>
    %dma_wait3A_884 = tpu.memref_squeeze %dma_wait3A_883 : memref<1x128x128xf32, #tpu.memory_space<vmem>> -> memref<128x128xf32, #tpu.memory_space<vmem>>
    %dma_wait3A_885 = arith.constant 0 : i32
    %dma_wait3A_886 = arith.constant 0 : i32
    %dma_wait3A_887 = arith.constant 0 : i32
    %dma_wait3A_888 = tpu.memref_slice %arg4[%add3A, %dma_wait3A_885, %dma_wait3A_886, %dma_wait3A_887] : memref<32x12x128x128xf32, #tpu.memory_space<hbm>> -> memref<1x12x128x128xf32, #tpu.memory_space<hbm>>
    %dma_wait3A_889 = tpu.memref_squeeze %dma_wait3A_888 : memref<1x12x128x128xf32, #tpu.memory_space<hbm>> -> memref<12x128x128xf32, #tpu.memory_space<hbm>>
    %dma_wait3A_890 = arith.constant 0 : i32
    %dma_wait3A_891 = arith.constant 0 : i32
    %dma_wait3A_892 = tpu.memref_slice %dma_wait3A_889[%dma_wait3A_880, %dma_wait3A_890, %dma_wait3A_891] : memref<12x128x128xf32, #tpu.memory_space<hbm>> -> memref<1x128x128xf32, #tpu.memory_space<hbm>>
    %dma_wait3A_893 = tpu.memref_squeeze %dma_wait3A_892 : memref<1x128x128xf32, #tpu.memory_space<hbm>> -> memref<128x128xf32, #tpu.memory_space<hbm>>
    %dma_wait3A_894 = arith.constant 0 : i32
    %dma_wait3A_895 = arith.constant 0 : i32
    %dma_wait3A_896 = arith.constant 0 : i32
    %dma_wait3A_897 = tpu.memref_slice %arg4[%add3A, %dma_wait3A_894, %dma_wait3A_895, %dma_wait3A_896] : memref<32x12x128x128xf32, #tpu.memory_space<hbm>> -> memref<1x12x128x128xf32, #tpu.memory_space<hbm>>
    %dma_wait3A_898 = tpu.memref_squeeze %dma_wait3A_897 : memref<1x12x128x128xf32, #tpu.memory_space<hbm>> -> memref<12x128x128xf32, #tpu.memory_space<hbm>>
    %dma_wait3A_899 = arith.constant 0 : i32
    %dma_wait3A_900 = arith.constant 0 : i32
    %dma_wait3A_901 = tpu.memref_slice %dma_wait3A_898[%dma_wait3A_880, %dma_wait3A_899, %dma_wait3A_900] : memref<12x128x128xf32, #tpu.memory_space<hbm>> -> memref<1x128x128xf32, #tpu.memory_space<hbm>>
    %dma_wait3A_902 = tpu.memref_squeeze %dma_wait3A_901 : memref<1x128x128xf32, #tpu.memory_space<hbm>> -> memref<128x128xf32, #tpu.memory_space<hbm>>
    %dma_wait3A_903 = arith.constant 0 : i32
    %dma_wait3A_904 = arith.constant 0 : i32
    %dma_wait3A_905 = tpu.memref_slice %arg7[%dma_wait3A_879, %dma_wait3A_903, %dma_wait3A_904] : memref<6x128x128xf32, #tpu.memory_space<vmem>> -> memref<1x128x128xf32, #tpu.memory_space<vmem>>
    %dma_wait3A_906 = tpu.memref_squeeze %dma_wait3A_905 : memref<1x128x128xf32, #tpu.memory_space<vmem>> -> memref<128x128xf32, #tpu.memory_space<vmem>>
    tpu.wait_dma2 semaphore(%arg17 : memref<!tpu.dma_semaphore, #tpu.memory_space<semaphore_mem>>) src(%dma_wait3A_906 : memref<128x128xf32, #tpu.memory_space<vmem>>) dst(%dma_wait3A_902 : memref<128x128xf32, #tpu.memory_space<hbm>>)
    %dma_wait3A_907 = arith.constant 4 : i32
    %dma_wait3A_908 = arith.constant 10 : i32
    %dma_wait3A_909 = arith.constant 0 : i32
    %dma_wait3A_910 = arith.constant 0 : i32
    %dma_wait3A_911 = tpu.memref_slice %arg7[%dma_wait3A_907, %dma_wait3A_909, %dma_wait3A_910] : memref<6x128x128xf32, #tpu.memory_space<vmem>> -> memref<1x128x128xf32, #tpu.memory_space<vmem>>
    %dma_wait3A_912 = tpu.memref_squeeze %dma_wait3A_911 : memref<1x128x128xf32, #tpu.memory_space<vmem>> -> memref<128x128xf32, #tpu.memory_space<vmem>>
    %dma_wait3A_913 = arith.constant 0 : i32
    %dma_wait3A_914 = arith.constant 0 : i32
    %dma_wait3A_915 = arith.constant 0 : i32
    %dma_wait3A_916 = tpu.memref_slice %arg4[%add3A, %dma_wait3A_913, %dma_wait3A_914, %dma_wait3A_915] : memref<32x12x128x128xf32, #tpu.memory_space<hbm>> -> memref<1x12x128x128xf32, #tpu.memory_space<hbm>>
    %dma_wait3A_917 = tpu.memref_squeeze %dma_wait3A_916 : memref<1x12x128x128xf32, #tpu.memory_space<hbm>> -> memref<12x128x128xf32, #tpu.memory_space<hbm>>
    %dma_wait3A_918 = arith.constant 0 : i32
    %dma_wait3A_919 = arith.constant 0 : i32
    %dma_wait3A_920 = tpu.memref_slice %dma_wait3A_917[%dma_wait3A_908, %dma_wait3A_918, %dma_wait3A_919] : memref<12x128x128xf32, #tpu.memory_space<hbm>> -> memref<1x128x128xf32, #tpu.memory_space<hbm>>
    %dma_wait3A_921 = tpu.memref_squeeze %dma_wait3A_920 : memref<1x128x128xf32, #tpu.memory_space<hbm>> -> memref<128x128xf32, #tpu.memory_space<hbm>>
    %dma_wait3A_922 = arith.constant 0 : i32
    %dma_wait3A_923 = arith.constant 0 : i32
    %dma_wait3A_924 = arith.constant 0 : i32
    %dma_wait3A_925 = tpu.memref_slice %arg4[%add3A, %dma_wait3A_922, %dma_wait3A_923, %dma_wait3A_924] : memref<32x12x128x128xf32, #tpu.memory_space<hbm>> -> memref<1x12x128x128xf32, #tpu.memory_space<hbm>>
    %dma_wait3A_926 = tpu.memref_squeeze %dma_wait3A_925 : memref<1x12x128x128xf32, #tpu.memory_space<hbm>> -> memref<12x128x128xf32, #tpu.memory_space<hbm>>
    %dma_wait3A_927 = arith.constant 0 : i32
    %dma_wait3A_928 = arith.constant 0 : i32
    %dma_wait3A_929 = tpu.memref_slice %dma_wait3A_926[%dma_wait3A_908, %dma_wait3A_927, %dma_wait3A_928] : memref<12x128x128xf32, #tpu.memory_space<hbm>> -> memref<1x128x128xf32, #tpu.memory_space<hbm>>
    %dma_wait3A_930 = tpu.memref_squeeze %dma_wait3A_929 : memref<1x128x128xf32, #tpu.memory_space<hbm>> -> memref<128x128xf32, #tpu.memory_space<hbm>>
    %dma_wait3A_931 = arith.constant 0 : i32
    %dma_wait3A_932 = arith.constant 0 : i32
    %dma_wait3A_933 = tpu.memref_slice %arg7[%dma_wait3A_907, %dma_wait3A_931, %dma_wait3A_932] : memref<6x128x128xf32, #tpu.memory_space<vmem>> -> memref<1x128x128xf32, #tpu.memory_space<vmem>>
    %dma_wait3A_934 = tpu.memref_squeeze %dma_wait3A_933 : memref<1x128x128xf32, #tpu.memory_space<vmem>> -> memref<128x128xf32, #tpu.memory_space<vmem>>
    tpu.wait_dma2 semaphore(%arg18 : memref<!tpu.dma_semaphore, #tpu.memory_space<semaphore_mem>>) src(%dma_wait3A_934 : memref<128x128xf32, #tpu.memory_space<vmem>>) dst(%dma_wait3A_930 : memref<128x128xf32, #tpu.memory_space<hbm>>)
    %dma_wait3A_935 = arith.constant 5 : i32
    %dma_wait3A_936 = arith.constant 11 : i32
    %dma_wait3A_937 = arith.constant 0 : i32
    %dma_wait3A_938 = arith.constant 0 : i32
    %dma_wait3A_939 = tpu.memref_slice %arg7[%dma_wait3A_935, %dma_wait3A_937, %dma_wait3A_938] : memref<6x128x128xf32, #tpu.memory_space<vmem>> -> memref<1x128x128xf32, #tpu.memory_space<vmem>>
    %dma_wait3A_940 = tpu.memref_squeeze %dma_wait3A_939 : memref<1x128x128xf32, #tpu.memory_space<vmem>> -> memref<128x128xf32, #tpu.memory_space<vmem>>
    %dma_wait3A_941 = arith.constant 0 : i32
    %dma_wait3A_942 = arith.constant 0 : i32
    %dma_wait3A_943 = arith.constant 0 : i32
    %dma_wait3A_944 = tpu.memref_slice %arg4[%add3A, %dma_wait3A_941, %dma_wait3A_942, %dma_wait3A_943] : memref<32x12x128x128xf32, #tpu.memory_space<hbm>> -> memref<1x12x128x128xf32, #tpu.memory_space<hbm>>
    %dma_wait3A_945 = tpu.memref_squeeze %dma_wait3A_944 : memref<1x12x128x128xf32, #tpu.memory_space<hbm>> -> memref<12x128x128xf32, #tpu.memory_space<hbm>>
    %dma_wait3A_946 = arith.constant 0 : i32
    %dma_wait3A_947 = arith.constant 0 : i32
    %dma_wait3A_948 = tpu.memref_slice %dma_wait3A_945[%dma_wait3A_936, %dma_wait3A_946, %dma_wait3A_947] : memref<12x128x128xf32, #tpu.memory_space<hbm>> -> memref<1x128x128xf32, #tpu.memory_space<hbm>>
    %dma_wait3A_949 = tpu.memref_squeeze %dma_wait3A_948 : memref<1x128x128xf32, #tpu.memory_space<hbm>> -> memref<128x128xf32, #tpu.memory_space<hbm>>
    %dma_wait3A_950 = arith.constant 0 : i32
    %dma_wait3A_951 = arith.constant 0 : i32
    %dma_wait3A_952 = arith.constant 0 : i32
    %dma_wait3A_953 = tpu.memref_slice %arg4[%add3A, %dma_wait3A_950, %dma_wait3A_951, %dma_wait3A_952] : memref<32x12x128x128xf32, #tpu.memory_space<hbm>> -> memref<1x12x128x128xf32, #tpu.memory_space<hbm>>
    %dma_wait3A_954 = tpu.memref_squeeze %dma_wait3A_953 : memref<1x12x128x128xf32, #tpu.memory_space<hbm>> -> memref<12x128x128xf32, #tpu.memory_space<hbm>>
    %dma_wait3A_955 = arith.constant 0 : i32
    %dma_wait3A_956 = arith.constant 0 : i32
    %dma_wait3A_957 = tpu.memref_slice %dma_wait3A_954[%dma_wait3A_936, %dma_wait3A_955, %dma_wait3A_956] : memref<12x128x128xf32, #tpu.memory_space<hbm>> -> memref<1x128x128xf32, #tpu.memory_space<hbm>>
    %dma_wait3A_958 = tpu.memref_squeeze %dma_wait3A_957 : memref<1x128x128xf32, #tpu.memory_space<hbm>> -> memref<128x128xf32, #tpu.memory_space<hbm>>
    %dma_wait3A_959 = arith.constant 0 : i32
    %dma_wait3A_960 = arith.constant 0 : i32
    %dma_wait3A_961 = tpu.memref_slice %arg7[%dma_wait3A_935, %dma_wait3A_959, %dma_wait3A_960] : memref<6x128x128xf32, #tpu.memory_space<vmem>> -> memref<1x128x128xf32, #tpu.memory_space<vmem>>
    %dma_wait3A_962 = tpu.memref_squeeze %dma_wait3A_961 : memref<1x128x128xf32, #tpu.memory_space<vmem>> -> memref<128x128xf32, #tpu.memory_space<vmem>>
    tpu.wait_dma2 semaphore(%arg19 : memref<!tpu.dma_semaphore, #tpu.memory_space<semaphore_mem>>) src(%dma_wait3A_962 : memref<128x128xf32, #tpu.memory_space<vmem>>) dst(%dma_wait3A_958 : memref<128x128xf32, #tpu.memory_space<hbm>>)
    return
  }
}

module attributes {stable_mosaic.version = 14 : i64} {
  func.func @_prep_body(%arg0: memref<64x3xf32, #tpu.memory_space<vmem>>, %arg1: memref<64x3xf32, #tpu.memory_space<vmem>>, %arg2: memref<64x768xi32, #tpu.memory_space<vmem>>, %arg3: memref<8x64x768xf32, #tpu.memory_space<vmem>>) attributes {dimension_semantics = [], scalar_prefetch = 0 : i64, scratch_operands = 0 : i64, tpu.core_type = #tpu.core_type<tc>} {
    %get3A = arith.constant 0 : index
    %get3A_0 = arith.constant 0 : index
    %get3A_1 = vector.load %arg0[%get3A, %get3A_0] : memref<64x3xf32, #tpu.memory_space<vmem>>, vector<64x3xf32>
    %get3A_2 = arith.constant 0 : index
    %get3A_3 = arith.constant 0 : index
    %get3A_4 = vector.load %arg1[%get3A_2, %get3A_3] : memref<64x3xf32, #tpu.memory_space<vmem>>, vector<64x3xf32>
    %sub3A = arith.constant 1.300000e+00 : f32
    %sub3A_5 = vector.broadcast %sub3A : f32 to vector<64x3xf32>
    %sub3A_6 = arith.subf %sub3A_5, %get3A_1 : vector<64x3xf32>
    %div3A = arith.divf %sub3A_6, %get3A_4 : vector<64x3xf32>
    %sub3A_7 = arith.constant -1.300000e+00 : f32
    %sub3A_8 = vector.broadcast %sub3A_7 : f32 to vector<64x3xf32>
    %sub3A_9 = arith.subf %sub3A_8, %get3A_1 : vector<64x3xf32>
    %div3A_10 = arith.divf %sub3A_9, %get3A_4 : vector<64x3xf32>
    %min3A = arith.minimumf %div3A, %div3A_10 : vector<64x3xf32>
    %reduce_max3A = arith.constant dense<0xFF800000> : vector<64xf32>
    %reduce_max3A_11 = vector.multi_reduction <maximumf>, %min3A, %reduce_max3A [1] : vector<64x3xf32> to vector<64xf32>
    %broadcast_in_dim3A = vector.shape_cast %reduce_max3A_11 : vector<64xf32> to vector<64x1xf32>
    %iota3A = tpu.iota {dimensions = array<i32: 1>} : vector<64x768xi32>
    %convert_element_type3A = arith.sitofp %iota3A : vector<64x768xi32> to vector<64x768xf32>
    %mul3A = arith.constant 0.0101562496 : f32
    %mul3A_12 = vector.broadcast %mul3A : f32 to vector<64x768xf32>
    %mul3A_13 = arith.mulf %convert_element_type3A, %mul3A_12 : vector<64x768xf32>
    %add3A = vector.broadcast %broadcast_in_dim3A : vector<64x1xf32> to vector<64x768xf32>
    %add3A_14 = arith.addf %add3A, %mul3A_13 : vector<64x768xf32>
    %lt3A = arith.constant 767 : i32
    %lt3A_15 = vector.broadcast %lt3A : i32 to vector<64x768xi32>
    %lt3A_16 = arith.cmpi slt, %iota3A, %lt3A_15 : vector<64x768xi32>
    %slice3A = vector.extract_strided_slice %get3A_1 {offsets = [0, 0], sizes = [64, 1], strides = [1, 1]} : vector<64x3xf32> to vector<64x1xf32>
    %slice3A_17 = vector.extract_strided_slice %get3A_4 {offsets = [0, 0], sizes = [64, 1], strides = [1, 1]} : vector<64x3xf32> to vector<64x1xf32>
    %mul3A_18 = vector.broadcast %slice3A_17 : vector<64x1xf32> to vector<64x768xf32>
    %mul3A_19 = arith.mulf %add3A_14, %mul3A_18 : vector<64x768xf32>
    %add3A_20 = vector.broadcast %slice3A : vector<64x1xf32> to vector<64x768xf32>
    %add3A_21 = arith.addf %add3A_20, %mul3A_19 : vector<64x768xf32>
    %gt3A = arith.constant -1.300000e+00 : f32
    %gt3A_22 = vector.broadcast %gt3A : f32 to vector<64x768xf32>
    %gt3A_23 = arith.cmpf ogt, %add3A_21, %gt3A_22 : vector<64x768xf32>
    %and3A = arith.andi %lt3A_16, %gt3A_23 : vector<64x768xi1>
    %lt3A_24 = arith.constant 1.300000e+00 : f32
    %lt3A_25 = vector.broadcast %lt3A_24 : f32 to vector<64x768xf32>
    %lt3A_26 = arith.cmpf olt, %add3A_21, %lt3A_25 : vector<64x768xf32>
    %and3A_27 = arith.andi %and3A, %lt3A_26 : vector<64x768xi1>
    %add3A_28 = arith.constant 1.300000e+00 : f32
    %add3A_29 = vector.broadcast %add3A_28 : f32 to vector<64x768xf32>
    %add3A_30 = arith.addf %add3A_21, %add3A_29 : vector<64x768xf32>
    %div3A_31 = arith.constant 2.600000e+00 : f32
    %div3A_32 = vector.broadcast %div3A_31 : f32 to vector<64x768xf32>
    %div3A_33 = arith.divf %add3A_30, %div3A_32 : vector<64x768xf32>
    %jit3A = arith.constant 0.000000e+00 : f32
    %jit3A_34 = arith.constant 0.999998986 : f32
    %max3A = vector.broadcast %jit3A : f32 to vector<64x768xf32>
    %max3A_35 = arith.maximumf %max3A, %div3A_33 : vector<64x768xf32>
    %min3A_36 = vector.broadcast %jit3A_34 : f32 to vector<64x768xf32>
    %min3A_37 = arith.minimumf %min3A_36, %max3A_35 : vector<64x768xf32>
    %mul3A_38 = arith.constant 3.200000e+01 : f32
    %mul3A_39 = vector.broadcast %mul3A_38 : f32 to vector<64x768xf32>
    %mul3A_40 = arith.mulf %min3A_37, %mul3A_39 : vector<64x768xf32>
    %floor3A = math.floor %mul3A_40 : vector<64x768xf32>
    %convert_element_type3A_41 = arith.fptosi %floor3A : vector<64x768xf32> to vector<64x768xi32>
    %jit3A_42 = arith.constant 0 : i32
    %jit3A_43 = arith.constant 31 : i32
    %max3A_44 = vector.broadcast %jit3A_42 : i32 to vector<64x768xi32>
    %max3A_45 = arith.maxsi %max3A_44, %convert_element_type3A_41 : vector<64x768xi32>
    %min3A_46 = vector.broadcast %jit3A_43 : i32 to vector<64x768xi32>
    %min3A_47 = arith.minsi %min3A_46, %max3A_45 : vector<64x768xi32>
    %sub3A_48 = arith.subf %mul3A_40, %floor3A : vector<64x768xf32>
    %mul3A_49 = arith.constant 4.000000e+00 : f32
    %mul3A_50 = vector.broadcast %mul3A_49 : f32 to vector<64x768xf32>
    %mul3A_51 = arith.mulf %sub3A_48, %mul3A_50 : vector<64x768xf32>
    %sub3A_52 = arith.constant 5.000000e-01 : f32
    %sub3A_53 = vector.broadcast %sub3A_52 : f32 to vector<64x768xf32>
    %sub3A_54 = arith.subf %mul3A_51, %sub3A_53 : vector<64x768xf32>
    %floor3A_55 = math.floor %sub3A_54 : vector<64x768xf32>
    %sub3A_56 = arith.subf %sub3A_54, %floor3A_55 : vector<64x768xf32>
    %slice3A_57 = vector.extract_strided_slice %get3A_1 {offsets = [0, 1], sizes = [64, 1], strides = [1, 1]} : vector<64x3xf32> to vector<64x1xf32>
    %slice3A_58 = vector.extract_strided_slice %get3A_4 {offsets = [0, 1], sizes = [64, 1], strides = [1, 1]} : vector<64x3xf32> to vector<64x1xf32>
    %mul3A_59 = vector.broadcast %slice3A_58 : vector<64x1xf32> to vector<64x768xf32>
    %mul3A_60 = arith.mulf %add3A_14, %mul3A_59 : vector<64x768xf32>
    %add3A_61 = vector.broadcast %slice3A_57 : vector<64x1xf32> to vector<64x768xf32>
    %add3A_62 = arith.addf %add3A_61, %mul3A_60 : vector<64x768xf32>
    %gt3A_63 = arith.constant -1.300000e+00 : f32
    %gt3A_64 = vector.broadcast %gt3A_63 : f32 to vector<64x768xf32>
    %gt3A_65 = arith.cmpf ogt, %add3A_62, %gt3A_64 : vector<64x768xf32>
    %and3A_66 = arith.andi %and3A_27, %gt3A_65 : vector<64x768xi1>
    %lt3A_67 = arith.constant 1.300000e+00 : f32
    %lt3A_68 = vector.broadcast %lt3A_67 : f32 to vector<64x768xf32>
    %lt3A_69 = arith.cmpf olt, %add3A_62, %lt3A_68 : vector<64x768xf32>
    %and3A_70 = arith.andi %and3A_66, %lt3A_69 : vector<64x768xi1>
    %add3A_71 = arith.constant 1.300000e+00 : f32
    %add3A_72 = vector.broadcast %add3A_71 : f32 to vector<64x768xf32>
    %add3A_73 = arith.addf %add3A_62, %add3A_72 : vector<64x768xf32>
    %div3A_74 = arith.constant 2.600000e+00 : f32
    %div3A_75 = vector.broadcast %div3A_74 : f32 to vector<64x768xf32>
    %div3A_76 = arith.divf %add3A_73, %div3A_75 : vector<64x768xf32>
    %jit3A_77 = arith.constant 0.000000e+00 : f32
    %jit3A_78 = arith.constant 0.999998986 : f32
    %max3A_79 = vector.broadcast %jit3A_77 : f32 to vector<64x768xf32>
    %max3A_80 = arith.maximumf %max3A_79, %div3A_76 : vector<64x768xf32>
    %min3A_81 = vector.broadcast %jit3A_78 : f32 to vector<64x768xf32>
    %min3A_82 = arith.minimumf %min3A_81, %max3A_80 : vector<64x768xf32>
    %mul3A_83 = arith.constant 3.200000e+01 : f32
    %mul3A_84 = vector.broadcast %mul3A_83 : f32 to vector<64x768xf32>
    %mul3A_85 = arith.mulf %min3A_82, %mul3A_84 : vector<64x768xf32>
    %floor3A_86 = math.floor %mul3A_85 : vector<64x768xf32>
    %convert_element_type3A_87 = arith.fptosi %floor3A_86 : vector<64x768xf32> to vector<64x768xi32>
    %jit3A_88 = arith.constant 0 : i32
    %jit3A_89 = arith.constant 31 : i32
    %max3A_90 = vector.broadcast %jit3A_88 : i32 to vector<64x768xi32>
    %max3A_91 = arith.maxsi %max3A_90, %convert_element_type3A_87 : vector<64x768xi32>
    %min3A_92 = vector.broadcast %jit3A_89 : i32 to vector<64x768xi32>
    %min3A_93 = arith.minsi %min3A_92, %max3A_91 : vector<64x768xi32>
    %sub3A_94 = arith.subf %mul3A_85, %floor3A_86 : vector<64x768xf32>
    %mul3A_95 = arith.constant 4.000000e+00 : f32
    %mul3A_96 = vector.broadcast %mul3A_95 : f32 to vector<64x768xf32>
    %mul3A_97 = arith.mulf %sub3A_94, %mul3A_96 : vector<64x768xf32>
    %sub3A_98 = arith.constant 5.000000e-01 : f32
    %sub3A_99 = vector.broadcast %sub3A_98 : f32 to vector<64x768xf32>
    %sub3A_100 = arith.subf %mul3A_97, %sub3A_99 : vector<64x768xf32>
    %floor3A_101 = math.floor %sub3A_100 : vector<64x768xf32>
    %sub3A_102 = arith.subf %sub3A_100, %floor3A_101 : vector<64x768xf32>
    %slice3A_103 = vector.extract_strided_slice %get3A_1 {offsets = [0, 2], sizes = [64, 1], strides = [1, 1]} : vector<64x3xf32> to vector<64x1xf32>
    %slice3A_104 = vector.extract_strided_slice %get3A_4 {offsets = [0, 2], sizes = [64, 1], strides = [1, 1]} : vector<64x3xf32> to vector<64x1xf32>
    %mul3A_105 = vector.broadcast %slice3A_104 : vector<64x1xf32> to vector<64x768xf32>
    %mul3A_106 = arith.mulf %add3A_14, %mul3A_105 : vector<64x768xf32>
    %add3A_107 = vector.broadcast %slice3A_103 : vector<64x1xf32> to vector<64x768xf32>
    %add3A_108 = arith.addf %add3A_107, %mul3A_106 : vector<64x768xf32>
    %gt3A_109 = arith.constant -1.300000e+00 : f32
    %gt3A_110 = vector.broadcast %gt3A_109 : f32 to vector<64x768xf32>
    %gt3A_111 = arith.cmpf ogt, %add3A_108, %gt3A_110 : vector<64x768xf32>
    %and3A_112 = arith.andi %and3A_70, %gt3A_111 : vector<64x768xi1>
    %lt3A_113 = arith.constant 1.300000e+00 : f32
    %lt3A_114 = vector.broadcast %lt3A_113 : f32 to vector<64x768xf32>
    %lt3A_115 = arith.cmpf olt, %add3A_108, %lt3A_114 : vector<64x768xf32>
    %and3A_116 = arith.andi %and3A_112, %lt3A_115 : vector<64x768xi1>
    %add3A_117 = arith.constant 1.300000e+00 : f32
    %add3A_118 = vector.broadcast %add3A_117 : f32 to vector<64x768xf32>
    %add3A_119 = arith.addf %add3A_108, %add3A_118 : vector<64x768xf32>
    %div3A_120 = arith.constant 2.600000e+00 : f32
    %div3A_121 = vector.broadcast %div3A_120 : f32 to vector<64x768xf32>
    %div3A_122 = arith.divf %add3A_119, %div3A_121 : vector<64x768xf32>
    %jit3A_123 = arith.constant 0.000000e+00 : f32
    %jit3A_124 = arith.constant 0.999998986 : f32
    %max3A_125 = vector.broadcast %jit3A_123 : f32 to vector<64x768xf32>
    %max3A_126 = arith.maximumf %max3A_125, %div3A_122 : vector<64x768xf32>
    %min3A_127 = vector.broadcast %jit3A_124 : f32 to vector<64x768xf32>
    %min3A_128 = arith.minimumf %min3A_127, %max3A_126 : vector<64x768xf32>
    %mul3A_129 = arith.constant 3.200000e+01 : f32
    %mul3A_130 = vector.broadcast %mul3A_129 : f32 to vector<64x768xf32>
    %mul3A_131 = arith.mulf %min3A_128, %mul3A_130 : vector<64x768xf32>
    %floor3A_132 = math.floor %mul3A_131 : vector<64x768xf32>
    %convert_element_type3A_133 = arith.fptosi %floor3A_132 : vector<64x768xf32> to vector<64x768xi32>
    %jit3A_134 = arith.constant 0 : i32
    %jit3A_135 = arith.constant 31 : i32
    %max3A_136 = vector.broadcast %jit3A_134 : i32 to vector<64x768xi32>
    %max3A_137 = arith.maxsi %max3A_136, %convert_element_type3A_133 : vector<64x768xi32>
    %min3A_138 = vector.broadcast %jit3A_135 : i32 to vector<64x768xi32>
    %min3A_139 = arith.minsi %min3A_138, %max3A_137 : vector<64x768xi32>
    %sub3A_140 = arith.subf %mul3A_131, %floor3A_132 : vector<64x768xf32>
    %mul3A_141 = arith.constant 4.000000e+00 : f32
    %mul3A_142 = vector.broadcast %mul3A_141 : f32 to vector<64x768xf32>
    %mul3A_143 = arith.mulf %sub3A_140, %mul3A_142 : vector<64x768xf32>
    %sub3A_144 = arith.constant 5.000000e-01 : f32
    %sub3A_145 = vector.broadcast %sub3A_144 : f32 to vector<64x768xf32>
    %sub3A_146 = arith.subf %mul3A_143, %sub3A_145 : vector<64x768xf32>
    %floor3A_147 = math.floor %sub3A_146 : vector<64x768xf32>
    %sub3A_148 = arith.subf %sub3A_146, %floor3A_147 : vector<64x768xf32>
    %mul3A_149 = arith.constant 32 : i32
    %mul3A_150 = vector.broadcast %mul3A_149 : i32 to vector<64x768xi32>
    %mul3A_151 = arith.muli %min3A_47, %mul3A_150 : vector<64x768xi32>
    %add3A_152 = arith.addi %mul3A_151, %min3A_93 : vector<64x768xi32>
    %mul3A_153 = arith.constant 32 : i32
    %mul3A_154 = vector.broadcast %mul3A_153 : i32 to vector<64x768xi32>
    %mul3A_155 = arith.muli %add3A_152, %mul3A_154 : vector<64x768xi32>
    %add3A_156 = arith.addi %mul3A_155, %min3A_139 : vector<64x768xi32>
    %jit3A_157 = arith.constant 16 : i32
    %div3A_158 = vector.broadcast %jit3A_157 : i32 to vector<64x768xi32>
    %div3A_159 = arith.divsi %add3A_156, %div3A_158 : vector<64x768xi32>
    %sign3A = arith.constant 0 : i32
    %sign3A_160 = vector.broadcast %sign3A : i32 to vector<64x768xi32>
    %sign3A_161 = arith.cmpi sgt, %add3A_156, %sign3A_160 : vector<64x768xi32>
    %sign3A_162 = arith.extui %sign3A_161 : vector<64x768xi1> to vector<64x768xi32>
    %sign3A_163 = arith.constant 0 : i32
    %sign3A_164 = vector.broadcast %sign3A_163 : i32 to vector<64x768xi32>
    %sign3A_165 = arith.cmpi slt, %add3A_156, %sign3A_164 : vector<64x768xi32>
    %sign3A_166 = arith.extui %sign3A_165 : vector<64x768xi1> to vector<64x768xi32>
    %sign3A_167 = arith.subi %sign3A_162, %sign3A_166 : vector<64x768xi32>
    %sign3A_168 = arith.constant 0 : i32
    %sign3A_169 = arith.cmpi sgt, %jit3A_157, %sign3A_168 : i32
    %sign3A_170 = arith.extui %sign3A_169 : i1 to i32
    %sign3A_171 = arith.constant 0 : i32
    %sign3A_172 = arith.cmpi slt, %jit3A_157, %sign3A_171 : i32
    %sign3A_173 = arith.extui %sign3A_172 : i1 to i32
    %sign3A_174 = arith.subi %sign3A_170, %sign3A_173 : i32
    %ne3A = vector.broadcast %sign3A_174 : i32 to vector<64x768xi32>
    %ne3A_175 = arith.cmpi ne, %sign3A_167, %ne3A : vector<64x768xi32>
    %rem3A = vector.broadcast %jit3A_157 : i32 to vector<64x768xi32>
    %rem3A_176 = arith.remsi %add3A_156, %rem3A : vector<64x768xi32>
    %ne3A_177 = arith.constant 0 : i32
    %ne3A_178 = vector.broadcast %ne3A_177 : i32 to vector<64x768xi32>
    %ne3A_179 = arith.cmpi ne, %rem3A_176, %ne3A_178 : vector<64x768xi32>
    %and3A_180 = arith.andi %ne3A_175, %ne3A_179 : vector<64x768xi1>
    %sub3A_181 = arith.constant 1 : i32
    %sub3A_182 = vector.broadcast %sub3A_181 : i32 to vector<64x768xi32>
    %sub3A_183 = arith.subi %div3A_159, %sub3A_182 : vector<64x768xi32>
    %select_n3A = arith.select %and3A_180, %sub3A_183, %div3A_159 : vector<64x768xi1>, vector<64x768xi32>
    %swap3A = arith.constant 0 : index
    %swap3A_184 = arith.constant 0 : index
    %swap3A_185 = vector.load %arg2[%swap3A, %swap3A_184] : memref<64x768xi32, #tpu.memory_space<vmem>>, vector<64x768xi32>
    tpu.vector_store %arg2[%swap3A, %swap3A_184], %select_n3A {strides = array<i32>} : memref<64x768xi32, #tpu.memory_space<vmem>>, vector<64x768xi32>,
    %jit3A_186 = arith.constant 16 : i32
    %eq3A = arith.constant 0 : i32
    %eq3A_187 = arith.cmpi eq, %jit3A_186, %eq3A : i32
    %jit3A_188 = arith.constant 1 : i32
    %select_n3A_189 = arith.select %eq3A_187, %jit3A_188, %jit3A_186 : i32
    %rem3A_190 = vector.broadcast %select_n3A_189 : i32 to vector<64x768xi32>
    %rem3A_191 = arith.remsi %add3A_156, %rem3A_190 : vector<64x768xi32>
    %ne3A_192 = arith.constant 0 : i32
    %ne3A_193 = vector.broadcast %ne3A_192 : i32 to vector<64x768xi32>
    %ne3A_194 = arith.cmpi ne, %rem3A_191, %ne3A_193 : vector<64x768xi32>
    %lt3A_195 = arith.constant 0 : i32
    %lt3A_196 = vector.broadcast %lt3A_195 : i32 to vector<64x768xi32>
    %lt3A_197 = arith.cmpi slt, %rem3A_191, %lt3A_196 : vector<64x768xi32>
    %lt3A_198 = arith.constant 0 : i32
    %lt3A_199 = arith.cmpi slt, %select_n3A_189, %lt3A_198 : i32
    %ne3A_200 = vector.broadcast %lt3A_199 : i1 to vector<64x768xi1>
    %ne3A_201 = vector.broadcast %ne3A_200 : vector<64x768xi1> to vector<64x768xi1>
    %ne3A_202 = arith.xori %lt3A_197, %ne3A_201 : vector<64x768xi1>
    %and3A_203 = arith.andi %ne3A_202, %ne3A_194 : vector<64x768xi1>
    %add3A_204 = vector.broadcast %select_n3A_189 : i32 to vector<64x768xi32>
    %add3A_205 = arith.addi %rem3A_191, %add3A_204 : vector<64x768xi32>
    %select_n3A_206 = arith.select %and3A_203, %add3A_205, %rem3A_191 : vector<64x768xi1>, vector<64x768xi32>
    %convert_element_type3A_207 = arith.sitofp %select_n3A_206 : vector<64x768xi32> to vector<64x768xf32>
    %convert_element_type3A_208 = arith.extui %and3A_116 : vector<64x768xi1> to vector<64x768xi32>
    %convert_element_type3A_209 = arith.sitofp %convert_element_type3A_208 : vector<64x768xi32> to vector<64x768xf32>
    %broadcast_in_dim3A_210 = vector.shape_cast %floor3A_55 : vector<64x768xf32> to vector<1x64x768xf32>
    %broadcast_in_dim3A_211 = vector.shape_cast %floor3A_101 : vector<64x768xf32> to vector<1x64x768xf32>
    %broadcast_in_dim3A_212 = vector.shape_cast %floor3A_147 : vector<64x768xf32> to vector<1x64x768xf32>
    %broadcast_in_dim3A_213 = vector.shape_cast %sub3A_56 : vector<64x768xf32> to vector<1x64x768xf32>
    %broadcast_in_dim3A_214 = vector.shape_cast %sub3A_102 : vector<64x768xf32> to vector<1x64x768xf32>
    %broadcast_in_dim3A_215 = vector.shape_cast %sub3A_148 : vector<64x768xf32> to vector<1x64x768xf32>
    %broadcast_in_dim3A_216 = vector.shape_cast %convert_element_type3A_209 : vector<64x768xf32> to vector<1x64x768xf32>
    %broadcast_in_dim3A_217 = vector.shape_cast %convert_element_type3A_207 : vector<64x768xf32> to vector<1x64x768xf32>
    %concatenate3A = tpu.concatenate %broadcast_in_dim3A_210, %broadcast_in_dim3A_211, %broadcast_in_dim3A_212, %broadcast_in_dim3A_213, %broadcast_in_dim3A_214, %broadcast_in_dim3A_215, %broadcast_in_dim3A_216, %broadcast_in_dim3A_217 in 0 : vector<1x64x768xf32>, vector<1x64x768xf32>, vector<1x64x768xf32>, vector<1x64x768xf32>, vector<1x64x768xf32>, vector<1x64x768xf32>, vector<1x64x768xf32>, vector<1x64x768xf32> -> vector<8x64x768xf32>
    %swap3A_218 = arith.constant 0 : index
    %swap3A_219 = arith.constant 0 : index
    %swap3A_220 = arith.constant 0 : index
    %swap3A_221 = vector.load %arg3[%swap3A_218, %swap3A_219, %swap3A_220] : memref<8x64x768xf32, #tpu.memory_space<vmem>>, vector<8x64x768xf32>
    tpu.vector_store %arg3[%swap3A_218, %swap3A_219, %swap3A_220], %concatenate3A {strides = array<i32>} : memref<8x64x768xf32, #tpu.memory_space<vmem>>, vector<8x64x768xf32>,
    return
  }
}

module attributes {stable_mosaic.version = 14 : i64} {
  func.func @_main_body(%arg0: i32, %arg1: memref<768x128xf32, #tpu.memory_space<vmem>>, %arg2: memref<768x8xf32, #tpu.memory_space<vmem>>, %arg3: memref<64x256xf32, #tpu.memory_space<vmem>>, %arg4: memref<64x3xf32, #tpu.memory_space<smem>>, %arg5: memref<768x4xf32, #tpu.memory_space<vmem>>) attributes {dimension_semantics = [#tpu.dimension_semantics<arbitrary>], iteration_bounds = array<i64: 64>, scalar_prefetch = 0 : i64, scratch_operands = 0 : i64, tpu.core_type = #tpu.core_type<tc>, window_params = [{transform_indices = @transform_0, window_bounds = array<i64: 768, 128>}, {transform_indices = @transform_1, window_bounds = array<i64: 768, 8>}, {pipeline_mode = #tpu.pipeline_mode<synchronous>, transform_indices = @transform_2, window_bounds = array<i64: 64, 256>}, {transform_indices = @transform_3, window_bounds = array<i64: 64, 3>}, {transform_indices = @transform_4, window_bounds = array<i64: 768, 4>}]} {
    %get3A = arith.constant 0 : index
    %get3A_0 = arith.constant 0 : index
    %get3A_1 = vector.load %arg2[%get3A, %get3A_0] : memref<768x8xf32, #tpu.memory_space<vmem>>, vector<768x1xf32>
    %get3A_2 = arith.constant 0 : index
    %get3A_3 = arith.constant 1 : index
    %get3A_4 = vector.load %arg2[%get3A_2, %get3A_3] : memref<768x8xf32, #tpu.memory_space<vmem>>, vector<768x1xf32>
    %get3A_5 = arith.constant 0 : index
    %get3A_6 = arith.constant 2 : index
    %get3A_7 = vector.load %arg2[%get3A_5, %get3A_6] : memref<768x8xf32, #tpu.memory_space<vmem>>, vector<768x1xf32>
    %get3A_8 = arith.constant 0 : index
    %get3A_9 = arith.constant 3 : index
    %get3A_10 = vector.load %arg2[%get3A_8, %get3A_9] : memref<768x8xf32, #tpu.memory_space<vmem>>, vector<768x1xf32>
    %get3A_11 = arith.constant 0 : index
    %get3A_12 = arith.constant 4 : index
    %get3A_13 = vector.load %arg2[%get3A_11, %get3A_12] : memref<768x8xf32, #tpu.memory_space<vmem>>, vector<768x1xf32>
    %get3A_14 = arith.constant 0 : index
    %get3A_15 = arith.constant 5 : index
    %get3A_16 = vector.load %arg2[%get3A_14, %get3A_15] : memref<768x8xf32, #tpu.memory_space<vmem>>, vector<768x1xf32>
    %get3A_17 = arith.constant 0 : index
    %get3A_18 = arith.constant 6 : index
    %get3A_19 = vector.load %arg2[%get3A_17, %get3A_18] : memref<768x8xf32, #tpu.memory_space<vmem>>, vector<768x1xf32>
    %get3A_20 = arith.constant 0 : index
    %get3A_21 = arith.constant 7 : index
    %get3A_22 = vector.load %arg2[%get3A_20, %get3A_21] : memref<768x8xf32, #tpu.memory_space<vmem>>, vector<768x1xf32>
    %convert_element_type3A = arith.fptosi %get3A_22 : vector<768x1xf32> to vector<768x1xi32>
    %convert_element_type3A_23 = arith.fptosi %get3A_1 : vector<768x1xf32> to vector<768x1xi32>
    %jit3A = arith.constant 0 : i32
    %jit3A_24 = arith.constant 3 : i32
    %max3A = vector.broadcast %jit3A : i32 to vector<768x1xi32>
    %max3A_25 = arith.maxsi %max3A, %convert_element_type3A_23 : vector<768x1xi32>
    %min3A = vector.broadcast %jit3A_24 : i32 to vector<768x1xi32>
    %min3A_26 = arith.minsi %min3A, %max3A_25 : vector<768x1xi32>
    %convert_element_type3A_27 = arith.fptosi %get3A_1 : vector<768x1xf32> to vector<768x1xi32>
    %add3A = arith.constant 1 : i32
    %add3A_28 = vector.broadcast %add3A : i32 to vector<768x1xi32>
    %add3A_29 = arith.addi %convert_element_type3A_27, %add3A_28 : vector<768x1xi32>
    %jit3A_30 = arith.constant 0 : i32
    %jit3A_31 = arith.constant 3 : i32
    %max3A_32 = vector.broadcast %jit3A_30 : i32 to vector<768x1xi32>
    %max3A_33 = arith.maxsi %max3A_32, %add3A_29 : vector<768x1xi32>
    %min3A_34 = vector.broadcast %jit3A_31 : i32 to vector<768x1xi32>
    %min3A_35 = arith.minsi %min3A_34, %max3A_33 : vector<768x1xi32>
    %convert_element_type3A_36 = arith.fptosi %get3A_4 : vector<768x1xf32> to vector<768x1xi32>
    %jit3A_37 = arith.constant 0 : i32
    %jit3A_38 = arith.constant 3 : i32
    %max3A_39 = vector.broadcast %jit3A_37 : i32 to vector<768x1xi32>
    %max3A_40 = arith.maxsi %max3A_39, %convert_element_type3A_36 : vector<768x1xi32>
    %min3A_41 = vector.broadcast %jit3A_38 : i32 to vector<768x1xi32>
    %min3A_42 = arith.minsi %min3A_41, %max3A_40 : vector<768x1xi32>
    %convert_element_type3A_43 = arith.fptosi %get3A_4 : vector<768x1xf32> to vector<768x1xi32>
    %add3A_44 = arith.constant 1 : i32
    %add3A_45 = vector.broadcast %add3A_44 : i32 to vector<768x1xi32>
    %add3A_46 = arith.addi %convert_element_type3A_43, %add3A_45 : vector<768x1xi32>
    %jit3A_47 = arith.constant 0 : i32
    %jit3A_48 = arith.constant 3 : i32
    %max3A_49 = vector.broadcast %jit3A_47 : i32 to vector<768x1xi32>
    %max3A_50 = arith.maxsi %max3A_49, %add3A_46 : vector<768x1xi32>
    %min3A_51 = vector.broadcast %jit3A_48 : i32 to vector<768x1xi32>
    %min3A_52 = arith.minsi %min3A_51, %max3A_50 : vector<768x1xi32>
    %convert_element_type3A_53 = arith.fptosi %get3A_7 : vector<768x1xf32> to vector<768x1xi32>
    %jit3A_54 = arith.constant 0 : i32
    %jit3A_55 = arith.constant 3 : i32
    %max3A_56 = vector.broadcast %jit3A_54 : i32 to vector<768x1xi32>
    %max3A_57 = arith.maxsi %max3A_56, %convert_element_type3A_53 : vector<768x1xi32>
    %min3A_58 = vector.broadcast %jit3A_55 : i32 to vector<768x1xi32>
    %min3A_59 = arith.minsi %min3A_58, %max3A_57 : vector<768x1xi32>
    %convert_element_type3A_60 = arith.fptosi %get3A_7 : vector<768x1xf32> to vector<768x1xi32>
    %add3A_61 = arith.constant 1 : i32
    %add3A_62 = vector.broadcast %add3A_61 : i32 to vector<768x1xi32>
    %add3A_63 = arith.addi %convert_element_type3A_60, %add3A_62 : vector<768x1xi32>
    %jit3A_64 = arith.constant 0 : i32
    %jit3A_65 = arith.constant 3 : i32
    %max3A_66 = vector.broadcast %jit3A_64 : i32 to vector<768x1xi32>
    %max3A_67 = arith.maxsi %max3A_66, %add3A_63 : vector<768x1xi32>
    %min3A_68 = vector.broadcast %jit3A_65 : i32 to vector<768x1xi32>
    %min3A_69 = arith.minsi %min3A_68, %max3A_67 : vector<768x1xi32>
    %iota3A = tpu.iota {dimensions = array<i32: 1>} : vector<768x64xi32>
    %broadcast_in_dim3A = arith.constant 0.000000e+00 : f32
    %broadcast_in_dim3A_70 = vector.broadcast %broadcast_in_dim3A : f32 to vector<768x64xf32>
    %sub3A = arith.constant 1.000000e+00 : f32
    %sub3A_71 = vector.broadcast %sub3A : f32 to vector<768x1xf32>
    %sub3A_72 = arith.subf %sub3A_71, %get3A_10 : vector<768x1xf32>
    %sub3A_73 = arith.constant 1.000000e+00 : f32
    %sub3A_74 = vector.broadcast %sub3A_73 : f32 to vector<768x1xf32>
    %sub3A_75 = arith.subf %sub3A_74, %get3A_13 : vector<768x1xf32>
    %sub3A_76 = arith.constant 1.000000e+00 : f32
    %sub3A_77 = vector.broadcast %sub3A_76 : f32 to vector<768x1xf32>
    %sub3A_78 = arith.subf %sub3A_77, %get3A_16 : vector<768x1xf32>
    %mul3A = arith.constant 4 : i32
    %mul3A_79 = vector.broadcast %mul3A : i32 to vector<768x1xi32>
    %mul3A_80 = arith.muli %min3A_26, %mul3A_79 : vector<768x1xi32>
    %add3A_81 = arith.addi %mul3A_80, %min3A_42 : vector<768x1xi32>
    %mul3A_82 = arith.constant 4 : i32
    %mul3A_83 = vector.broadcast %mul3A_82 : i32 to vector<768x1xi32>
    %mul3A_84 = arith.muli %add3A_81, %mul3A_83 : vector<768x1xi32>
    %add3A_85 = arith.addi %mul3A_84, %min3A_59 : vector<768x1xi32>
    %eq3A = vector.broadcast %add3A_85 : vector<768x1xi32> to vector<768x64xi32>
    %eq3A_86 = arith.cmpi eq, %iota3A, %eq3A : vector<768x64xi32>
    %mul3A_87 = arith.mulf %sub3A_72, %sub3A_75 : vector<768x1xf32>
    %mul3A_88 = arith.mulf %mul3A_87, %sub3A_78 : vector<768x1xf32>
    %jit3A_89 = arith.constant 0.000000e+00 : f32
    %broadcast_in_dim3A_90 = vector.shape_cast %mul3A_88 : vector<768x1xf32> to vector<768x1xf32>
    %broadcast_in_dim3A_91 = vector.broadcast %broadcast_in_dim3A_90 : vector<768x1xf32> to vector<768x64xf32>
    %broadcast_in_dim3A_92 = vector.broadcast %jit3A_89 : f32 to vector<768x64xf32>
    %select_n3A = arith.select %eq3A_86, %broadcast_in_dim3A_91, %broadcast_in_dim3A_92 : vector<768x64xi1>, vector<768x64xf32>
    %add3A_93 = arith.addf %broadcast_in_dim3A_70, %select_n3A : vector<768x64xf32>
    %mul3A_94 = arith.constant 4 : i32
    %mul3A_95 = vector.broadcast %mul3A_94 : i32 to vector<768x1xi32>
    %mul3A_96 = arith.muli %min3A_26, %mul3A_95 : vector<768x1xi32>
    %add3A_97 = arith.addi %mul3A_96, %min3A_42 : vector<768x1xi32>
    %mul3A_98 = arith.constant 4 : i32
    %mul3A_99 = vector.broadcast %mul3A_98 : i32 to vector<768x1xi32>
    %mul3A_100 = arith.muli %add3A_97, %mul3A_99 : vector<768x1xi32>
    %add3A_101 = arith.addi %mul3A_100, %min3A_69 : vector<768x1xi32>
    %eq3A_102 = vector.broadcast %add3A_101 : vector<768x1xi32> to vector<768x64xi32>
    %eq3A_103 = arith.cmpi eq, %iota3A, %eq3A_102 : vector<768x64xi32>
    %mul3A_104 = arith.mulf %sub3A_72, %sub3A_75 : vector<768x1xf32>
    %mul3A_105 = arith.mulf %mul3A_104, %get3A_16 : vector<768x1xf32>
    %jit3A_106 = arith.constant 0.000000e+00 : f32
    %broadcast_in_dim3A_107 = vector.shape_cast %mul3A_105 : vector<768x1xf32> to vector<768x1xf32>
    %broadcast_in_dim3A_108 = vector.broadcast %broadcast_in_dim3A_107 : vector<768x1xf32> to vector<768x64xf32>
    %broadcast_in_dim3A_109 = vector.broadcast %jit3A_106 : f32 to vector<768x64xf32>
    %select_n3A_110 = arith.select %eq3A_103, %broadcast_in_dim3A_108, %broadcast_in_dim3A_109 : vector<768x64xi1>, vector<768x64xf32>
    %add3A_111 = arith.addf %add3A_93, %select_n3A_110 : vector<768x64xf32>
    %sub3A_112 = arith.constant 1.000000e+00 : f32
    %sub3A_113 = vector.broadcast %sub3A_112 : f32 to vector<768x1xf32>
    %sub3A_114 = arith.subf %sub3A_113, %get3A_16 : vector<768x1xf32>
    %mul3A_115 = arith.constant 4 : i32
    %mul3A_116 = vector.broadcast %mul3A_115 : i32 to vector<768x1xi32>
    %mul3A_117 = arith.muli %min3A_26, %mul3A_116 : vector<768x1xi32>
    %add3A_118 = arith.addi %mul3A_117, %min3A_52 : vector<768x1xi32>
    %mul3A_119 = arith.constant 4 : i32
    %mul3A_120 = vector.broadcast %mul3A_119 : i32 to vector<768x1xi32>
    %mul3A_121 = arith.muli %add3A_118, %mul3A_120 : vector<768x1xi32>
    %add3A_122 = arith.addi %mul3A_121, %min3A_59 : vector<768x1xi32>
    %eq3A_123 = vector.broadcast %add3A_122 : vector<768x1xi32> to vector<768x64xi32>
    %eq3A_124 = arith.cmpi eq, %iota3A, %eq3A_123 : vector<768x64xi32>
    %mul3A_125 = arith.mulf %sub3A_72, %get3A_13 : vector<768x1xf32>
    %mul3A_126 = arith.mulf %mul3A_125, %sub3A_114 : vector<768x1xf32>
    %jit3A_127 = arith.constant 0.000000e+00 : f32
    %broadcast_in_dim3A_128 = vector.shape_cast %mul3A_126 : vector<768x1xf32> to vector<768x1xf32>
    %broadcast_in_dim3A_129 = vector.broadcast %broadcast_in_dim3A_128 : vector<768x1xf32> to vector<768x64xf32>
    %broadcast_in_dim3A_130 = vector.broadcast %jit3A_127 : f32 to vector<768x64xf32>
    %select_n3A_131 = arith.select %eq3A_124, %broadcast_in_dim3A_129, %broadcast_in_dim3A_130 : vector<768x64xi1>, vector<768x64xf32>
    %add3A_132 = arith.addf %add3A_111, %select_n3A_131 : vector<768x64xf32>
    %mul3A_133 = arith.constant 4 : i32
    %mul3A_134 = vector.broadcast %mul3A_133 : i32 to vector<768x1xi32>
    %mul3A_135 = arith.muli %min3A_26, %mul3A_134 : vector<768x1xi32>
    %add3A_136 = arith.addi %mul3A_135, %min3A_52 : vector<768x1xi32>
    %mul3A_137 = arith.constant 4 : i32
    %mul3A_138 = vector.broadcast %mul3A_137 : i32 to vector<768x1xi32>
    %mul3A_139 = arith.muli %add3A_136, %mul3A_138 : vector<768x1xi32>
    %add3A_140 = arith.addi %mul3A_139, %min3A_69 : vector<768x1xi32>
    %eq3A_141 = vector.broadcast %add3A_140 : vector<768x1xi32> to vector<768x64xi32>
    %eq3A_142 = arith.cmpi eq, %iota3A, %eq3A_141 : vector<768x64xi32>
    %mul3A_143 = arith.mulf %sub3A_72, %get3A_13 : vector<768x1xf32>
    %mul3A_144 = arith.mulf %mul3A_143, %get3A_16 : vector<768x1xf32>
    %jit3A_145 = arith.constant 0.000000e+00 : f32
    %broadcast_in_dim3A_146 = vector.shape_cast %mul3A_144 : vector<768x1xf32> to vector<768x1xf32>
    %broadcast_in_dim3A_147 = vector.broadcast %broadcast_in_dim3A_146 : vector<768x1xf32> to vector<768x64xf32>
    %broadcast_in_dim3A_148 = vector.broadcast %jit3A_145 : f32 to vector<768x64xf32>
    %select_n3A_149 = arith.select %eq3A_142, %broadcast_in_dim3A_147, %broadcast_in_dim3A_148 : vector<768x64xi1>, vector<768x64xf32>
    %add3A_150 = arith.addf %add3A_132, %select_n3A_149 : vector<768x64xf32>
    %sub3A_151 = arith.constant 1.000000e+00 : f32
    %sub3A_152 = vector.broadcast %sub3A_151 : f32 to vector<768x1xf32>
    %sub3A_153 = arith.subf %sub3A_152, %get3A_13 : vector<768x1xf32>
    %sub3A_154 = arith.constant 1.000000e+00 : f32
    %sub3A_155 = vector.broadcast %sub3A_154 : f32 to vector<768x1xf32>
    %sub3A_156 = arith.subf %sub3A_155, %get3A_16 : vector<768x1xf32>
    %mul3A_157 = arith.constant 4 : i32
    %mul3A_158 = vector.broadcast %mul3A_157 : i32 to vector<768x1xi32>
    %mul3A_159 = arith.muli %min3A_35, %mul3A_158 : vector<768x1xi32>
    %add3A_160 = arith.addi %mul3A_159, %min3A_42 : vector<768x1xi32>
    %mul3A_161 = arith.constant 4 : i32
    %mul3A_162 = vector.broadcast %mul3A_161 : i32 to vector<768x1xi32>
    %mul3A_163 = arith.muli %add3A_160, %mul3A_162 : vector<768x1xi32>
    %add3A_164 = arith.addi %mul3A_163, %min3A_59 : vector<768x1xi32>
    %eq3A_165 = vector.broadcast %add3A_164 : vector<768x1xi32> to vector<768x64xi32>
    %eq3A_166 = arith.cmpi eq, %iota3A, %eq3A_165 : vector<768x64xi32>
    %mul3A_167 = arith.mulf %get3A_10, %sub3A_153 : vector<768x1xf32>
    %mul3A_168 = arith.mulf %mul3A_167, %sub3A_156 : vector<768x1xf32>
    %jit3A_169 = arith.constant 0.000000e+00 : f32
    %broadcast_in_dim3A_170 = vector.shape_cast %mul3A_168 : vector<768x1xf32> to vector<768x1xf32>
    %broadcast_in_dim3A_171 = vector.broadcast %broadcast_in_dim3A_170 : vector<768x1xf32> to vector<768x64xf32>
    %broadcast_in_dim3A_172 = vector.broadcast %jit3A_169 : f32 to vector<768x64xf32>
    %select_n3A_173 = arith.select %eq3A_166, %broadcast_in_dim3A_171, %broadcast_in_dim3A_172 : vector<768x64xi1>, vector<768x64xf32>
    %add3A_174 = arith.addf %add3A_150, %select_n3A_173 : vector<768x64xf32>
    %mul3A_175 = arith.constant 4 : i32
    %mul3A_176 = vector.broadcast %mul3A_175 : i32 to vector<768x1xi32>
    %mul3A_177 = arith.muli %min3A_35, %mul3A_176 : vector<768x1xi32>
    %add3A_178 = arith.addi %mul3A_177, %min3A_42 : vector<768x1xi32>
    %mul3A_179 = arith.constant 4 : i32
    %mul3A_180 = vector.broadcast %mul3A_179 : i32 to vector<768x1xi32>
    %mul3A_181 = arith.muli %add3A_178, %mul3A_180 : vector<768x1xi32>
    %add3A_182 = arith.addi %mul3A_181, %min3A_69 : vector<768x1xi32>
    %eq3A_183 = vector.broadcast %add3A_182 : vector<768x1xi32> to vector<768x64xi32>
    %eq3A_184 = arith.cmpi eq, %iota3A, %eq3A_183 : vector<768x64xi32>
    %mul3A_185 = arith.mulf %get3A_10, %sub3A_153 : vector<768x1xf32>
    %mul3A_186 = arith.mulf %mul3A_185, %get3A_16 : vector<768x1xf32>
    %jit3A_187 = arith.constant 0.000000e+00 : f32
    %broadcast_in_dim3A_188 = vector.shape_cast %mul3A_186 : vector<768x1xf32> to vector<768x1xf32>
    %broadcast_in_dim3A_189 = vector.broadcast %broadcast_in_dim3A_188 : vector<768x1xf32> to vector<768x64xf32>
    %broadcast_in_dim3A_190 = vector.broadcast %jit3A_187 : f32 to vector<768x64xf32>
    %select_n3A_191 = arith.select %eq3A_184, %broadcast_in_dim3A_189, %broadcast_in_dim3A_190 : vector<768x64xi1>, vector<768x64xf32>
    %add3A_192 = arith.addf %add3A_174, %select_n3A_191 : vector<768x64xf32>
    %sub3A_193 = arith.constant 1.000000e+00 : f32
    %sub3A_194 = vector.broadcast %sub3A_193 : f32 to vector<768x1xf32>
    %sub3A_195 = arith.subf %sub3A_194, %get3A_16 : vector<768x1xf32>
    %mul3A_196 = arith.constant 4 : i32
    %mul3A_197 = vector.broadcast %mul3A_196 : i32 to vector<768x1xi32>
    %mul3A_198 = arith.muli %min3A_35, %mul3A_197 : vector<768x1xi32>
    %add3A_199 = arith.addi %mul3A_198, %min3A_52 : vector<768x1xi32>
    %mul3A_200 = arith.constant 4 : i32
    %mul3A_201 = vector.broadcast %mul3A_200 : i32 to vector<768x1xi32>
    %mul3A_202 = arith.muli %add3A_199, %mul3A_201 : vector<768x1xi32>
    %add3A_203 = arith.addi %mul3A_202, %min3A_59 : vector<768x1xi32>
    %eq3A_204 = vector.broadcast %add3A_203 : vector<768x1xi32> to vector<768x64xi32>
    %eq3A_205 = arith.cmpi eq, %iota3A, %eq3A_204 : vector<768x64xi32>
    %mul3A_206 = arith.mulf %get3A_10, %get3A_13 : vector<768x1xf32>
    %mul3A_207 = arith.mulf %mul3A_206, %sub3A_195 : vector<768x1xf32>
    %jit3A_208 = arith.constant 0.000000e+00 : f32
    %broadcast_in_dim3A_209 = vector.shape_cast %mul3A_207 : vector<768x1xf32> to vector<768x1xf32>
    %broadcast_in_dim3A_210 = vector.broadcast %broadcast_in_dim3A_209 : vector<768x1xf32> to vector<768x64xf32>
    %broadcast_in_dim3A_211 = vector.broadcast %jit3A_208 : f32 to vector<768x64xf32>
    %select_n3A_212 = arith.select %eq3A_205, %broadcast_in_dim3A_210, %broadcast_in_dim3A_211 : vector<768x64xi1>, vector<768x64xf32>
    %add3A_213 = arith.addf %add3A_192, %select_n3A_212 : vector<768x64xf32>
    %mul3A_214 = arith.constant 4 : i32
    %mul3A_215 = vector.broadcast %mul3A_214 : i32 to vector<768x1xi32>
    %mul3A_216 = arith.muli %min3A_35, %mul3A_215 : vector<768x1xi32>
    %add3A_217 = arith.addi %mul3A_216, %min3A_52 : vector<768x1xi32>
    %mul3A_218 = arith.constant 4 : i32
    %mul3A_219 = vector.broadcast %mul3A_218 : i32 to vector<768x1xi32>
    %mul3A_220 = arith.muli %add3A_217, %mul3A_219 : vector<768x1xi32>
    %add3A_221 = arith.addi %mul3A_220, %min3A_69 : vector<768x1xi32>
    %eq3A_222 = vector.broadcast %add3A_221 : vector<768x1xi32> to vector<768x64xi32>
    %eq3A_223 = arith.cmpi eq, %iota3A, %eq3A_222 : vector<768x64xi32>
    %mul3A_224 = arith.mulf %get3A_10, %get3A_13 : vector<768x1xf32>
    %mul3A_225 = arith.mulf %mul3A_224, %get3A_16 : vector<768x1xf32>
    %jit3A_226 = arith.constant 0.000000e+00 : f32
    %broadcast_in_dim3A_227 = vector.shape_cast %mul3A_225 : vector<768x1xf32> to vector<768x1xf32>
    %broadcast_in_dim3A_228 = vector.broadcast %broadcast_in_dim3A_227 : vector<768x1xf32> to vector<768x64xf32>
    %broadcast_in_dim3A_229 = vector.broadcast %jit3A_226 : f32 to vector<768x64xf32>
    %select_n3A_230 = arith.select %eq3A_223, %broadcast_in_dim3A_228, %broadcast_in_dim3A_229 : vector<768x64xi1>, vector<768x64xf32>
    %add3A_231 = arith.addf %add3A_213, %select_n3A_230 : vector<768x64xf32>
    %broadcast_in_dim3A_232 = arith.constant 0.000000e+00 : f32
    %broadcast_in_dim3A_233 = vector.broadcast %broadcast_in_dim3A_232 : f32 to vector<768x8xf32>
    %eq3A_234 = arith.constant 0 : i32
    %eq3A_235 = vector.broadcast %eq3A_234 : i32 to vector<768x1xi32>
    %eq3A_236 = arith.cmpi eq, %convert_element_type3A, %eq3A_235 : vector<768x1xi32>
    %get3A_237 = arith.constant 0 : index
    %get3A_238 = arith.constant 0 : index
    %get3A_239 = vector.load %arg1[%get3A_237, %get3A_238] : memref<768x128xf32, #tpu.memory_space<vmem>>, vector<768x8xf32>
    %jit3A_240 = arith.constant 0.000000e+00 : f32
    %broadcast_in_dim3A_241 = vector.shape_cast %eq3A_236 : vector<768x1xi1> to vector<768x1xi1>
    %broadcast_in_dim3A_242 = vector.broadcast %broadcast_in_dim3A_241 : vector<768x1xi1> to vector<768x8xi1>
    %broadcast_in_dim3A_243 = vector.broadcast %jit3A_240 : f32 to vector<768x8xf32>
    %select_n3A_244 = arith.select %broadcast_in_dim3A_242, %get3A_239, %broadcast_in_dim3A_243 : vector<768x8xi1>, vector<768x8xf32>
    %add3A_245 = arith.addf %broadcast_in_dim3A_233, %select_n3A_244 : vector<768x8xf32>
    %eq3A_246 = arith.constant 1 : i32
    %eq3A_247 = vector.broadcast %eq3A_246 : i32 to vector<768x1xi32>
    %eq3A_248 = arith.cmpi eq, %convert_element_type3A, %eq3A_247 : vector<768x1xi32>
    %get3A_249 = arith.constant 0 : index
    %get3A_250 = arith.constant 8 : index
    %get3A_251 = vector.load %arg1[%get3A_249, %get3A_250] : memref<768x128xf32, #tpu.memory_space<vmem>>, vector<768x8xf32>
    %jit3A_252 = arith.constant 0.000000e+00 : f32
    %broadcast_in_dim3A_253 = vector.shape_cast %eq3A_248 : vector<768x1xi1> to vector<768x1xi1>
    %broadcast_in_dim3A_254 = vector.broadcast %broadcast_in_dim3A_253 : vector<768x1xi1> to vector<768x8xi1>
    %broadcast_in_dim3A_255 = vector.broadcast %jit3A_252 : f32 to vector<768x8xf32>
    %select_n3A_256 = arith.select %broadcast_in_dim3A_254, %get3A_251, %broadcast_in_dim3A_255 : vector<768x8xi1>, vector<768x8xf32>
    %add3A_257 = arith.addf %add3A_245, %select_n3A_256 : vector<768x8xf32>
    %eq3A_258 = arith.constant 2 : i32
    %eq3A_259 = vector.broadcast %eq3A_258 : i32 to vector<768x1xi32>
    %eq3A_260 = arith.cmpi eq, %convert_element_type3A, %eq3A_259 : vector<768x1xi32>
    %get3A_261 = arith.constant 0 : index
    %get3A_262 = arith.constant 16 : index
    %get3A_263 = vector.load %arg1[%get3A_261, %get3A_262] : memref<768x128xf32, #tpu.memory_space<vmem>>, vector<768x8xf32>
    %jit3A_264 = arith.constant 0.000000e+00 : f32
    %broadcast_in_dim3A_265 = vector.shape_cast %eq3A_260 : vector<768x1xi1> to vector<768x1xi1>
    %broadcast_in_dim3A_266 = vector.broadcast %broadcast_in_dim3A_265 : vector<768x1xi1> to vector<768x8xi1>
    %broadcast_in_dim3A_267 = vector.broadcast %jit3A_264 : f32 to vector<768x8xf32>
    %select_n3A_268 = arith.select %broadcast_in_dim3A_266, %get3A_263, %broadcast_in_dim3A_267 : vector<768x8xi1>, vector<768x8xf32>
    %add3A_269 = arith.addf %add3A_257, %select_n3A_268 : vector<768x8xf32>
    %eq3A_270 = arith.constant 3 : i32
    %eq3A_271 = vector.broadcast %eq3A_270 : i32 to vector<768x1xi32>
    %eq3A_272 = arith.cmpi eq, %convert_element_type3A, %eq3A_271 : vector<768x1xi32>
    %get3A_273 = arith.constant 0 : index
    %get3A_274 = arith.constant 24 : index
    %get3A_275 = vector.load %arg1[%get3A_273, %get3A_274] : memref<768x128xf32, #tpu.memory_space<vmem>>, vector<768x8xf32>
    %jit3A_276 = arith.constant 0.000000e+00 : f32
    %broadcast_in_dim3A_277 = vector.shape_cast %eq3A_272 : vector<768x1xi1> to vector<768x1xi1>
    %broadcast_in_dim3A_278 = vector.broadcast %broadcast_in_dim3A_277 : vector<768x1xi1> to vector<768x8xi1>
    %broadcast_in_dim3A_279 = vector.broadcast %jit3A_276 : f32 to vector<768x8xf32>
    %select_n3A_280 = arith.select %broadcast_in_dim3A_278, %get3A_275, %broadcast_in_dim3A_279 : vector<768x8xi1>, vector<768x8xf32>
    %add3A_281 = arith.addf %add3A_269, %select_n3A_280 : vector<768x8xf32>
    %eq3A_282 = arith.constant 4 : i32
    %eq3A_283 = vector.broadcast %eq3A_282 : i32 to vector<768x1xi32>
    %eq3A_284 = arith.cmpi eq, %convert_element_type3A, %eq3A_283 : vector<768x1xi32>
    %get3A_285 = arith.constant 0 : index
    %get3A_286 = arith.constant 32 : index
    %get3A_287 = vector.load %arg1[%get3A_285, %get3A_286] : memref<768x128xf32, #tpu.memory_space<vmem>>, vector<768x8xf32>
    %jit3A_288 = arith.constant 0.000000e+00 : f32
    %broadcast_in_dim3A_289 = vector.shape_cast %eq3A_284 : vector<768x1xi1> to vector<768x1xi1>
    %broadcast_in_dim3A_290 = vector.broadcast %broadcast_in_dim3A_289 : vector<768x1xi1> to vector<768x8xi1>
    %broadcast_in_dim3A_291 = vector.broadcast %jit3A_288 : f32 to vector<768x8xf32>
    %select_n3A_292 = arith.select %broadcast_in_dim3A_290, %get3A_287, %broadcast_in_dim3A_291 : vector<768x8xi1>, vector<768x8xf32>
    %add3A_293 = arith.addf %add3A_281, %select_n3A_292 : vector<768x8xf32>
    %eq3A_294 = arith.constant 5 : i32
    %eq3A_295 = vector.broadcast %eq3A_294 : i32 to vector<768x1xi32>
    %eq3A_296 = arith.cmpi eq, %convert_element_type3A, %eq3A_295 : vector<768x1xi32>
    %get3A_297 = arith.constant 0 : index
    %get3A_298 = arith.constant 40 : index
    %get3A_299 = vector.load %arg1[%get3A_297, %get3A_298] : memref<768x128xf32, #tpu.memory_space<vmem>>, vector<768x8xf32>
    %jit3A_300 = arith.constant 0.000000e+00 : f32
    %broadcast_in_dim3A_301 = vector.shape_cast %eq3A_296 : vector<768x1xi1> to vector<768x1xi1>
    %broadcast_in_dim3A_302 = vector.broadcast %broadcast_in_dim3A_301 : vector<768x1xi1> to vector<768x8xi1>
    %broadcast_in_dim3A_303 = vector.broadcast %jit3A_300 : f32 to vector<768x8xf32>
    %select_n3A_304 = arith.select %broadcast_in_dim3A_302, %get3A_299, %broadcast_in_dim3A_303 : vector<768x8xi1>, vector<768x8xf32>
    %add3A_305 = arith.addf %add3A_293, %select_n3A_304 : vector<768x8xf32>
    %eq3A_306 = arith.constant 6 : i32
    %eq3A_307 = vector.broadcast %eq3A_306 : i32 to vector<768x1xi32>
    %eq3A_308 = arith.cmpi eq, %convert_element_type3A, %eq3A_307 : vector<768x1xi32>
    %get3A_309 = arith.constant 0 : index
    %get3A_310 = arith.constant 48 : index
    %get3A_311 = vector.load %arg1[%get3A_309, %get3A_310] : memref<768x128xf32, #tpu.memory_space<vmem>>, vector<768x8xf32>
    %jit3A_312 = arith.constant 0.000000e+00 : f32
    %broadcast_in_dim3A_313 = vector.shape_cast %eq3A_308 : vector<768x1xi1> to vector<768x1xi1>
    %broadcast_in_dim3A_314 = vector.broadcast %broadcast_in_dim3A_313 : vector<768x1xi1> to vector<768x8xi1>
    %broadcast_in_dim3A_315 = vector.broadcast %jit3A_312 : f32 to vector<768x8xf32>
    %select_n3A_316 = arith.select %broadcast_in_dim3A_314, %get3A_311, %broadcast_in_dim3A_315 : vector<768x8xi1>, vector<768x8xf32>
    %add3A_317 = arith.addf %add3A_305, %select_n3A_316 : vector<768x8xf32>
    %eq3A_318 = arith.constant 7 : i32
    %eq3A_319 = vector.broadcast %eq3A_318 : i32 to vector<768x1xi32>
    %eq3A_320 = arith.cmpi eq, %convert_element_type3A, %eq3A_319 : vector<768x1xi32>
    %get3A_321 = arith.constant 0 : index
    %get3A_322 = arith.constant 56 : index
    %get3A_323 = vector.load %arg1[%get3A_321, %get3A_322] : memref<768x128xf32, #tpu.memory_space<vmem>>, vector<768x8xf32>
    %jit3A_324 = arith.constant 0.000000e+00 : f32
    %broadcast_in_dim3A_325 = vector.shape_cast %eq3A_320 : vector<768x1xi1> to vector<768x1xi1>
    %broadcast_in_dim3A_326 = vector.broadcast %broadcast_in_dim3A_325 : vector<768x1xi1> to vector<768x8xi1>
    %broadcast_in_dim3A_327 = vector.broadcast %jit3A_324 : f32 to vector<768x8xf32>
    %select_n3A_328 = arith.select %broadcast_in_dim3A_326, %get3A_323, %broadcast_in_dim3A_327 : vector<768x8xi1>, vector<768x8xf32>
    %add3A_329 = arith.addf %add3A_317, %select_n3A_328 : vector<768x8xf32>
    %eq3A_330 = arith.constant 8 : i32
    %eq3A_331 = vector.broadcast %eq3A_330 : i32 to vector<768x1xi32>
    %eq3A_332 = arith.cmpi eq, %convert_element_type3A, %eq3A_331 : vector<768x1xi32>
    %get3A_333 = arith.constant 0 : index
    %get3A_334 = arith.constant 64 : index
    %get3A_335 = vector.load %arg1[%get3A_333, %get3A_334] : memref<768x128xf32, #tpu.memory_space<vmem>>, vector<768x8xf32>
    %jit3A_336 = arith.constant 0.000000e+00 : f32
    %broadcast_in_dim3A_337 = vector.shape_cast %eq3A_332 : vector<768x1xi1> to vector<768x1xi1>
    %broadcast_in_dim3A_338 = vector.broadcast %broadcast_in_dim3A_337 : vector<768x1xi1> to vector<768x8xi1>
    %broadcast_in_dim3A_339 = vector.broadcast %jit3A_336 : f32 to vector<768x8xf32>
    %select_n3A_340 = arith.select %broadcast_in_dim3A_338, %get3A_335, %broadcast_in_dim3A_339 : vector<768x8xi1>, vector<768x8xf32>
    %add3A_341 = arith.addf %add3A_329, %select_n3A_340 : vector<768x8xf32>
    %eq3A_342 = arith.constant 9 : i32
    %eq3A_343 = vector.broadcast %eq3A_342 : i32 to vector<768x1xi32>
    %eq3A_344 = arith.cmpi eq, %convert_element_type3A, %eq3A_343 : vector<768x1xi32>
    %get3A_345 = arith.constant 0 : index
    %get3A_346 = arith.constant 72 : index
    %get3A_347 = vector.load %arg1[%get3A_345, %get3A_346] : memref<768x128xf32, #tpu.memory_space<vmem>>, vector<768x8xf32>
    %jit3A_348 = arith.constant 0.000000e+00 : f32
    %broadcast_in_dim3A_349 = vector.shape_cast %eq3A_344 : vector<768x1xi1> to vector<768x1xi1>
    %broadcast_in_dim3A_350 = vector.broadcast %broadcast_in_dim3A_349 : vector<768x1xi1> to vector<768x8xi1>
    %broadcast_in_dim3A_351 = vector.broadcast %jit3A_348 : f32 to vector<768x8xf32>
    %select_n3A_352 = arith.select %broadcast_in_dim3A_350, %get3A_347, %broadcast_in_dim3A_351 : vector<768x8xi1>, vector<768x8xf32>
    %add3A_353 = arith.addf %add3A_341, %select_n3A_352 : vector<768x8xf32>
    %eq3A_354 = arith.constant 10 : i32
    %eq3A_355 = vector.broadcast %eq3A_354 : i32 to vector<768x1xi32>
    %eq3A_356 = arith.cmpi eq, %convert_element_type3A, %eq3A_355 : vector<768x1xi32>
    %get3A_357 = arith.constant 0 : index
    %get3A_358 = arith.constant 80 : index
    %get3A_359 = vector.load %arg1[%get3A_357, %get3A_358] : memref<768x128xf32, #tpu.memory_space<vmem>>, vector<768x8xf32>
    %jit3A_360 = arith.constant 0.000000e+00 : f32
    %broadcast_in_dim3A_361 = vector.shape_cast %eq3A_356 : vector<768x1xi1> to vector<768x1xi1>
    %broadcast_in_dim3A_362 = vector.broadcast %broadcast_in_dim3A_361 : vector<768x1xi1> to vector<768x8xi1>
    %broadcast_in_dim3A_363 = vector.broadcast %jit3A_360 : f32 to vector<768x8xf32>
    %select_n3A_364 = arith.select %broadcast_in_dim3A_362, %get3A_359, %broadcast_in_dim3A_363 : vector<768x8xi1>, vector<768x8xf32>
    %add3A_365 = arith.addf %add3A_353, %select_n3A_364 : vector<768x8xf32>
    %eq3A_366 = arith.constant 11 : i32
    %eq3A_367 = vector.broadcast %eq3A_366 : i32 to vector<768x1xi32>
    %eq3A_368 = arith.cmpi eq, %convert_element_type3A, %eq3A_367 : vector<768x1xi32>
    %get3A_369 = arith.constant 0 : index
    %get3A_370 = arith.constant 88 : index
    %get3A_371 = vector.load %arg1[%get3A_369, %get3A_370] : memref<768x128xf32, #tpu.memory_space<vmem>>, vector<768x8xf32>
    %jit3A_372 = arith.constant 0.000000e+00 : f32
    %broadcast_in_dim3A_373 = vector.shape_cast %eq3A_368 : vector<768x1xi1> to vector<768x1xi1>
    %broadcast_in_dim3A_374 = vector.broadcast %broadcast_in_dim3A_373 : vector<768x1xi1> to vector<768x8xi1>
    %broadcast_in_dim3A_375 = vector.broadcast %jit3A_372 : f32 to vector<768x8xf32>
    %select_n3A_376 = arith.select %broadcast_in_dim3A_374, %get3A_371, %broadcast_in_dim3A_375 : vector<768x8xi1>, vector<768x8xf32>
    %add3A_377 = arith.addf %add3A_365, %select_n3A_376 : vector<768x8xf32>
    %eq3A_378 = arith.constant 12 : i32
    %eq3A_379 = vector.broadcast %eq3A_378 : i32 to vector<768x1xi32>
    %eq3A_380 = arith.cmpi eq, %convert_element_type3A, %eq3A_379 : vector<768x1xi32>
    %get3A_381 = arith.constant 0 : index
    %get3A_382 = arith.constant 96 : index
    %get3A_383 = vector.load %arg1[%get3A_381, %get3A_382] : memref<768x128xf32, #tpu.memory_space<vmem>>, vector<768x8xf32>
    %jit3A_384 = arith.constant 0.000000e+00 : f32
    %broadcast_in_dim3A_385 = vector.shape_cast %eq3A_380 : vector<768x1xi1> to vector<768x1xi1>
    %broadcast_in_dim3A_386 = vector.broadcast %broadcast_in_dim3A_385 : vector<768x1xi1> to vector<768x8xi1>
    %broadcast_in_dim3A_387 = vector.broadcast %jit3A_384 : f32 to vector<768x8xf32>
    %select_n3A_388 = arith.select %broadcast_in_dim3A_386, %get3A_383, %broadcast_in_dim3A_387 : vector<768x8xi1>, vector<768x8xf32>
    %add3A_389 = arith.addf %add3A_377, %select_n3A_388 : vector<768x8xf32>
    %eq3A_390 = arith.constant 13 : i32
    %eq3A_391 = vector.broadcast %eq3A_390 : i32 to vector<768x1xi32>
    %eq3A_392 = arith.cmpi eq, %convert_element_type3A, %eq3A_391 : vector<768x1xi32>
    %get3A_393 = arith.constant 0 : index
    %get3A_394 = arith.constant 104 : index
    %get3A_395 = vector.load %arg1[%get3A_393, %get3A_394] : memref<768x128xf32, #tpu.memory_space<vmem>>, vector<768x8xf32>
    %jit3A_396 = arith.constant 0.000000e+00 : f32
    %broadcast_in_dim3A_397 = vector.shape_cast %eq3A_392 : vector<768x1xi1> to vector<768x1xi1>
    %broadcast_in_dim3A_398 = vector.broadcast %broadcast_in_dim3A_397 : vector<768x1xi1> to vector<768x8xi1>
    %broadcast_in_dim3A_399 = vector.broadcast %jit3A_396 : f32 to vector<768x8xf32>
    %select_n3A_400 = arith.select %broadcast_in_dim3A_398, %get3A_395, %broadcast_in_dim3A_399 : vector<768x8xi1>, vector<768x8xf32>
    %add3A_401 = arith.addf %add3A_389, %select_n3A_400 : vector<768x8xf32>
    %eq3A_402 = arith.constant 14 : i32
    %eq3A_403 = vector.broadcast %eq3A_402 : i32 to vector<768x1xi32>
    %eq3A_404 = arith.cmpi eq, %convert_element_type3A, %eq3A_403 : vector<768x1xi32>
    %get3A_405 = arith.constant 0 : index
    %get3A_406 = arith.constant 112 : index
    %get3A_407 = vector.load %arg1[%get3A_405, %get3A_406] : memref<768x128xf32, #tpu.memory_space<vmem>>, vector<768x8xf32>
    %jit3A_408 = arith.constant 0.000000e+00 : f32
    %broadcast_in_dim3A_409 = vector.shape_cast %eq3A_404 : vector<768x1xi1> to vector<768x1xi1>
    %broadcast_in_dim3A_410 = vector.broadcast %broadcast_in_dim3A_409 : vector<768x1xi1> to vector<768x8xi1>
    %broadcast_in_dim3A_411 = vector.broadcast %jit3A_408 : f32 to vector<768x8xf32>
    %select_n3A_412 = arith.select %broadcast_in_dim3A_410, %get3A_407, %broadcast_in_dim3A_411 : vector<768x8xi1>, vector<768x8xf32>
    %add3A_413 = arith.addf %add3A_401, %select_n3A_412 : vector<768x8xf32>
    %eq3A_414 = arith.constant 15 : i32
    %eq3A_415 = vector.broadcast %eq3A_414 : i32 to vector<768x1xi32>
    %eq3A_416 = arith.cmpi eq, %convert_element_type3A, %eq3A_415 : vector<768x1xi32>
    %get3A_417 = arith.constant 0 : index
    %get3A_418 = arith.constant 120 : index
    %get3A_419 = vector.load %arg1[%get3A_417, %get3A_418] : memref<768x128xf32, #tpu.memory_space<vmem>>, vector<768x8xf32>
    %jit3A_420 = arith.constant 0.000000e+00 : f32
    %broadcast_in_dim3A_421 = vector.shape_cast %eq3A_416 : vector<768x1xi1> to vector<768x1xi1>
    %broadcast_in_dim3A_422 = vector.broadcast %broadcast_in_dim3A_421 : vector<768x1xi1> to vector<768x8xi1>
    %broadcast_in_dim3A_423 = vector.broadcast %jit3A_420 : f32 to vector<768x8xf32>
    %select_n3A_424 = arith.select %broadcast_in_dim3A_422, %get3A_419, %broadcast_in_dim3A_423 : vector<768x8xi1>, vector<768x8xf32>
    %add3A_425 = arith.addf %add3A_413, %select_n3A_424 : vector<768x8xf32>
    %get3A_426 = arith.constant 0 : index
    %get3A_427 = arith.constant 0 : index
    %get3A_428 = vector.load %arg3[%get3A_426, %get3A_427] : memref<64x256xf32, #tpu.memory_space<vmem>>, vector<64x256xf32>
    %dot_general3A = arith.constant dense<0.000000e+00> : vector<768x256xf32>
    %dot_general3A_429 = tpu.matmul %add3A_231, %get3A_428, %dot_general3A {dimension_numbers = #tpu.dot_dimension_numbers<[1], [0], [0], [1], [0, 0, 1, 1], [], []>, transpose_lhs_hint = false} : vector<768x64xf32>, vector<64x256xf32>, vector<768x256xf32> -> vector<768x256xf32>
    %broadcast_in_dim3A_430 = arith.constant 0.000000e+00 : f32
    %broadcast_in_dim3A_431 = vector.broadcast %broadcast_in_dim3A_430 : f32 to vector<768x32xf32>
    %slice3A = vector.extract_strided_slice %add3A_425 {offsets = [0, 0], sizes = [768, 1], strides = [1, 1]} : vector<768x8xf32> to vector<768x1xf32>
    %slice3A_432 = vector.extract_strided_slice %dot_general3A_429 {offsets = [0, 0], sizes = [768, 32], strides = [1, 1]} : vector<768x256xf32> to vector<768x32xf32>
    %mul3A_433 = vector.broadcast %slice3A : vector<768x1xf32> to vector<768x32xf32>
    %mul3A_434 = arith.mulf %mul3A_433, %slice3A_432 : vector<768x32xf32>
    %add3A_435 = arith.addf %broadcast_in_dim3A_431, %mul3A_434 : vector<768x32xf32>
    %slice3A_436 = vector.extract_strided_slice %add3A_425 {offsets = [0, 1], sizes = [768, 1], strides = [1, 1]} : vector<768x8xf32> to vector<768x1xf32>
    %slice3A_437 = vector.extract_strided_slice %dot_general3A_429 {offsets = [0, 32], sizes = [768, 32], strides = [1, 1]} : vector<768x256xf32> to vector<768x32xf32>
    %mul3A_438 = vector.broadcast %slice3A_436 : vector<768x1xf32> to vector<768x32xf32>
    %mul3A_439 = arith.mulf %mul3A_438, %slice3A_437 : vector<768x32xf32>
    %add3A_440 = arith.addf %add3A_435, %mul3A_439 : vector<768x32xf32>
    %slice3A_441 = vector.extract_strided_slice %add3A_425 {offsets = [0, 2], sizes = [768, 1], strides = [1, 1]} : vector<768x8xf32> to vector<768x1xf32>
    %slice3A_442 = vector.extract_strided_slice %dot_general3A_429 {offsets = [0, 64], sizes = [768, 32], strides = [1, 1]} : vector<768x256xf32> to vector<768x32xf32>
    %mul3A_443 = vector.broadcast %slice3A_441 : vector<768x1xf32> to vector<768x32xf32>
    %mul3A_444 = arith.mulf %mul3A_443, %slice3A_442 : vector<768x32xf32>
    %add3A_445 = arith.addf %add3A_440, %mul3A_444 : vector<768x32xf32>
    %slice3A_446 = vector.extract_strided_slice %add3A_425 {offsets = [0, 3], sizes = [768, 1], strides = [1, 1]} : vector<768x8xf32> to vector<768x1xf32>
    %slice3A_447 = vector.extract_strided_slice %dot_general3A_429 {offsets = [0, 96], sizes = [768, 32], strides = [1, 1]} : vector<768x256xf32> to vector<768x32xf32>
    %mul3A_448 = vector.broadcast %slice3A_446 : vector<768x1xf32> to vector<768x32xf32>
    %mul3A_449 = arith.mulf %mul3A_448, %slice3A_447 : vector<768x32xf32>
    %add3A_450 = arith.addf %add3A_445, %mul3A_449 : vector<768x32xf32>
    %slice3A_451 = vector.extract_strided_slice %add3A_425 {offsets = [0, 4], sizes = [768, 1], strides = [1, 1]} : vector<768x8xf32> to vector<768x1xf32>
    %slice3A_452 = vector.extract_strided_slice %dot_general3A_429 {offsets = [0, 128], sizes = [768, 32], strides = [1, 1]} : vector<768x256xf32> to vector<768x32xf32>
    %mul3A_453 = vector.broadcast %slice3A_451 : vector<768x1xf32> to vector<768x32xf32>
    %mul3A_454 = arith.mulf %mul3A_453, %slice3A_452 : vector<768x32xf32>
    %add3A_455 = arith.addf %add3A_450, %mul3A_454 : vector<768x32xf32>
    %slice3A_456 = vector.extract_strided_slice %add3A_425 {offsets = [0, 5], sizes = [768, 1], strides = [1, 1]} : vector<768x8xf32> to vector<768x1xf32>
    %slice3A_457 = vector.extract_strided_slice %dot_general3A_429 {offsets = [0, 160], sizes = [768, 32], strides = [1, 1]} : vector<768x256xf32> to vector<768x32xf32>
    %mul3A_458 = vector.broadcast %slice3A_456 : vector<768x1xf32> to vector<768x32xf32>
    %mul3A_459 = arith.mulf %mul3A_458, %slice3A_457 : vector<768x32xf32>
    %add3A_460 = arith.addf %add3A_455, %mul3A_459 : vector<768x32xf32>
    %slice3A_461 = vector.extract_strided_slice %add3A_425 {offsets = [0, 6], sizes = [768, 1], strides = [1, 1]} : vector<768x8xf32> to vector<768x1xf32>
    %slice3A_462 = vector.extract_strided_slice %dot_general3A_429 {offsets = [0, 192], sizes = [768, 32], strides = [1, 1]} : vector<768x256xf32> to vector<768x32xf32>
    %mul3A_463 = vector.broadcast %slice3A_461 : vector<768x1xf32> to vector<768x32xf32>
    %mul3A_464 = arith.mulf %mul3A_463, %slice3A_462 : vector<768x32xf32>
    %add3A_465 = arith.addf %add3A_460, %mul3A_464 : vector<768x32xf32>
    %slice3A_466 = vector.extract_strided_slice %add3A_425 {offsets = [0, 7], sizes = [768, 1], strides = [1, 1]} : vector<768x8xf32> to vector<768x1xf32>
    %slice3A_467 = vector.extract_strided_slice %dot_general3A_429 {offsets = [0, 224], sizes = [768, 32], strides = [1, 1]} : vector<768x256xf32> to vector<768x32xf32>
    %mul3A_468 = vector.broadcast %slice3A_466 : vector<768x1xf32> to vector<768x32xf32>
    %mul3A_469 = arith.mulf %mul3A_468, %slice3A_467 : vector<768x32xf32>
    %add3A_470 = arith.addf %add3A_465, %mul3A_469 : vector<768x32xf32>
    %slice3A_471 = vector.extract_strided_slice %add3A_470 {offsets = [0, 27], sizes = [768, 1], strides = [1, 1]} : vector<768x32xf32> to vector<768x1xf32>
    %max3A_472 = arith.constant 0.000000e+00 : f32
    %max3A_473 = vector.broadcast %max3A_472 : f32 to vector<768x1xf32>
    %max3A_474 = arith.maximumf %slice3A_471, %max3A_473 : vector<768x1xf32>
    %mul3A_475 = arith.mulf %max3A_474, %get3A_19 : vector<768x1xf32>
    %get3A_476 = arith.index_cast %arg0 : i32 to index
    %get3A_477 = arith.constant 0 : index
    %get3A_478 = memref.load %arg4[%get3A_476, %get3A_477] : memref<64x3xf32, #tpu.memory_space<smem>>
    %get3A_479 = arith.index_cast %arg0 : i32 to index
    %get3A_480 = arith.constant 1 : index
    %get3A_481 = memref.load %arg4[%get3A_479, %get3A_480] : memref<64x3xf32, #tpu.memory_space<smem>>
    %get3A_482 = arith.index_cast %arg0 : i32 to index
    %get3A_483 = arith.constant 2 : index
    %get3A_484 = memref.load %arg4[%get3A_482, %get3A_483] : memref<64x3xf32, #tpu.memory_space<smem>>
    %mul3A_485 = arith.constant -0.488602519 : f32
    %mul3A_486 = arith.mulf %mul3A_485, %get3A_481 : f32
    %mul3A_487 = arith.constant 0.488602519 : f32
    %mul3A_488 = arith.mulf %mul3A_487, %get3A_484 : f32
    %mul3A_489 = arith.constant -0.488602519 : f32
    %mul3A_490 = arith.mulf %mul3A_489, %get3A_478 : f32
    %mul3A_491 = arith.constant 1.09254849 : f32
    %mul3A_492 = arith.mulf %mul3A_491, %get3A_478 : f32
    %mul3A_493 = arith.mulf %mul3A_492, %get3A_481 : f32
    %mul3A_494 = arith.constant -1.09254849 : f32
    %mul3A_495 = arith.mulf %mul3A_494, %get3A_481 : f32
    %mul3A_496 = arith.mulf %mul3A_495, %get3A_484 : f32
    %mul3A_497 = arith.constant 2.000000e+00 : f32
    %mul3A_498 = arith.mulf %mul3A_497, %get3A_484 : f32
    %mul3A_499 = arith.mulf %mul3A_498, %get3A_484 : f32
    %mul3A_500 = arith.mulf %get3A_478, %get3A_478 : f32
    %sub3A_501 = arith.subf %mul3A_499, %mul3A_500 : f32
    %mul3A_502 = arith.mulf %get3A_481, %get3A_481 : f32
    %sub3A_503 = arith.subf %sub3A_501, %mul3A_502 : f32
    %mul3A_504 = arith.constant 0.31539157 : f32
    %mul3A_505 = arith.mulf %mul3A_504, %sub3A_503 : f32
    %mul3A_506 = arith.constant -1.09254849 : f32
    %mul3A_507 = arith.mulf %mul3A_506, %get3A_478 : f32
    %mul3A_508 = arith.mulf %mul3A_507, %get3A_484 : f32
    %mul3A_509 = arith.mulf %get3A_478, %get3A_478 : f32
    %mul3A_510 = arith.mulf %get3A_481, %get3A_481 : f32
    %sub3A_511 = arith.subf %mul3A_509, %mul3A_510 : f32
    %mul3A_512 = arith.constant 0.546274245 : f32
    %mul3A_513 = arith.mulf %mul3A_512, %sub3A_511 : f32
    %slice3A_514 = vector.extract_strided_slice %add3A_470 {offsets = [0, 0], sizes = [768, 1], strides = [1, 1]} : vector<768x32xf32> to vector<768x1xf32>
    %mul3A_515 = arith.constant 0.282094806 : f32
    %mul3A_516 = vector.broadcast %mul3A_515 : f32 to vector<768x1xf32>
    %mul3A_517 = arith.mulf %slice3A_514, %mul3A_516 : vector<768x1xf32>
    %slice3A_518 = vector.extract_strided_slice %add3A_470 {offsets = [0, 1], sizes = [768, 1], strides = [1, 1]} : vector<768x32xf32> to vector<768x1xf32>
    %mul3A_519 = vector.broadcast %mul3A_486 : f32 to vector<768x1xf32>
    %mul3A_520 = arith.mulf %slice3A_518, %mul3A_519 : vector<768x1xf32>
    %add3A_521 = arith.addf %mul3A_517, %mul3A_520 : vector<768x1xf32>
    %slice3A_522 = vector.extract_strided_slice %add3A_470 {offsets = [0, 2], sizes = [768, 1], strides = [1, 1]} : vector<768x32xf32> to vector<768x1xf32>
    %mul3A_523 = vector.broadcast %mul3A_488 : f32 to vector<768x1xf32>
    %mul3A_524 = arith.mulf %slice3A_522, %mul3A_523 : vector<768x1xf32>
    %add3A_525 = arith.addf %add3A_521, %mul3A_524 : vector<768x1xf32>
    %slice3A_526 = vector.extract_strided_slice %add3A_470 {offsets = [0, 3], sizes = [768, 1], strides = [1, 1]} : vector<768x32xf32> to vector<768x1xf32>
    %mul3A_527 = vector.broadcast %mul3A_490 : f32 to vector<768x1xf32>
    %mul3A_528 = arith.mulf %slice3A_526, %mul3A_527 : vector<768x1xf32>
    %add3A_529 = arith.addf %add3A_525, %mul3A_528 : vector<768x1xf32>
    %slice3A_530 = vector.extract_strided_slice %add3A_470 {offsets = [0, 4], sizes = [768, 1], strides = [1, 1]} : vector<768x32xf32> to vector<768x1xf32>
    %mul3A_531 = vector.broadcast %mul3A_493 : f32 to vector<768x1xf32>
    %mul3A_532 = arith.mulf %slice3A_530, %mul3A_531 : vector<768x1xf32>
    %add3A_533 = arith.addf %add3A_529, %mul3A_532 : vector<768x1xf32>
    %slice3A_534 = vector.extract_strided_slice %add3A_470 {offsets = [0, 5], sizes = [768, 1], strides = [1, 1]} : vector<768x32xf32> to vector<768x1xf32>
    %mul3A_535 = vector.broadcast %mul3A_496 : f32 to vector<768x1xf32>
    %mul3A_536 = arith.mulf %slice3A_534, %mul3A_535 : vector<768x1xf32>
    %add3A_537 = arith.addf %add3A_533, %mul3A_536 : vector<768x1xf32>
    %slice3A_538 = vector.extract_strided_slice %add3A_470 {offsets = [0, 6], sizes = [768, 1], strides = [1, 1]} : vector<768x32xf32> to vector<768x1xf32>
    %mul3A_539 = vector.broadcast %mul3A_505 : f32 to vector<768x1xf32>
    %mul3A_540 = arith.mulf %slice3A_538, %mul3A_539 : vector<768x1xf32>
    %add3A_541 = arith.addf %add3A_537, %mul3A_540 : vector<768x1xf32>
    %slice3A_542 = vector.extract_strided_slice %add3A_470 {offsets = [0, 7], sizes = [768, 1], strides = [1, 1]} : vector<768x32xf32> to vector<768x1xf32>
    %mul3A_543 = vector.broadcast %mul3A_508 : f32 to vector<768x1xf32>
    %mul3A_544 = arith.mulf %slice3A_542, %mul3A_543 : vector<768x1xf32>
    %add3A_545 = arith.addf %add3A_541, %mul3A_544 : vector<768x1xf32>
    %slice3A_546 = vector.extract_strided_slice %add3A_470 {offsets = [0, 8], sizes = [768, 1], strides = [1, 1]} : vector<768x32xf32> to vector<768x1xf32>
    %mul3A_547 = vector.broadcast %mul3A_513 : f32 to vector<768x1xf32>
    %mul3A_548 = arith.mulf %slice3A_546, %mul3A_547 : vector<768x1xf32>
    %add3A_549 = arith.addf %add3A_545, %mul3A_548 : vector<768x1xf32>
    %mul3A_550 = arith.mulf %add3A_549, %get3A_19 : vector<768x1xf32>
    %slice3A_551 = vector.extract_strided_slice %add3A_470 {offsets = [0, 9], sizes = [768, 1], strides = [1, 1]} : vector<768x32xf32> to vector<768x1xf32>
    %mul3A_552 = arith.constant 0.282094806 : f32
    %mul3A_553 = vector.broadcast %mul3A_552 : f32 to vector<768x1xf32>
    %mul3A_554 = arith.mulf %slice3A_551, %mul3A_553 : vector<768x1xf32>
    %slice3A_555 = vector.extract_strided_slice %add3A_470 {offsets = [0, 10], sizes = [768, 1], strides = [1, 1]} : vector<768x32xf32> to vector<768x1xf32>
    %mul3A_556 = vector.broadcast %mul3A_486 : f32 to vector<768x1xf32>
    %mul3A_557 = arith.mulf %slice3A_555, %mul3A_556 : vector<768x1xf32>
    %add3A_558 = arith.addf %mul3A_554, %mul3A_557 : vector<768x1xf32>
    %slice3A_559 = vector.extract_strided_slice %add3A_470 {offsets = [0, 11], sizes = [768, 1], strides = [1, 1]} : vector<768x32xf32> to vector<768x1xf32>
    %mul3A_560 = vector.broadcast %mul3A_488 : f32 to vector<768x1xf32>
    %mul3A_561 = arith.mulf %slice3A_559, %mul3A_560 : vector<768x1xf32>
    %add3A_562 = arith.addf %add3A_558, %mul3A_561 : vector<768x1xf32>
    %slice3A_563 = vector.extract_strided_slice %add3A_470 {offsets = [0, 12], sizes = [768, 1], strides = [1, 1]} : vector<768x32xf32> to vector<768x1xf32>
    %mul3A_564 = vector.broadcast %mul3A_490 : f32 to vector<768x1xf32>
    %mul3A_565 = arith.mulf %slice3A_563, %mul3A_564 : vector<768x1xf32>
    %add3A_566 = arith.addf %add3A_562, %mul3A_565 : vector<768x1xf32>
    %slice3A_567 = vector.extract_strided_slice %add3A_470 {offsets = [0, 13], sizes = [768, 1], strides = [1, 1]} : vector<768x32xf32> to vector<768x1xf32>
    %mul3A_568 = vector.broadcast %mul3A_493 : f32 to vector<768x1xf32>
    %mul3A_569 = arith.mulf %slice3A_567, %mul3A_568 : vector<768x1xf32>
    %add3A_570 = arith.addf %add3A_566, %mul3A_569 : vector<768x1xf32>
    %slice3A_571 = vector.extract_strided_slice %add3A_470 {offsets = [0, 14], sizes = [768, 1], strides = [1, 1]} : vector<768x32xf32> to vector<768x1xf32>
    %mul3A_572 = vector.broadcast %mul3A_496 : f32 to vector<768x1xf32>
    %mul3A_573 = arith.mulf %slice3A_571, %mul3A_572 : vector<768x1xf32>
    %add3A_574 = arith.addf %add3A_570, %mul3A_573 : vector<768x1xf32>
    %slice3A_575 = vector.extract_strided_slice %add3A_470 {offsets = [0, 15], sizes = [768, 1], strides = [1, 1]} : vector<768x32xf32> to vector<768x1xf32>
    %mul3A_576 = vector.broadcast %mul3A_505 : f32 to vector<768x1xf32>
    %mul3A_577 = arith.mulf %slice3A_575, %mul3A_576 : vector<768x1xf32>
    %add3A_578 = arith.addf %add3A_574, %mul3A_577 : vector<768x1xf32>
    %slice3A_579 = vector.extract_strided_slice %add3A_470 {offsets = [0, 16], sizes = [768, 1], strides = [1, 1]} : vector<768x32xf32> to vector<768x1xf32>
    %mul3A_580 = vector.broadcast %mul3A_508 : f32 to vector<768x1xf32>
    %mul3A_581 = arith.mulf %slice3A_579, %mul3A_580 : vector<768x1xf32>
    %add3A_582 = arith.addf %add3A_578, %mul3A_581 : vector<768x1xf32>
    %slice3A_583 = vector.extract_strided_slice %add3A_470 {offsets = [0, 17], sizes = [768, 1], strides = [1, 1]} : vector<768x32xf32> to vector<768x1xf32>
    %mul3A_584 = vector.broadcast %mul3A_513 : f32 to vector<768x1xf32>
    %mul3A_585 = arith.mulf %slice3A_583, %mul3A_584 : vector<768x1xf32>
    %add3A_586 = arith.addf %add3A_582, %mul3A_585 : vector<768x1xf32>
    %mul3A_587 = arith.mulf %add3A_586, %get3A_19 : vector<768x1xf32>
    %slice3A_588 = vector.extract_strided_slice %add3A_470 {offsets = [0, 18], sizes = [768, 1], strides = [1, 1]} : vector<768x32xf32> to vector<768x1xf32>
    %mul3A_589 = arith.constant 0.282094806 : f32
    %mul3A_590 = vector.broadcast %mul3A_589 : f32 to vector<768x1xf32>
    %mul3A_591 = arith.mulf %slice3A_588, %mul3A_590 : vector<768x1xf32>
    %slice3A_592 = vector.extract_strided_slice %add3A_470 {offsets = [0, 19], sizes = [768, 1], strides = [1, 1]} : vector<768x32xf32> to vector<768x1xf32>
    %mul3A_593 = vector.broadcast %mul3A_486 : f32 to vector<768x1xf32>
    %mul3A_594 = arith.mulf %slice3A_592, %mul3A_593 : vector<768x1xf32>
    %add3A_595 = arith.addf %mul3A_591, %mul3A_594 : vector<768x1xf32>
    %slice3A_596 = vector.extract_strided_slice %add3A_470 {offsets = [0, 20], sizes = [768, 1], strides = [1, 1]} : vector<768x32xf32> to vector<768x1xf32>
    %mul3A_597 = vector.broadcast %mul3A_488 : f32 to vector<768x1xf32>
    %mul3A_598 = arith.mulf %slice3A_596, %mul3A_597 : vector<768x1xf32>
    %add3A_599 = arith.addf %add3A_595, %mul3A_598 : vector<768x1xf32>
    %slice3A_600 = vector.extract_strided_slice %add3A_470 {offsets = [0, 21], sizes = [768, 1], strides = [1, 1]} : vector<768x32xf32> to vector<768x1xf32>
    %mul3A_601 = vector.broadcast %mul3A_490 : f32 to vector<768x1xf32>
    %mul3A_602 = arith.mulf %slice3A_600, %mul3A_601 : vector<768x1xf32>
    %add3A_603 = arith.addf %add3A_599, %mul3A_602 : vector<768x1xf32>
    %slice3A_604 = vector.extract_strided_slice %add3A_470 {offsets = [0, 22], sizes = [768, 1], strides = [1, 1]} : vector<768x32xf32> to vector<768x1xf32>
    %mul3A_605 = vector.broadcast %mul3A_493 : f32 to vector<768x1xf32>
    %mul3A_606 = arith.mulf %slice3A_604, %mul3A_605 : vector<768x1xf32>
    %add3A_607 = arith.addf %add3A_603, %mul3A_606 : vector<768x1xf32>
    %slice3A_608 = vector.extract_strided_slice %add3A_470 {offsets = [0, 23], sizes = [768, 1], strides = [1, 1]} : vector<768x32xf32> to vector<768x1xf32>
    %mul3A_609 = vector.broadcast %mul3A_496 : f32 to vector<768x1xf32>
    %mul3A_610 = arith.mulf %slice3A_608, %mul3A_609 : vector<768x1xf32>
    %add3A_611 = arith.addf %add3A_607, %mul3A_610 : vector<768x1xf32>
    %slice3A_612 = vector.extract_strided_slice %add3A_470 {offsets = [0, 24], sizes = [768, 1], strides = [1, 1]} : vector<768x32xf32> to vector<768x1xf32>
    %mul3A_613 = vector.broadcast %mul3A_505 : f32 to vector<768x1xf32>
    %mul3A_614 = arith.mulf %slice3A_612, %mul3A_613 : vector<768x1xf32>
    %add3A_615 = arith.addf %add3A_611, %mul3A_614 : vector<768x1xf32>
    %slice3A_616 = vector.extract_strided_slice %add3A_470 {offsets = [0, 25], sizes = [768, 1], strides = [1, 1]} : vector<768x32xf32> to vector<768x1xf32>
    %mul3A_617 = vector.broadcast %mul3A_508 : f32 to vector<768x1xf32>
    %mul3A_618 = arith.mulf %slice3A_616, %mul3A_617 : vector<768x1xf32>
    %add3A_619 = arith.addf %add3A_615, %mul3A_618 : vector<768x1xf32>
    %slice3A_620 = vector.extract_strided_slice %add3A_470 {offsets = [0, 26], sizes = [768, 1], strides = [1, 1]} : vector<768x32xf32> to vector<768x1xf32>
    %mul3A_621 = vector.broadcast %mul3A_513 : f32 to vector<768x1xf32>
    %mul3A_622 = arith.mulf %slice3A_620, %mul3A_621 : vector<768x1xf32>
    %add3A_623 = arith.addf %add3A_619, %mul3A_622 : vector<768x1xf32>
    %mul3A_624 = arith.mulf %add3A_623, %get3A_19 : vector<768x1xf32>
    %concatenate3A = tpu.concatenate %mul3A_550, %mul3A_587, %mul3A_624, %mul3A_475 in 1 : vector<768x1xf32>, vector<768x1xf32>, vector<768x1xf32>, vector<768x1xf32> -> vector<768x4xf32>
    %swap3A = arith.constant 0 : index
    %swap3A_625 = arith.constant 0 : index
    %swap3A_626 = vector.load %arg5[%swap3A, %swap3A_625] : memref<768x4xf32, #tpu.memory_space<vmem>>, vector<768x4xf32>
    tpu.vector_store %arg5[%swap3A, %swap3A_625], %concatenate3A {strides = array<i32>} : memref<768x4xf32, #tpu.memory_space<vmem>>, vector<768x4xf32>,
    return
  }
  func.func @transform_0(%arg0: i32) -> (i32, i32) {
    %c0_i32 = arith.constant 0 : i32
    %c0_i32_0 = arith.constant 0 : i32
    return %arg0, %c0_i32 : i32, i32
  }
  func.func @transform_1(%arg0: i32) -> (i32, i32) {
    %c0_i32 = arith.constant 0 : i32
    %c0_i32_0 = arith.constant 0 : i32
    return %arg0, %c0_i32 : i32, i32
  }
  func.func @transform_2(%arg0: i32) -> (i32, i32) {
    %c0_i32 = arith.constant 0 : i32
    %c0_i32_0 = arith.constant 0 : i32
    %c0_i32_1 = arith.constant 0 : i32
    return %c0_i32, %c0_i32_0 : i32, i32
  }
  func.func @transform_3(%arg0: i32) -> (i32, i32) {
    %c0_i32 = arith.constant 0 : i32
    %c0_i32_0 = arith.constant 0 : i32
    %c0_i32_1 = arith.constant 0 : i32
    return %c0_i32, %c0_i32_0 : i32, i32
  }
  func.func @transform_4(%arg0: i32) -> (i32, i32) {
    %c0_i32 = arith.constant 0 : i32
    %c0_i32_0 = arith.constant 0 : i32
    return %arg0, %c0_i32 : i32, i32
  }
}

module attributes {stable_mosaic.version = 14 : i64} {
  func.func @_comp_body(%arg0: memref<64x3xf32, #tpu.memory_space<vmem>>, %arg1: memref<64x3xf32, #tpu.memory_space<vmem>>, %arg2: memref<64x768xf32, #tpu.memory_space<vmem>>, %arg3: memref<64x768xf32, #tpu.memory_space<vmem>>, %arg4: memref<64x768xf32, #tpu.memory_space<vmem>>, %arg5: memref<64x768xf32, #tpu.memory_space<vmem>>, %arg6: memref<64x3xf32, #tpu.memory_space<vmem>>, %arg7: memref<64x768xf32, #tpu.memory_space<vmem>>, %arg8: memref<64x1xf32, #tpu.memory_space<vmem>>) attributes {dimension_semantics = [], scalar_prefetch = 0 : i64, scratch_operands = 0 : i64, tpu.core_type = #tpu.core_type<tc>} {
    %get3A = arith.constant 0 : index
    %get3A_0 = arith.constant 0 : index
    %get3A_1 = vector.load %arg0[%get3A, %get3A_0] : memref<64x3xf32, #tpu.memory_space<vmem>>, vector<64x3xf32>
    %get3A_2 = arith.constant 0 : index
    %get3A_3 = arith.constant 0 : index
    %get3A_4 = vector.load %arg1[%get3A_2, %get3A_3] : memref<64x3xf32, #tpu.memory_space<vmem>>, vector<64x3xf32>
    %sub3A = arith.constant 1.300000e+00 : f32
    %sub3A_5 = vector.broadcast %sub3A : f32 to vector<64x3xf32>
    %sub3A_6 = arith.subf %sub3A_5, %get3A_1 : vector<64x3xf32>
    %div3A = arith.divf %sub3A_6, %get3A_4 : vector<64x3xf32>
    %sub3A_7 = arith.constant -1.300000e+00 : f32
    %sub3A_8 = vector.broadcast %sub3A_7 : f32 to vector<64x3xf32>
    %sub3A_9 = arith.subf %sub3A_8, %get3A_1 : vector<64x3xf32>
    %div3A_10 = arith.divf %sub3A_9, %get3A_4 : vector<64x3xf32>
    %min3A = arith.minimumf %div3A, %div3A_10 : vector<64x3xf32>
    %reduce_max3A = arith.constant dense<0xFF800000> : vector<64xf32>
    %reduce_max3A_11 = vector.multi_reduction <maximumf>, %min3A, %reduce_max3A [1] : vector<64x3xf32> to vector<64xf32>
    %broadcast_in_dim3A = vector.shape_cast %reduce_max3A_11 : vector<64xf32> to vector<64x1xf32>
    %mul3A = arith.mulf %get3A_4, %get3A_4 : vector<64x3xf32>
    %reduce_sum3A = arith.constant dense<0.000000e+00> : vector<64xf32>
    %reduce_sum3A_12 = vector.multi_reduction <add>, %mul3A, %reduce_sum3A [1] : vector<64x3xf32> to vector<64xf32>
    %broadcast_in_dim3A_13 = vector.shape_cast %reduce_sum3A_12 : vector<64xf32> to vector<64x1xf32>
    %sqrt3A = math.sqrt %broadcast_in_dim3A_13 : vector<64x1xf32>
    %mul3A_14 = arith.constant 0.0101562496 : f32
    %mul3A_15 = vector.broadcast %mul3A_14 : f32 to vector<64x1xf32>
    %mul3A_16 = arith.mulf %mul3A_15, %sqrt3A : vector<64x1xf32>
    %iota3A = tpu.iota {dimensions = array<i32: 1>} : vector<64x768xi32>
    %convert_element_type3A = arith.sitofp %iota3A : vector<64x768xi32> to vector<64x768xf32>
    %mul3A_17 = arith.constant 0.0101562496 : f32
    %mul3A_18 = vector.broadcast %mul3A_17 : f32 to vector<64x768xf32>
    %mul3A_19 = arith.mulf %convert_element_type3A, %mul3A_18 : vector<64x768xf32>
    %add3A = vector.broadcast %broadcast_in_dim3A : vector<64x1xf32> to vector<64x768xf32>
    %add3A_20 = arith.addf %add3A, %mul3A_19 : vector<64x768xf32>
    %get3A_21 = arith.constant 0 : index
    %get3A_22 = arith.constant 0 : index
    %get3A_23 = vector.load %arg2[%get3A_21, %get3A_22] : memref<64x768xf32, #tpu.memory_space<vmem>>, vector<64x768xf32>
    %neg3A = arith.constant 0.000000e+00 : f32
    %neg3A_24 = vector.broadcast %neg3A : f32 to vector<64x768xf32>
    %neg3A_25 = arith.subf %neg3A_24, %get3A_23 : vector<64x768xf32>
    %mul3A_26 = vector.broadcast %mul3A_16 : vector<64x1xf32> to vector<64x768xf32>
    %mul3A_27 = arith.mulf %neg3A_25, %mul3A_26 : vector<64x768xf32>
    %exp3A = math.exp %mul3A_27 : vector<64x768xf32>
    %sub3A_28 = arith.constant 1.000000e+00 : f32
    %sub3A_29 = vector.broadcast %sub3A_28 : f32 to vector<64x768xf32>
    %sub3A_30 = arith.subf %sub3A_29, %exp3A : vector<64x768xf32>
    %add3A_31 = arith.constant 1.000000e-10 : f32
    %add3A_32 = vector.broadcast %add3A_31 : f32 to vector<64x768xf32>
    %add3A_33 = arith.addf %exp3A, %add3A_32 : vector<64x768xf32>
    %log3A = math.log %add3A_33 : vector<64x768xf32>
    %iota3A_34 = tpu.iota {dimensions = array<i32: 0>} : vector<768x768xi32>
    %iota3A_35 = tpu.iota {dimensions = array<i32: 1>} : vector<768x768xi32>
    %lt3A = arith.cmpi slt, %iota3A_34, %iota3A_35 : vector<768x768xi32>
    %convert_element_type3A_36 = arith.extui %lt3A : vector<768x768xi1> to vector<768x768xi32>
    %convert_element_type3A_37 = arith.sitofp %convert_element_type3A_36 : vector<768x768xi32> to vector<768x768xf32>
    %dot_general3A = arith.constant dense<0.000000e+00> : vector<64x768xf32>
    %dot_general3A_38 = tpu.matmul %log3A, %convert_element_type3A_37, %dot_general3A {dimension_numbers = #tpu.dot_dimension_numbers<[1], [0], [0], [1], [0, 0, 1, 1], [], []>, transpose_lhs_hint = false} : vector<64x768xf32>, vector<768x768xf32>, vector<64x768xf32> -> vector<64x768xf32>
    %exp3A_39 = math.exp %dot_general3A_38 : vector<64x768xf32>
    %mul3A_40 = arith.mulf %sub3A_30, %exp3A_39 : vector<64x768xf32>
    %reduce_sum3A_41 = arith.constant dense<0.000000e+00> : vector<64xf32>
    %reduce_sum3A_42 = vector.multi_reduction <add>, %mul3A_40, %reduce_sum3A_41 [1] : vector<64x768xf32> to vector<64xf32>
    %broadcast_in_dim3A_43 = vector.shape_cast %reduce_sum3A_42 : vector<64xf32> to vector<64x1xf32>
    %sub3A_44 = arith.constant 1.000000e+00 : f32
    %sub3A_45 = vector.broadcast %sub3A_44 : f32 to vector<64x1xf32>
    %sub3A_46 = arith.subf %sub3A_45, %broadcast_in_dim3A_43 : vector<64x1xf32>
    %get3A_47 = arith.constant 0 : index
    %get3A_48 = arith.constant 0 : index
    %get3A_49 = vector.load %arg3[%get3A_47, %get3A_48] : memref<64x768xf32, #tpu.memory_space<vmem>>, vector<64x768xf32>
    %neg3A_50 = arith.constant 0.000000e+00 : f32
    %neg3A_51 = vector.broadcast %neg3A_50 : f32 to vector<64x768xf32>
    %neg3A_52 = arith.subf %neg3A_51, %get3A_49 : vector<64x768xf32>
    %exp3A_53 = math.exp %neg3A_52 : vector<64x768xf32>
    %add3A_54 = arith.constant 1.000000e+00 : f32
    %add3A_55 = vector.broadcast %add3A_54 : f32 to vector<64x768xf32>
    %add3A_56 = arith.addf %add3A_55, %exp3A_53 : vector<64x768xf32>
    %div3A_57 = arith.constant 1.000000e+00 : f32
    %div3A_58 = vector.broadcast %div3A_57 : f32 to vector<64x768xf32>
    %div3A_59 = arith.divf %div3A_58, %add3A_56 : vector<64x768xf32>
    %mul3A_60 = arith.mulf %mul3A_40, %div3A_59 : vector<64x768xf32>
    %reduce_sum3A_61 = arith.constant dense<0.000000e+00> : vector<64xf32>
    %reduce_sum3A_62 = vector.multi_reduction <add>, %mul3A_60, %reduce_sum3A_61 [1] : vector<64x768xf32> to vector<64xf32>
    %broadcast_in_dim3A_63 = vector.shape_cast %reduce_sum3A_62 : vector<64xf32> to vector<64x1xf32>
    %add3A_64 = arith.addf %broadcast_in_dim3A_63, %sub3A_46 : vector<64x1xf32>
    %get3A_65 = arith.constant 0 : index
    %get3A_66 = arith.constant 0 : index
    %get3A_67 = vector.load %arg4[%get3A_65, %get3A_66] : memref<64x768xf32, #tpu.memory_space<vmem>>, vector<64x768xf32>
    %neg3A_68 = arith.constant 0.000000e+00 : f32
    %neg3A_69 = vector.broadcast %neg3A_68 : f32 to vector<64x768xf32>
    %neg3A_70 = arith.subf %neg3A_69, %get3A_67 : vector<64x768xf32>
    %exp3A_71 = math.exp %neg3A_70 : vector<64x768xf32>
    %add3A_72 = arith.constant 1.000000e+00 : f32
    %add3A_73 = vector.broadcast %add3A_72 : f32 to vector<64x768xf32>
    %add3A_74 = arith.addf %add3A_73, %exp3A_71 : vector<64x768xf32>
    %div3A_75 = arith.constant 1.000000e+00 : f32
    %div3A_76 = vector.broadcast %div3A_75 : f32 to vector<64x768xf32>
    %div3A_77 = arith.divf %div3A_76, %add3A_74 : vector<64x768xf32>
    %mul3A_78 = arith.mulf %mul3A_40, %div3A_77 : vector<64x768xf32>
    %reduce_sum3A_79 = arith.constant dense<0.000000e+00> : vector<64xf32>
    %reduce_sum3A_80 = vector.multi_reduction <add>, %mul3A_78, %reduce_sum3A_79 [1] : vector<64x768xf32> to vector<64xf32>
    %broadcast_in_dim3A_81 = vector.shape_cast %reduce_sum3A_80 : vector<64xf32> to vector<64x1xf32>
    %add3A_82 = arith.addf %broadcast_in_dim3A_81, %sub3A_46 : vector<64x1xf32>
    %get3A_83 = arith.constant 0 : index
    %get3A_84 = arith.constant 0 : index
    %get3A_85 = vector.load %arg5[%get3A_83, %get3A_84] : memref<64x768xf32, #tpu.memory_space<vmem>>, vector<64x768xf32>
    %neg3A_86 = arith.constant 0.000000e+00 : f32
    %neg3A_87 = vector.broadcast %neg3A_86 : f32 to vector<64x768xf32>
    %neg3A_88 = arith.subf %neg3A_87, %get3A_85 : vector<64x768xf32>
    %exp3A_89 = math.exp %neg3A_88 : vector<64x768xf32>
    %add3A_90 = arith.constant 1.000000e+00 : f32
    %add3A_91 = vector.broadcast %add3A_90 : f32 to vector<64x768xf32>
    %add3A_92 = arith.addf %add3A_91, %exp3A_89 : vector<64x768xf32>
    %div3A_93 = arith.constant 1.000000e+00 : f32
    %div3A_94 = vector.broadcast %div3A_93 : f32 to vector<64x768xf32>
    %div3A_95 = arith.divf %div3A_94, %add3A_92 : vector<64x768xf32>
    %mul3A_96 = arith.mulf %mul3A_40, %div3A_95 : vector<64x768xf32>
    %reduce_sum3A_97 = arith.constant dense<0.000000e+00> : vector<64xf32>
    %reduce_sum3A_98 = vector.multi_reduction <add>, %mul3A_96, %reduce_sum3A_97 [1] : vector<64x768xf32> to vector<64xf32>
    %broadcast_in_dim3A_99 = vector.shape_cast %reduce_sum3A_98 : vector<64xf32> to vector<64x1xf32>
    %add3A_100 = arith.addf %broadcast_in_dim3A_99, %sub3A_46 : vector<64x1xf32>
    %concatenate3A = tpu.concatenate %add3A_64, %add3A_82, %add3A_100 in 1 : vector<64x1xf32>, vector<64x1xf32>, vector<64x1xf32> -> vector<64x3xf32>
    %swap3A = arith.constant 0 : index
    %swap3A_101 = arith.constant 0 : index
    %swap3A_102 = vector.load %arg6[%swap3A, %swap3A_101] : memref<64x3xf32, #tpu.memory_space<vmem>>, vector<64x3xf32>
    tpu.vector_store %arg6[%swap3A, %swap3A_101], %concatenate3A {strides = array<i32>} : memref<64x3xf32, #tpu.memory_space<vmem>>, vector<64x3xf32>,
    %swap3A_103 = arith.constant 0 : index
    %swap3A_104 = arith.constant 0 : index
    %swap3A_105 = vector.load %arg7[%swap3A_103, %swap3A_104] : memref<64x768xf32, #tpu.memory_space<vmem>>, vector<64x768xf32>
    tpu.vector_store %arg7[%swap3A_103, %swap3A_104], %sub3A_30 {strides = array<i32>} : memref<64x768xf32, #tpu.memory_space<vmem>>, vector<64x768xf32>,
    %mul3A_106 = arith.mulf %mul3A_40, %add3A_20 : vector<64x768xf32>
    %reduce_sum3A_107 = arith.constant dense<0.000000e+00> : vector<64xf32>
    %reduce_sum3A_108 = vector.multi_reduction <add>, %mul3A_106, %reduce_sum3A_107 [1] : vector<64x768xf32> to vector<64xf32>
    %broadcast_in_dim3A_109 = vector.shape_cast %reduce_sum3A_108 : vector<64xf32> to vector<64x1xf32>
    %swap3A_110 = arith.constant 0 : index
    %swap3A_111 = arith.constant 0 : index
    %swap3A_112 = vector.load %arg8[%swap3A_110, %swap3A_111] : memref<64x1xf32, #tpu.memory_space<vmem>>, vector<64x1xf32>
    tpu.vector_store %arg8[%swap3A_110, %swap3A_111], %broadcast_in_dim3A_109 {strides = array<i32>} : memref<64x1xf32, #tpu.memory_space<vmem>>, vector<64x1xf32>,
    return
  }
}

</mosaic_0001>

<sc_bundles>
// kernel: kernel.6.cloned.1.call-start
scs
__scs_entry_jumppad:
0x0: {  	(pc) =	sbr.rel $0x88, $3  }
0x1: {  	(tag) =	ssettag $0x0;
	lr =	simm.s32 $0x1  }
0x2: {  	[smem:$0x3F9C] =	sst lr;
	_ =	strace $0xD0000000  }
0x3: {  	_ = 	snop  }
0x4: {  	_ = 	snop  }
0x5: {  	_ = 	snop  }
0x6: {  	_ = 	snop  }
0x7: {  	_ = 	snop  }
__scs_overlays_trampoline_lowered:
0x8: {  	[smem:$0x3FAB] =	sst s0  }
0x9: {  	[smem:$0x3FAC] =	sst s1  }
0xa: {  	[smem:$0x3FAD] =	sst s2  }
0xb: {  	[smem:$0x3FAE] =	sst s3  }
0xc: {  	[smem:$0x3FAF] =	sst s4  }
0xd: {  	[smem:$0x3FB0] =	sst s5  }
0xe: {  	[smem:$0x3FB1] =	sst s6  }
0xf: {  	[smem:$0x3FB2] =	sst s7  }
0x10: {  	[smem:$0x3FB3] =	sst s8  }
0x11: {  	[smem:$0x3FB4] =	sst s9;
	s0 =	simm.s32 @!p0 $0x0  }
0x12: {  	s1 =	sld [smem:$0x3F9A];
	s0 =	simm.s32 @p0 $0x1  }
0x13: {  	[smem:$0x3FB5] =	sst s0;
	s0 =	simm.s32 @!p1 $0x0  }
0x14: {  	s2 =	sld [smem:$0x3F99];
	s0 =	simm.s32 @p1 $0x1  }
0x15: {  	[smem:$0x3FB6] =	sst s0;
	s0 =	simm.s32 @!p2 $0x0  }
0x16: {  	s3 =	sld [smem:$0x3FDB];
	s0 =	simm.s32 @p2 $0x1  }
0x17: {  	s4 =	simm.s32 $0x1BF5;
	[smem:$0x3FB8] =	sst s0  }
0x18: {  	s0 =	sld [smem:$0x3F9B];
	_ =	swait.ge [sflag:s4], $0x0  }
0x19: {  	s7 =	sld [smem:$0x3F9C]  }
0x1a: {  	s8 =	sadd.s32 $0xFFFFE003, lr  }
0x1b: {  	s9 =	sadd.s32 $0xFFFFFEF7, lr;
	s5 =	simm.s32 $0xFFFFFFFF;
	p2 =	slt.u32 s8, $0xFFFFF086  }
0x1c: {  	p1 =	slt.u32 s9, $0xF7A;
	s5 =	simm.s32 @!p2 $0x0  }
0x1d: {  	s5 =	simm.s32 @p1 $0x1;
	p0 =	seq.s32 s7, s2  }
0x1e: {  	s7 =	smul.u32 @!p0 $0xF7A, s2;
	p2 =	seq.s32 @!p0 s5, $0x0  }
0x1f: {  	s9 =	smul.u32 $0xF7A, s1;
	s8 =	simm.s32 @!p0 $0x1BF5;
	p2 =	por !p2, p0  }
0x20: {  	[sflag:s8] =	ssyncset.s32 @!p0 $0xFFFFF086;
	s6 =	sadd.s32 @!p0 s3, s7;
	s7 =	simm.s32 @!p0 $0x108  }
0x21: {  	s3 =	sadd.s32 s3, s9;
	s6 =	sadd.s32 @!p0 $0x88, s6;
	s7 =	simm.s32 @p2 $0x1082  }
0x22: {  	[simem:s7], [sflag:s8] =	dma.local @!p0 [hbm:s6], $0xF7A  }
0x23: {  	s9 =	sor.u32 $0xD0000000, s2;
	s6 =	simm.s32 $0x108;
	_ =	swait.ge @!p0 [sflag:s8], $0x0  }
0x24: {  	s3 =	sadd.s32 $0x88, s3;
	s6 =	simm.s32 @!p1 $0x1082;
	[sflag:s4] =	ssyncset.s32 $0xFFFFF086  }
0x25: {  	[simem:s6], [sflag:s4] =	dma.local [hbm:s3], $0xF7A  }
0x26: {  	[smem:$0x3F9C] =	sst s1;
	(tag) =	ssettag s2;
	_ =	strace s9  }
0x27: {  	s1 =	sld [smem:$0x3FAC]  }
0x28: {  	s2 =	sld [smem:$0x3FAD]  }
0x29: {  	s4 =	sld [smem:$0x3FAF]  }
0x2a: {  	p0 =	seq.s32 s5, $0x0;
	s5 =	sld [smem:$0x3FB0]  }
0x2b: {  	s6 =	sld [smem:$0x3FB1]  }
0x2c: {  	s7 =	sld [smem:$0x3FB2]  }
0x2d: {  	s3 =	simm.s32 $0x108;
	s8 =	sld [smem:$0x3FB3]  }
0x2e: {  	s3 =	simm.s32 @!p0 $0x1082;
	s9 =	sld [smem:$0x3FB4]  }
0x2f: {  	lr =	sadd.s32 s0, s3;
	s0 =	sld [smem:$0x3FAB]  }
0x30: {  	s3 =	sld [smem:$0x3FAE]  }
0x31: {  	[smem:$0x3FB7] =	sst s10  }
0x32: {  	s10 =	sld [smem:$0x3FB5];
	_ =	sdelay $0x3  }
0x33: {  	p0 =	seq.s32 s10, $0x1;
	s10 =	sld [smem:$0x3FB7];
	_ =	sdelay $0x3  }
0x34: {  	[smem:$0x3FB7] =	sst s10  }
0x35: {  	s10 =	sld [smem:$0x3FB6];
	_ =	sdelay $0x3  }
0x36: {  	p1 =	seq.s32 s10, $0x1;
	s10 =	sld [smem:$0x3FB7];
	_ =	sdelay $0x3  }
0x37: {  	[smem:$0x3FB7] =	sst s10  }
0x38: {  	s10 =	sld [smem:$0x3FB8]  }
0x39: {  	_ = 	snop;
	(pc) =	sbr.ind lr, $3  }
0x3a: {  	_ = 	snop  }
0x3b: {  	_ = 	snop  }
0x3c: {  	p2 =	seq.s32 s10, $0x1;
	s10 =	sld [smem:$0x3FB7]  }
0x3d: {  	_ =	shalt  }
0x3e: {  	_ =	shalt  }
0x3f: {  	_ =	shalt  }
0x40: {  	_ =	shalt  }
0x41: {  	_ =	shalt  }
0x42: {  	_ =	shalt  }
0x43: {  	_ =	shalt  }
0x44: {  	_ =	shalt  }
0x45: {  	_ =	shalt  }
0x46: {  	_ =	shalt  }
0x47: {  	_ =	shalt  }
0x48: {  	_ =	shalt  }
0x49: {  	_ =	shalt  }
0x4a: {  	_ =	shalt  }
0x4b: {  	_ =	shalt  }
0x4c: {  	_ =	shalt  }
0x4d: {  	_ =	shalt  }
0x4e: {  	_ =	shalt  }
0x4f: {  	_ =	shalt  }
0x50: {  	_ =	shalt  }
0x51: {  	_ =	shalt  }
0x52: {  	_ =	shalt  }
0x53: {  	_ =	shalt  }
0x54: {  	_ =	shalt  }
0x55: {  	_ =	shalt  }
0x56: {  	_ =	shalt  }
0x57: {  	_ =	shalt  }
0x58: {  	_ =	shalt  }
0x59: {  	_ =	shalt  }
0x5a: {  	_ =	shalt  }
0x5b: {  	_ =	shalt  }
0x5c: {  	_ =	shalt  }
0x5d: {  	_ =	shalt  }
0x5e: {  	_ =	shalt  }
0x5f: {  	_ =	shalt  }
0x60: {  	_ =	shalt  }
0x61: {  	_ =	shalt  }
0x62: {  	_ =	shalt  }
0x63: {  	_ =	shalt  }
0x64: {  	_ =	shalt  }
0x65: {  	_ =	shalt  }
0x66: {  	_ =	shalt  }
0x67: {  	_ =	shalt  }
0x68: {  	_ =	shalt  }
0x69: {  	_ =	shalt  }
0x6a: {  	_ =	shalt  }
0x6b: {  	_ =	shalt  }
0x6c: {  	_ =	shalt  }
0x6d: {  	_ =	shalt  }
0x6e: {  	_ =	shalt  }
0x6f: {  	_ =	shalt  }
0x70: {  	_ =	shalt  }
0x71: {  	_ =	shalt  }
0x72: {  	_ =	shalt  }
0x73: {  	_ =	shalt  }
0x74: {  	_ =	shalt  }
0x75: {  	_ =	shalt  }
0x76: {  	_ =	shalt  }
0x77: {  	_ =	shalt  }
0x78: {  	_ =	shalt  }
0x79: {  	_ =	shalt  }
0x7a: {  	_ =	shalt  }
0x7b: {  	_ =	shalt  }
0x7c: {  	_ =	shalt  }
0x7d: {  	_ =	shalt  }
0x7e: {  	_ =	shalt  }
0x7f: {  	_ =	shalt  }
0x80: {  	_ =	shalt  }
0x81: {  	_ =	shalt  }
0x82: {  	_ =	shalt  }
0x83: {  	_ =	shalt  }
0x84: {  	_ =	shalt  }
0x85: {  	_ =	shalt  }
0x86: {  	_ =	shalt  }
0x87: {  	_ =	shalt  }
.Lfunc_end0:
.L_simem_size_0:
called_computation_lowered:
.L_overlay_start_0:
0x88: {  	s2 =	sld [smem:$0x3FD9]  }
0x89: {  	s3 =	sld [smem:$0x3FFE];
	_ =	sdelay $0x1  }
0x8a: {  	s1 =	srdreg.scid  }
0x8b: {  	s0 =	sand.u32 $0x1, s1  }
0x8c: {  	s16 =	sshll.u32 s0, $0xA;
	s2 =	sadd.s32 s3, s2  }
0x8d: {  	s2 =	sadd.s32 s2, s16  }
0x8e: {  	[smem:$0x3FC3] =	sst s2  }
0x8f: {  	_ = 	snop  }
0x90: {  	(tm) =	ssettm $0x1  }
0x91: {  	s17 =	sld [smem:$0x3FFB];
	_ =	sdelay $0x3  }
0x92: {  	_ =	strace s17  }
0x93: {  	s2 =	sld [smem:$0x3FFC];
	_ =	sdelay $0x3  }
0x94: {  	_ =	strace s2  }
0x95: {  	s2 =	sld [smem:$0x3FFD];
	_ =	sdelay $0x3  }
0x96: {  	_ =	strace s2  }
0x97: {  	_ =	strace $0x8FFFFFFF  }
0x98: {  	s18 =	sld [smem:$0x3FDB];
	_ =	sdelay $0x1  }
0x99: {  	s19 =	simm.s32 $_scs_section_size  }
0x9a: {  	s4 =	simm.s32 $_size__tile_overlayer_lowered;
	s5 =	simm.s32 $_tile_overlayer_lowered  }
0x9b: {  	s22 =	simm.s32 $0x1BFF;
	s21 =	sshll.u32 s5, $0x1;
	s2 =	sadd.s32 s19, s18  }
0x9c: {  	s6 =	simm.s32 $0x0;
	s20 =	sshll.u32 s4, $0x1;
	s4 =	sadd.s32 s21, s2  }
0x9d: {  	[timem:s6], [sflag:s22] =	dma.local [hbm:s4], s20  }
0x9e: {  	_ =	swait.ge [sflag:s22], s20  }
0x9f: {  	s3 =	ssub.s32 $0x0, s20;
	[sflag:s22] =	ssyncset.done $0x0  }
0xa0: {  	[sflag:s22] =	ssyncadd.s32 s3;
	_ =	sdelay $0x1  }
0xa1: {  	s23 =	simm.s32 $0x1B8B  }
0xa2: {  	_ =	swait.ge [sflag:s23], $0x1  }
0xa3: {  	[sflag:s23] =	ssyncset.done $0x0  }
0xa4: {  	s25 =	simm.s32 $0x1B8E;
	s24 =	sld [smem:$0x3FFE];
	[sflag:s23] =	ssyncadd.s32 $0xFFFFFFFF  }
0xa5: {  	s26 =	simm.s32 $execute0_lowered;
	[smem:$0x3FD2] =	sst s25  }
0xa6: {  	s4 =	sshll.u32 s26, $0x1;
	_ =	strace $0x80000046;
	[dreg:$0x1] =	wrdreg $0xFFFFFFFF  }
0xa7: {  	s28 =	simm.s32 $_size_execute0_lowered;
	s2 =	sadd.s32 s2, s4;
	[dreg:$0x0] =	wrdreg $0x0  }
0xa8: {  	s4 =	sshll.u32 s28, $0x1;
	[dreg:$0x2] =	wrdreg s2  }
0xa9: {  	[dreg:$0x3] =	wrdreg s4  }
0xaa: {  	[dreg:$0x4] =	wrdreg $0xC0  }
0xab: {  	_ =	task [dreg:s6], $0x5FFFF  }
0xac: {  	[dreg:$0x1] =	wrdreg $0xFFFFFFFF  }
0xad: {  	[dreg:$0x0] =	wrdreg $0x60  }
0xae: {  	[dreg:$0x2] =	wrdreg s24  }
0xaf: {  	[dreg:$0x3] =	wrdreg $0x0  }
0xb0: {  	[dreg:$0x4] =	wrdreg $0x9  }
0xb1: {  	_ =	task.clear_ibuf [dreg:s6], $0x5FFFF;
	_ =	strace $0x90000046  }
0xb2: {  	s29 =	simm.s32 $0x9;
	_ =	strace $0x80000048  }
0xb3: {  	_ =	swait.ge [sflag:s29], $0x1  }
0xb4: {  	[sflag:s29] =	ssyncadd.s32 $0xFFFFFFFF  }
0xb5: {  	_ =	strace $0x90000048  }
0xb6: {  	_ =	sfence  }
0xb7: {  	s30 =	sld [smem:$0x0];
	_ =	sdelay $0x2  }
0xb8: {  	s31 =	sshll.u32 s1, $0xD;
	s1 =	sshrl.u32 s1, $0x2  }
0xb9: {  	s3 =	sand.u32 $0x4000, s31;
	s1 =	sadd.s32 s1, s30  }
0xba: {  	s0 =	sor.u32 s3, s0;
	s1 =	sshll.u32 s1, $0x11  }
0xbb: {  	s0 =	sor.u32 s1, s0  }
0xbc: {  	s0 =	sadd.s32 $0x8F2B, s0  }
0xbd: {  	[sflag:s0] =	ssyncadd.remote.s32 $0x1  }
0xbe: {  	_ =	sfence.sel $0xFFFF  }
0xbf: {  	[dreg:$0x0] =	wrdreg $0xFFFFFFFF;
	(pc) =	sbr.abs _section_cstart, $3  }
0xc0: {  	[dreg:$0x1] =	wrdreg $0xFFFFFFFF  }
0xc1: {  	_ =	task.clear_ibuf [dreg:s6], $0x2FFFF;
	_ =	strace $0x9FFFFFFF  }
0xc2: {  	(tm) =	ssettm $0x7FFFFFFF  }
0xc3: {  	_ =	shalt  }
tec
execute0_lowered:
.L_overlay_start_1:
0x0: {  	(tag) =	ssettag $0x1  }
0x1: {  	s0 =	rddreg [dreg:$0x0]  }
0x2: {  	s2 =	rddreg [dreg:$0x1];
	s3 =	simm.s32 $0x0  }
0x3: {  	s22 =	simm.s32 $0x4080;
	[smem:$0x7FF] =	sst s3  }
0x4: {  	s23 =	simm.s32 $0x4100;
	_ =	strace $0x80000047;
	[dreg:$0x7] =	wrdreg s22  }
0x5: {  	s25 =	simm.s32 $0x4180;
	[dreg:$0x8] =	wrdreg s23  }
0x6: {  	s26 =	simm.s32 $0x4200;
	[dreg:$0x9] =	wrdreg s25  }
0x7: {  	s7 =	stileid.u32;
	s31 =	simm.s32 $0x4280;
	[dreg:$0xa] =	wrdreg s26  }
0x8: {  	s8 =	simm.s32 $0x4480;
	s11 =	simm.s32 $0x4500;
	[dreg:$0xb] =	wrdreg s31  }
0x9: {  	s17 =	sshll.u32 s7, $0x1;
	s6 =	sshll.u32 s7, $0x6;
	[dreg:$0xf] =	wrdreg s8  }
0xa: {  	s4 =	sshll.u32 s7, $0xB;
	s18 =	sor.u32 $0x1C0D, s6;
	[dreg:$0x10] =	wrdreg s11  }
0xb: {  	s7 =	sshll.u32 s7, $0xE;
	s6 =	simm.s32 $0x4380;
	[dreg:$0x4] =	wrdreg s18  }
0xc: {  	s19 =	sadd.s32 s7, s2;
	s7 =	simm.s32 $0x4400;
	[dreg:$0xd] =	wrdreg s6  }
0xd: {  	s4 =	sadd.s32 s4, s0;
	s8 =	simm.s32 $0x4580;
	[dreg:$0xe] =	wrdreg s7  }
0xe: {  	s1 =	srdreg.scid;
	s4 =	sadd.s32 $0x2C00, s4;
	[dreg:$0x11] =	wrdreg s8  }
0xf: {  	s24 =	sand.u32 $0x1, s1;
	s21 =	sshrl.u32 s19, $0x3;
	[dreg:$0x3] =	wrdreg s4  }
0x10: {  	s1 =	sor.u32 s24, s17;
	[dreg:$0x6] =	wrdreg s21  }
0x11: {  	s5 =	sshll.u32 s1, $0x8;
	s10 =	rddreg [dreg:$0x4]  }
0x12: {  	s5 =	sadd.s32 s5, s0;
	s9 =	rddreg [dreg:$0x6]  }
0x13: {  	s20 =	sadd.s32 $0xC00, s5;
	s12 =	rddreg [dreg:$0x3]  }
0x14: {  	s5 =	simm.s32 $0x4300;
	[dreg:$0x5] =	wrdreg s20  }
0x15: {  	s4 =	simm.s32 $0xD;
	[dreg:$0xc] =	wrdreg s5  }
0x16: {  	[spmem:s9], [sflag:s10] =	dma.local [hbm:s12], $0x800  }
0x17: {  	_ =	swait.ge [sflag:s4], $0x800  }
0x18: {  	[sflag:s4] =	ssyncset.done $0x0  }
0x19: {  	s14 =	simm.s32 $0x4000;
	s13 =	rddreg [dreg:$0x5];
	[sflag:s4] =	ssyncadd.s32 $0xFFFFF800  }
0x1a: {  	[tilespmem:s14], [sflag:$0xD] =	stream.linear.gather [hbm4b:s13+s3], $0x600, $0x38;
	[tilespmem:$0x1C800] =	vst v63  }
0x1b: {  	_ =	swait.ge [sflag:s4], $0x600  }
0x1c: {  	[sflag:s4] =	ssyncset.done $0x0  }
0x1d: {  	[sflag:s4] =	ssyncadd.s32 $0xFFFFFA00  }
0x1e: {  	s6 =	simm.s32 $0x80;
	s7 =	simm.s32 $0x4800;
	[bflag:$0x0] =	sbarrier.arrive $0xFFFF  }
0x1f: {  	[tilespmem:s7], [sflag:$0x1] =	stream.indirect.gather [spmem:s2], $0x80, s14, s6, $0xb8;
	[tilespmem:$0x1C800] =	vst v63  }
0x20: {  	s8 =	simm.s32 $0x8800;
	s15 =	rddreg [dreg:$0x7]  }
0x21: {  	[tilespmem:s8], [sflag:$0x2] =	stream.indirect.gather [spmem:s2], $0x80, s15, s6, $0xb8;
	[tilespmem:$0x1C800] =	vst v63  }
0x22: {  	s9 =	simm.s32 $0xC800;
	s10 =	rddreg [dreg:$0x8]  }
0x23: {  	[tilespmem:s9], [sflag:$0x3] =	stream.indirect.gather [spmem:s2], $0x80, s10, s6, $0xb8;
	[tilespmem:$0x1C800] =	vst v63  }
0x24: {  	s16 =	rddreg [dreg:$0x9];
	s10 =	simm.s32 $0x10800  }
0x25: {  	[tilespmem:s10], [sflag:$0x4] =	stream.indirect.gather [spmem:s2], $0x80, s16, s6, $0xb8;
	[tilespmem:$0x1C800] =	vst v63  }
0x26: {  	s11 =	simm.s32 $0x14800;
	s1 =	smul.u32 $0x6000, s1;
	s12 =	rddreg [dreg:$0xa]  }
0x27: {  	[tilespmem:s11], [sflag:$0x5] =	stream.indirect.gather [spmem:s2], $0x80, s12, s6, $0xb8;
	[tilespmem:$0x1C800] =	vst v63  }
0x28: {  	s13 =	simm.s32 $0x1;
	s17 =	rddreg [dreg:$0xb];
	s12 =	simm.s32 $0x18800  }
0x29: {  	[tilespmem:s12], [sflag:$0x6] =	stream.indirect.gather [spmem:s2], $0x80, s17, s6, $0xb8;
	[tilespmem:$0x1C800] =	vst v63  }
0x2a: {  	_ =	swait.ge [sflag:s13], $0x4000  }
0x2b: {  	s0 =	sadd.s32 s1, s0;
	[sflag:s13] =	ssyncset.done $0x0  }
0x2c: {  	s21 =	sadd.s32 $0xAC00, s0;
	s15 =	simm.s32 $0x7;
	[sflag:s13] =	ssyncadd.s32 $0xFFFFC000  }
0x2d: {  	[hbm4b:s21+s3] =	stream.linear.scatter [tilespmem:s7], [sflag:$0x7], $0x4000, $0x38;
	[tilespmem:$0x1C800] =	vst v63  }
0x2e: {  	_ =	swait.ge [sflag:s15], $0x4000  }
0x2f: {  	[sflag:s15] =	ssyncset.done $0x0  }
0x30: {  	s16 =	simm.s32 $0x2;
	s18 =	rddreg [dreg:$0xc];
	[sflag:s15] =	ssyncadd.s32 $0xFFFFC000  }
0x31: {  	[tilespmem:s7], [sflag:$0x1] =	stream.indirect.gather [spmem:s2], $0x80, s18, s6, $0xb8;
	[tilespmem:$0x1C800] =	vst v63  }
0x32: {  	_ =	swait.ge [sflag:s16], $0x4000  }
0x33: {  	s19 =	sadd.s32 $0x800, s21;
	[sflag:s16] =	ssyncset.done $0x0  }
0x34: {  	s17 =	simm.s32 $0x8;
	[dreg:$0x12] =	wrdreg s19;
	[sflag:s16] =	ssyncadd.s32 $0xFFFFC000  }
0x35: {  	[hbm4b:s19+s3] =	stream.linear.scatter [tilespmem:s8], [sflag:$0x8], $0x4000, $0x38;
	[tilespmem:$0x1C800] =	vst v63  }
0x36: {  	_ =	swait.ge [sflag:s17], $0x4000  }
0x37: {  	[sflag:s17] =	ssyncset.done $0x0  }
0x38: {  	s19 =	simm.s32 $0x3;
	s20 =	rddreg [dreg:$0xd];
	[sflag:s17] =	ssyncadd.s32 $0xFFFFC000  }
0x39: {  	[tilespmem:s8], [sflag:$0x2] =	stream.indirect.gather [spmem:s2], $0x80, s20, s6, $0xb8;
	[tilespmem:$0x1C800] =	vst v63  }
0x3a: {  	_ =	swait.ge [sflag:s19], $0x4000  }
0x3b: {  	s22 =	sadd.s32 $0x1000, s21;
	[sflag:s19] =	ssyncset.done $0x0  }
0x3c: {  	s20 =	simm.s32 $0x9;
	[dreg:$0x13] =	wrdreg s22;
	[sflag:s19] =	ssyncadd.s32 $0xFFFFC000  }
0x3d: {  	[hbm4b:s22+s3] =	stream.linear.scatter [tilespmem:s9], [sflag:$0x9], $0x4000, $0x38;
	[tilespmem:$0x1C800] =	vst v63  }
0x3e: {  	_ =	swait.ge [sflag:s20], $0x4000  }
0x3f: {  	[sflag:s20] =	ssyncset.done $0x0  }
0x40: {  	s22 =	simm.s32 $0x4;
	s23 =	rddreg [dreg:$0xe];
	[sflag:s20] =	ssyncadd.s32 $0xFFFFC000  }
0x41: {  	[tilespmem:s9], [sflag:$0x3] =	stream.indirect.gather [spmem:s2], $0x80, s23, s6, $0xb8;
	[tilespmem:$0x1C800] =	vst v63  }
0x42: {  	_ =	swait.ge [sflag:s22], $0x4000  }
0x43: {  	s25 =	sadd.s32 $0x1800, s21;
	[sflag:s22] =	ssyncset.done $0x0  }
0x44: {  	s23 =	simm.s32 $0xA;
	[dreg:$0x14] =	wrdreg s25;
	[sflag:s22] =	ssyncadd.s32 $0xFFFFC000  }
0x45: {  	[hbm4b:s25+s3] =	stream.linear.scatter [tilespmem:s10], [sflag:$0xA], $0x4000, $0x38;
	[tilespmem:$0x1C800] =	vst v63  }
0x46: {  	_ =	swait.ge [sflag:s23], $0x4000  }
0x47: {  	[sflag:s23] =	ssyncset.done $0x0  }
0x48: {  	s25 =	simm.s32 $0x5;
	s26 =	rddreg [dreg:$0xf];
	[sflag:s23] =	ssyncadd.s32 $0xFFFFC000  }
0x49: {  	[tilespmem:s10], [sflag:$0x4] =	stream.indirect.gather [spmem:s2], $0x80, s26, s6, $0xb8;
	[tilespmem:$0x1C800] =	vst v63  }
0x4a: {  	_ =	swait.ge [sflag:s25], $0x4000  }
0x4b: {  	s31 =	sadd.s32 $0x2000, s21;
	[sflag:s25] =	ssyncset.done $0x0  }
0x4c: {  	s28 =	simm.s32 $0xB;
	[dreg:$0x15] =	wrdreg s31;
	[sflag:s25] =	ssyncadd.s32 $0xFFFFC000  }
0x4d: {  	[hbm4b:s31+s3] =	stream.linear.scatter [tilespmem:s11], [sflag:$0xB], $0x4000, $0x38;
	[tilespmem:$0x1C800] =	vst v63  }
0x4e: {  	_ =	swait.ge [sflag:s28], $0x4000  }
0x4f: {  	[sflag:s28] =	ssyncset.done $0x0  }
0x50: {  	s29 =	simm.s32 $0x6;
	s1 =	rddreg [dreg:$0x10];
	[sflag:s28] =	ssyncadd.s32 $0xFFFFC000  }
0x51: {  	[tilespmem:s11], [sflag:$0x5] =	stream.indirect.gather [spmem:s2], $0x80, s1, s6, $0xb8;
	[tilespmem:$0x1C800] =	vst v63  }
0x52: {  	_ =	swait.ge [sflag:s29], $0x4000  }
0x53: {  	s5 =	sadd.s32 $0x2800, s21;
	[sflag:s29] =	ssyncset.done $0x0  }
0x54: {  	s30 =	simm.s32 $0xC;
	[dreg:$0x16] =	wrdreg s5;
	[sflag:s29] =	ssyncadd.s32 $0xFFFFC000  }
0x55: {  	[hbm4b:s5+s3] =	stream.linear.scatter [tilespmem:s12], [sflag:$0xC], $0x4000, $0x38;
	[tilespmem:$0x1C800] =	vst v63  }
0x56: {  	_ =	swait.ge [sflag:s30], $0x4000  }
0x57: {  	[sflag:s30] =	ssyncset.done $0x0  }
0x58: {  	s14 =	rddreg [dreg:$0x11];
	[sflag:s30] =	ssyncadd.s32 $0xFFFFC000  }
0x59: {  	[tilespmem:s12], [sflag:$0x6] =	stream.indirect.gather [spmem:s2], $0x80, s14, s6, $0xb8;
	[tilespmem:$0x1C800] =	vst v63  }
0x5a: {  	_ =	swait.ge [sflag:s13], $0x4000  }
0x5b: {  	s18 =	sadd.s32 $0x3000, s21;
	[sflag:s13] =	ssyncset.done $0x0  }
0x5c: {  	[dreg:$0x17] =	wrdreg s18;
	[sflag:s13] =	ssyncadd.s32 $0xFFFFC000  }
0x5d: {  	[hbm4b:s18+s3] =	stream.linear.scatter [tilespmem:s7], [sflag:$0x7], $0x4000, $0x38;
	[tilespmem:$0x1C800] =	vst v63  }
0x5e: {  	_ =	swait.ge [sflag:s16], $0x4000  }
0x5f: {  	s26 =	sadd.s32 $0x3800, s21;
	[sflag:s16] =	ssyncset.done $0x0  }
0x60: {  	[dreg:$0x18] =	wrdreg s26;
	[sflag:s16] =	ssyncadd.s32 $0xFFFFC000  }
0x61: {  	[hbm4b:s26+s3] =	stream.linear.scatter [tilespmem:s8], [sflag:$0x8], $0x4000, $0x38;
	[tilespmem:$0x1C800] =	vst v63  }
0x62: {  	_ =	swait.ge [sflag:s19], $0x4000  }
0x63: {  	[sflag:s19] =	ssyncset.done $0x0  }
0x64: {  	s5 =	sadd.s32 $0x4000, s21;
	[sflag:s19] =	ssyncadd.s32 $0xFFFFC000  }
0x65: {  	[hbm4b:s5+s3] =	stream.linear.scatter [tilespmem:s9], [sflag:$0x9], $0x4000, $0x38;
	[tilespmem:$0x1C800] =	vst v63  }
0x66: {  	_ =	swait.ge [sflag:s22], $0x4000  }
0x67: {  	[sflag:s22] =	ssyncset.done $0x0  }
0x68: {  	s14 =	sadd.s32 $0x4800, s21;
	[sflag:s22] =	ssyncadd.s32 $0xFFFFC000  }
0x69: {  	[hbm4b:s14+s3] =	stream.linear.scatter [tilespmem:s10], [sflag:$0xA], $0x4000, $0x38;
	[tilespmem:$0x1C800] =	vst v63  }
0x6a: {  	_ =	swait.ge [sflag:s25], $0x4000  }
0x6b: {  	[sflag:s25] =	ssyncset.done $0x0  }
0x6c: {  	s18 =	sadd.s32 $0x5000, s21;
	[sflag:s25] =	ssyncadd.s32 $0xFFFFC000  }
0x6d: {  	[hbm4b:s18+s3] =	stream.linear.scatter [tilespmem:s11], [sflag:$0xB], $0x4000, $0x38;
	[tilespmem:$0x1C800] =	vst v63  }
0x6e: {  	_ =	swait.ge [sflag:s29], $0x4000  }
0x6f: {  	[sflag:s29] =	ssyncset.done $0x0  }
0x70: {  	s1 =	smov.u32 s21;
	s21 =	sadd.s32 $0x5800, s21;
	[sflag:s29] =	ssyncadd.s32 $0xFFFFC000  }
0x71: {  	[hbm4b:s21+s3] =	stream.linear.scatter [tilespmem:s12], [sflag:$0xC], $0x4000, $0x38;
	[tilespmem:$0x1C800] =	vst v63  }
0x72: {  	_ =	swait.ge [sflag:s15], $0x4000  }
0x73: {  	[sflag:s15] =	ssyncset.done $0x0  }
0x74: {  	[sflag:s15] =	ssyncadd.s32 $0xFFFFC000  }
0x75: {  	_ =	swait.ge [sflag:s17], $0x4000  }
0x76: {  	[sflag:s17] =	ssyncset.done $0x0  }
0x77: {  	s31 =	ssub.s32 $0x2, s24;
	[sflag:s17] =	ssyncadd.s32 $0xFFFFC000  }
0x78: {  	s24 =	sshrl.u32 s31, $0x1;
	_ =	swait.ge [sflag:s20], $0x4000  }
0x79: {  	s24 =	ssub.s32 s31, s24;
	[sflag:s20] =	ssyncset.done $0x0  }
0x7a: {  	s24 =	smax.u32 s24, $0x1;
	[sflag:s20] =	ssyncadd.s32 $0xFFFFC000  }
0x7b: {  	p0 =	sne.s32 s24, $0x1;
	_ =	swait.ge [sflag:s23], $0x4000  }
.Ltmp0:
0x7c: {  	[sflag:s23] =	ssyncset.done $0x0;
	(pc) =	sbr.rel @!p0 .LBB2_2-.Ltmp0, $4  }
0x7d: {  	[sflag:s23] =	ssyncadd.s32 $0xFFFFC000  }
0x7e: {  	_ =	swait.ge [sflag:s28], $0x4000  }
0x7f: {  	[sflag:s28] =	ssyncset.done $0x0  }
0x80: {  	s24 =	sadd.s32 $0xFFFFFFFF, s24;
	[sflag:s28] =	ssyncadd.s32 $0xFFFFC000  }
.LBB2_1:
0x81: {  	_ =	swait.ge [sflag:s30], $0x4000  }
0x82: {  	s26 =	rddreg [dreg:$0x6]  }
0x83: {  	[sflag:s30] =	ssyncset.done $0x0;
	s31 =	rddreg [dreg:$0x4]  }
0x84: {  	s0 =	rddreg [dreg:$0x3];
	[sflag:s30] =	ssyncadd.s32 $0xFFFFC000  }
0x85: {  	[spmem:s26], [sflag:s31] =	dma.local [hbm:s0], $0x800  }
0x86: {  	_ =	swait.ge [sflag:s4], $0x800  }
0x87: {  	[sflag:s4] =	ssyncset.done $0x0  }
0x88: {  	s26 =	simm.s32 $0x4000;
	s31 =	rddreg [dreg:$0x5];
	[sflag:s4] =	ssyncadd.s32 $0xFFFFF800  }
0x89: {  	[tilespmem:s26], [sflag:$0xD] =	stream.linear.gather [hbm4b:s31+s3], $0x600, $0x38;
	[tilespmem:$0x1C800] =	vst v63  }
0x8a: {  	_ =	swait.ge [sflag:s4], $0x600  }
0x8b: {  	[sflag:s4] =	ssyncset.done $0x0  }
0x8c: {  	[sflag:s4] =	ssyncadd.s32 $0xFFFFFA00  }
0x8d: {  	[bflag:$0x0] =	sbarrier.arrive $0xFFFF  }
0x8e: {  	[tilespmem:s7], [sflag:$0x1] =	stream.indirect.gather [spmem:s2], $0x80, s26, s6, $0xb8;
	[tilespmem:$0x1C800] =	vst v63  }
0x8f: {  	s31 =	rddreg [dreg:$0x7]  }
0x90: {  	[tilespmem:s8], [sflag:$0x2] =	stream.indirect.gather [spmem:s2], $0x80, s31, s6, $0xb8;
	[tilespmem:$0x1C800] =	vst v63  }
0x91: {  	s26 =	rddreg [dreg:$0x8]  }
0x92: {  	[tilespmem:s9], [sflag:$0x3] =	stream.indirect.gather [spmem:s2], $0x80, s26, s6, $0xb8;
	[tilespmem:$0x1C800] =	vst v63  }
0x93: {  	s31 =	rddreg [dreg:$0x9]  }
0x94: {  	[tilespmem:s10], [sflag:$0x4] =	stream.indirect.gather [spmem:s2], $0x80, s31, s6, $0xb8;
	[tilespmem:$0x1C800] =	vst v63  }
0x95: {  	s26 =	rddreg [dreg:$0xa]  }
0x96: {  	[tilespmem:s11], [sflag:$0x5] =	stream.indirect.gather [spmem:s2], $0x80, s26, s6, $0xb8;
	[tilespmem:$0x1C800] =	vst v63  }
0x97: {  	s31 =	rddreg [dreg:$0xb]  }
0x98: {  	[tilespmem:s12], [sflag:$0x6] =	stream.indirect.gather [spmem:s2], $0x80, s31, s6, $0xb8;
	[tilespmem:$0x1C800] =	vst v63  }
0x99: {  	_ =	swait.ge [sflag:s13], $0x4000  }
0x9a: {  	[sflag:s13] =	ssyncset.done $0x0  }
0x9b: {  	[sflag:s13] =	ssyncadd.s32 $0xFFFFC000  }
0x9c: {  	[hbm4b:s1+s3] =	stream.linear.scatter [tilespmem:s7], [sflag:$0x7], $0x4000, $0x38;
	[tilespmem:$0x1C800] =	vst v63  }
0x9d: {  	_ =	swait.ge [sflag:s15], $0x4000  }
0x9e: {  	[sflag:s15] =	ssyncset.done $0x0  }
0x9f: {  	s31 =	rddreg [dreg:$0xc];
	[sflag:s15] =	ssyncadd.s32 $0xFFFFC000  }
0xa0: {  	[tilespmem:s7], [sflag:$0x1] =	stream.indirect.gather [spmem:s2], $0x80, s31, s6, $0xb8;
	[tilespmem:$0x1C800] =	vst v63  }
0xa1: {  	_ =	swait.ge [sflag:s16], $0x4000  }
0xa2: {  	[sflag:s16] =	ssyncset.done $0x0  }
0xa3: {  	s26 =	rddreg [dreg:$0x12];
	[sflag:s16] =	ssyncadd.s32 $0xFFFFC000  }
0xa4: {  	[hbm4b:s26+s3] =	stream.linear.scatter [tilespmem:s8], [sflag:$0x8], $0x4000, $0x38;
	[tilespmem:$0x1C800] =	vst v63  }
0xa5: {  	_ =	swait.ge [sflag:s17], $0x4000  }
0xa6: {  	[sflag:s17] =	ssyncset.done $0x0  }
0xa7: {  	s31 =	rddreg [dreg:$0xd];
	[sflag:s17] =	ssyncadd.s32 $0xFFFFC000  }
0xa8: {  	[tilespmem:s8], [sflag:$0x2] =	stream.indirect.gather [spmem:s2], $0x80, s31, s6, $0xb8;
	[tilespmem:$0x1C800] =	vst v63  }
0xa9: {  	_ =	swait.ge [sflag:s19], $0x4000  }
0xaa: {  	[sflag:s19] =	ssyncset.done $0x0  }
0xab: {  	s26 =	rddreg [dreg:$0x13];
	[sflag:s19] =	ssyncadd.s32 $0xFFFFC000  }
0xac: {  	[hbm4b:s26+s3] =	stream.linear.scatter [tilespmem:s9], [sflag:$0x9], $0x4000, $0x38;
	[tilespmem:$0x1C800] =	vst v63  }
0xad: {  	_ =	swait.ge [sflag:s20], $0x4000  }
0xae: {  	[sflag:s20] =	ssyncset.done $0x0  }
0xaf: {  	s31 =	rddreg [dreg:$0xe];
	[sflag:s20] =	ssyncadd.s32 $0xFFFFC000  }
0xb0: {  	[tilespmem:s9], [sflag:$0x3] =	stream.indirect.gather [spmem:s2], $0x80, s31, s6, $0xb8;
	[tilespmem:$0x1C800] =	vst v63  }
0xb1: {  	_ =	swait.ge [sflag:s22], $0x4000  }
0xb2: {  	[sflag:s22] =	ssyncset.done $0x0  }
0xb3: {  	s26 =	rddreg [dreg:$0x14];
	[sflag:s22] =	ssyncadd.s32 $0xFFFFC000  }
0xb4: {  	[hbm4b:s26+s3] =	stream.linear.scatter [tilespmem:s10], [sflag:$0xA], $0x4000, $0x38;
	[tilespmem:$0x1C800] =	vst v63  }
0xb5: {  	_ =	swait.ge [sflag:s23], $0x4000  }
0xb6: {  	[sflag:s23] =	ssyncset.done $0x0  }
0xb7: {  	s31 =	rddreg [dreg:$0xf];
	[sflag:s23] =	ssyncadd.s32 $0xFFFFC000  }
0xb8: {  	[tilespmem:s10], [sflag:$0x4] =	stream.indirect.gather [spmem:s2], $0x80, s31, s6, $0xb8;
	[tilespmem:$0x1C800] =	vst v63  }
0xb9: {  	_ =	swait.ge [sflag:s25], $0x4000  }
0xba: {  	[sflag:s25] =	ssyncset.done $0x0  }
0xbb: {  	s26 =	rddreg [dreg:$0x15];
	[sflag:s25] =	ssyncadd.s32 $0xFFFFC000  }
0xbc: {  	[hbm4b:s26+s3] =	stream.linear.scatter [tilespmem:s11], [sflag:$0xB], $0x4000, $0x38;
	[tilespmem:$0x1C800] =	vst v63  }
0xbd: {  	_ =	swait.ge [sflag:s28], $0x4000  }
0xbe: {  	[sflag:s28] =	ssyncset.done $0x0  }
0xbf: {  	s31 =	rddreg [dreg:$0x10];
	[sflag:s28] =	ssyncadd.s32 $0xFFFFC000  }
0xc0: {  	[tilespmem:s11], [sflag:$0x5] =	stream.indirect.gather [spmem:s2], $0x80, s31, s6, $0xb8;
	[tilespmem:$0x1C800] =	vst v63  }
0xc1: {  	_ =	swait.ge [sflag:s29], $0x4000  }
0xc2: {  	[sflag:s29] =	ssyncset.done $0x0  }
0xc3: {  	s26 =	rddreg [dreg:$0x16];
	[sflag:s29] =	ssyncadd.s32 $0xFFFFC000  }
0xc4: {  	[hbm4b:s26+s3] =	stream.linear.scatter [tilespmem:s12], [sflag:$0xC], $0x4000, $0x38;
	[tilespmem:$0x1C800] =	vst v63  }
0xc5: {  	_ =	swait.ge [sflag:s30], $0x4000  }
0xc6: {  	[sflag:s30] =	ssyncset.done $0x0  }
0xc7: {  	s31 =	rddreg [dreg:$0x11];
	[sflag:s30] =	ssyncadd.s32 $0xFFFFC000  }
0xc8: {  	[tilespmem:s12], [sflag:$0x6] =	stream.indirect.gather [spmem:s2], $0x80, s31, s6, $0xb8;
	[tilespmem:$0x1C800] =	vst v63  }
0xc9: {  	_ =	swait.ge [sflag:s13], $0x4000  }
0xca: {  	[sflag:s13] =	ssyncset.done $0x0  }
0xcb: {  	s26 =	rddreg [dreg:$0x17];
	[sflag:s13] =	ssyncadd.s32 $0xFFFFC000  }
0xcc: {  	[hbm4b:s26+s3] =	stream.linear.scatter [tilespmem:s7], [sflag:$0x7], $0x4000, $0x38;
	[tilespmem:$0x1C800] =	vst v63  }
0xcd: {  	_ =	swait.ge [sflag:s16], $0x4000  }
0xce: {  	[sflag:s16] =	ssyncset.done $0x0  }
0xcf: {  	s31 =	rddreg [dreg:$0x18];
	[sflag:s16] =	ssyncadd.s32 $0xFFFFC000  }
0xd0: {  	[hbm4b:s31+s3] =	stream.linear.scatter [tilespmem:s8], [sflag:$0x8], $0x4000, $0x38;
	[tilespmem:$0x1C800] =	vst v63  }
0xd1: {  	_ =	swait.ge [sflag:s19], $0x4000  }
0xd2: {  	[sflag:s19] =	ssyncset.done $0x0  }
0xd3: {  	[sflag:s19] =	ssyncadd.s32 $0xFFFFC000  }
0xd4: {  	[hbm4b:s5+s3] =	stream.linear.scatter [tilespmem:s9], [sflag:$0x9], $0x4000, $0x38;
	[tilespmem:$0x1C800] =	vst v63  }
0xd5: {  	_ =	swait.ge [sflag:s22], $0x4000  }
0xd6: {  	[sflag:s22] =	ssyncset.done $0x0  }
0xd7: {  	[sflag:s22] =	ssyncadd.s32 $0xFFFFC000  }
0xd8: {  	[hbm4b:s14+s3] =	stream.linear.scatter [tilespmem:s10], [sflag:$0xA], $0x4000, $0x38;
	[tilespmem:$0x1C800] =	vst v63  }
0xd9: {  	_ =	swait.ge [sflag:s25], $0x4000  }
0xda: {  	[sflag:s25] =	ssyncset.done $0x0  }
0xdb: {  	[sflag:s25] =	ssyncadd.s32 $0xFFFFC000  }
0xdc: {  	[hbm4b:s18+s3] =	stream.linear.scatter [tilespmem:s11], [sflag:$0xB], $0x4000, $0x38;
	[tilespmem:$0x1C800] =	vst v63  }
0xdd: {  	_ =	swait.ge [sflag:s29], $0x4000  }
0xde: {  	[sflag:s29] =	ssyncset.done $0x0  }
0xdf: {  	[sflag:s29] =	ssyncadd.s32 $0xFFFFC000  }
0xe0: {  	[hbm4b:s21+s3] =	stream.linear.scatter [tilespmem:s12], [sflag:$0xC], $0x4000, $0x38;
	[tilespmem:$0x1C800] =	vst v63  }
0xe1: {  	_ =	swait.ge [sflag:s15], $0x4000  }
0xe2: {  	[sflag:s15] =	ssyncset.done $0x0  }
0xe3: {  	[sflag:s15] =	ssyncadd.s32 $0xFFFFC000  }
0xe4: {  	_ =	swait.ge [sflag:s17], $0x4000  }
0xe5: {  	[sflag:s17] =	ssyncset.done $0x0  }
0xe6: {  	[sflag:s17] =	ssyncadd.s32 $0xFFFFC000  }
0xe7: {  	_ =	swait.ge [sflag:s20], $0x4000  }
0xe8: {  	[sflag:s20] =	ssyncset.done $0x0  }
0xe9: {  	[sflag:s20] =	ssyncadd.s32 $0xFFFFC000  }
0xea: {  	p0 =	sne.s32 s24, $0x1;
	_ =	swait.ge [sflag:s23], $0x4000  }
.Ltmp1:
0xeb: {  	[sflag:s23] =	ssyncset.done $0x0;
	(pc) =	sbr.rel @p0 .LBB2_1-.Ltmp1, $4  }
0xec: {  	[sflag:s23] =	ssyncadd.s32 $0xFFFFC000  }
0xed: {  	_ =	swait.ge [sflag:s28], $0x4000  }
0xee: {  	[sflag:s28] =	ssyncset.done $0x0  }
0xef: {  	s24 =	sadd.s32 $0xFFFFFFFF, s24;
	[sflag:s28] =	ssyncadd.s32 $0xFFFFC000  }
.LBB2_2:
0xf0: {  	_ =	swait.ge [sflag:s30], $0x4000  }
0xf1: {  	[sflag:s30] =	ssyncset.done $0x0  }
0xf2: {  	[sflag:s30] =	ssyncadd.s32 $0xFFFFC000  }
0xf3: {  	_ =	sfence.sel $0x180000  }
0xf4: {  	[bflag:$0x0] =	sbarrier.arrive $0xFFFF  }
0xf5: {  	_ =	strace $0x90000047  }
0xf6: {  	s0 =	stileid.u32;
	[bflag:$0x2] =	sbarrier.arrive $0xFFFF  }
0xf7: {  	p0 =	sne.s32 s0, $0x0;
	s0 =	rddreg [dreg:$0x2]  }
0xf8: {  	s0 =	sadd.s32 @!p0 $0x100000, s0  }
0xf9: {  	[sflag:s0] =	ssyncadd.tile.s32 @!p0 $0x1;
	_ =	shalt  }
.Lfunc_end2:
_tile_overlayer_lowered:
.L_overlay_start_2:
0xfa: {  	(tag) =	ssettag $0x2  }
0xfb: {  	s0 =	rddreg [dreg:$0x0];
	s2 =	stileid.u32  }
0xfc: {  	s1 =	rddreg [dreg:$0x1];
	p0 =	sne.s32 s2, $0x0  }
0xfd: {  	s3 =	rddreg [dreg:$0x2];
	[bflag:$0x3] =	sbarrier.arrive $0xFFFF;
	s2 =	simm.s32 @!p0 $0x1C0D  }
0xfe: {  	[timem:s3], [sflag:s2] =	dma.local @!p0 [hbm:s0], s1  }
0xff: {  	s0 =	simm.s32 @!p0 $0xD  }
0x100: {  	_ =	swait.ge @!p0 [sflag:s0], s1  }
0x101: {  	s1 =	ssub.s32 @!p0 $0x0, s1;
	[sflag:s0] =	ssyncset.done @!p0 $0x0  }
0x102: {  	[sflag:s0] =	ssyncadd.s32 @!p0 s1  }
0x103: {  	[bflag:$0x3] =	sbarrier.arrive $0xFFFF  }
0x104: {  	_ =	shalt  }

</sc_bundles>
